<compile_context>
chip_gen: v7x
topology: tpu7x:2x2x1
jax: 0.10.2.dev20260603
libtpu: 0.0.44.dev20260713+nightly
codegen_flags: <defaults>
</compile_context>

<pallas_src>
import functools

import jax
import jax.numpy as jnp
from jax import lax
from jax.experimental import pallas as pl
from jax.experimental.pallas import tpu as pltpu
from jax.experimental.pallas import tpu_sc as plsc

_LANES = 16


@functools.lru_cache(maxsize=None)
def _make_embed_kernel(batch: int, seq: int, d_model: int):
    info = plsc.get_sparse_core_info()
    num_cores, num_subcores = info.num_cores, info.num_subcores
    nw = num_cores * num_subcores
    n_tokens = batch * seq
    assert seq % nw == 0
    pos_per_w = seq // nw
    per_w = batch * pos_per_w
    ch = 16
    assert pos_per_w % ch == 0
    ch_per_blk = pos_per_w // ch
    n_chunks = batch * ch_per_blk
    groups = d_model // _LANES

    mesh = plsc.VectorSubcoreMesh(core_axis_name="c", subcore_axis_name="s")

    @functools.partial(
        pl.kernel,
        mesh=mesh,
        out_type=jax.ShapeDtypeStruct((n_tokens, d_model), jnp.float32),
        scratch_types=[
            pltpu.VMEM((per_w,), jnp.int32),
            pltpu.VMEM((pos_per_w,), jnp.int32),
            pltpu.VMEM((pos_per_w, d_model), jnp.float32),
            pltpu.VMEM((ch, d_model), jnp.float32),
            pltpu.VMEM((ch, d_model), jnp.float32),
            pltpu.SemaphoreType.DMA,
            pltpu.SemaphoreType.DMA,
            pltpu.SemaphoreType.DMA,
            pltpu.SemaphoreType.DMA,
            pltpu.SemaphoreType.DMA,
        ],
    )
    def embed(ids_hbm, pos_hbm, wte_hbm, wpe_hbm, out_hbm,
              idx_v, pidx_v, wpe_v, rows0_v, rows1_v,
              sem_w, sem_g0, sem_g1, sem_o0, sem_o1):
        wid = lax.axis_index("s") * num_cores + lax.axis_index("c")
        rows = (rows0_v, rows1_v)
        sem_g = (sem_g0, sem_g1)
        sem_o = (sem_o0, sem_o1)

        pltpu.sync_copy(ids_hbm.at[pl.ds(wid * per_w, per_w)], idx_v)
        pltpu.sync_copy(pos_hbm.at[pl.ds(wid * pos_per_w, pos_per_w)], pidx_v)
        wpe_d = pltpu.async_copy(wpe_hbm.at[pidx_v], wpe_v, sem_w)

        def start_gather(t):
            p = t % 2
            return pltpu.async_copy(
                wte_hbm.at[idx_v.at[pl.ds(t * ch, ch)]], rows[p], sem_g[p])

        gd = [None, None]
        od = [None, None]
        gd[0] = start_gather(0)
        wpe_d.wait()

        for t in range(n_chunks):
            p = t % 2
            if t + 1 < n_chunks:
                if t >= 1:
                    od[1 - p].wait()
                gd[1 - p] = start_gather(t + 1)
            gd[p].wait()

            wrow = (t % ch_per_blk) * ch
            buf = rows[p]

            @plsc.parallel_loop(0, ch * groups, step=1, unroll=8)
            def _add(g, buf=buf, wrow=wrow):
                r = lax.div(g, groups)
                col = lax.rem(g, groups) * _LANES
                buf[r, pl.ds(col, _LANES)] = (
                    buf[r, pl.ds(col, _LANES)]
                    + wpe_v[wrow + r, pl.ds(col, _LANES)]
                )

            b = t // ch_per_blk
            off = b * seq + wid * pos_per_w + (t % ch_per_blk) * ch
            od[p] = pltpu.async_copy(buf, out_hbm.at[pl.ds(off, ch)], sem_o[p])

        od[0].wait()
        od[1].wait()

    return embed


def kernel(input_ids, wte, wpe, past_length=0):
    batch, seq = input_ids.shape
    vocab, d_model = wte.shape
    max_pos = wpe.shape[0]
    n_tokens = batch * seq
    info = plsc.get_sparse_core_info()
    nw = info.num_cores * info.num_subcores
    pos_per_w = seq // nw

    ids = jnp.clip(input_ids.astype(jnp.int32), 0, vocab - 1)
    ids = ids.reshape(batch, nw, pos_per_w).transpose(1, 0, 2).reshape(-1)
    pos = (jnp.arange(seq, dtype=jnp.int32)
           + jnp.asarray(past_length, jnp.int32))
    pos = jnp.clip(pos, 0, max_pos - 1)

    out = _make_embed_kernel(batch, seq, d_model)(ids, pos, wte, wpe)
    return out.reshape(batch, seq, d_model)

# --- scband reference (transcript-rebuilt; emitter-appended) ---
"""Pipeline reference for scband-gptembedding-28509992910932 (READ-ONLY COPY).

The authoritative reference and input builder live on the scoring server;
editing this copy changes nothing except your own understanding.
"""

import jax, jax.numpy as jnp
import numpy as np

VOCAB = 50257
MAX_POS = 2048
D_MODEL = 1024
BATCH = 4
SEQ = 2048

def setup_inputs(seed: int = 0) -> dict:
    key = jax.random.key(seed)
    k1, k2, k3 = jax.random.split(key, 3)
    input_ids = jax.random.randint(k1, (BATCH, SEQ), 0, VOCAB, dtype=jnp.int64 if jax.config.jax_enable_x64 else jnp.int32)
    wte = jax.random.normal(k2, (VOCAB, D_MODEL), dtype=jnp.float32) * 0.02
    wpe = jax.random.normal(k3, (MAX_POS, D_MODEL), dtype=jnp.float32) * 0.02
    return {"input_ids": input_ids, "wte": wte, "wpe": wpe, "past_length": 0}

def reference(input_ids, wte, wpe, past_length=0):
    # position_ids = arange(past_length, seq_len + past_length)
    seq_len = input_ids.shape[-1]
    position_ids = jnp.arange(seq_len) + past_length
    # token embedding lookup (gather over vocab-dim table)
    inputs_embeds = jnp.take(wte, input_ids, axis=0)
    # positional embedding lookup
    position_embeds = jnp.take(wpe, position_ids, axis=0)
    hidden_states = inputs_embeds + position_embeds  # broadcast over batch
    # nn.Dropout in eval mode is identity (deterministic reference)
    return hidden_states

if __name__ == "__main__":
    import jax
    _d = setup_inputs()
    print(jax.jit(kernel)(*tuple(_d.values())))

</pallas_src>

<mosaic_0001>
#map = affine_map<(d0, d1) -> (0)>
#map1 = affine_map<(d0, d1) -> (0, 0)>
module attributes {stable_mosaic.version = 14 : i64} {
  func.func @embed(%arg0: i32, %arg1: i32, %arg2: memref<8192xi32, #tpu.memory_space<hbm>>, %arg3: memref<2048xi32, #tpu.memory_space<hbm>>, %arg4: memref<50257x1024xf32, #tpu.memory_space<hbm>>, %arg5: memref<2048x1024xf32, #tpu.memory_space<hbm>>, %arg6: memref<8192x1024xf32, #tpu.memory_space<hbm>>, %arg7: memref<256xi32, #tpu.memory_space<vmem>>, %arg8: memref<64xi32, #tpu.memory_space<vmem>>, %arg9: memref<64x1024xf32, #tpu.memory_space<vmem>>, %arg10: memref<16x1024xf32, #tpu.memory_space<vmem>>, %arg11: memref<16x1024xf32, #tpu.memory_space<vmem>>, %arg12: memref<!tpu.dma_semaphore, #tpu.memory_space<semaphore_mem>>, %arg13: memref<!tpu.dma_semaphore, #tpu.memory_space<semaphore_mem>>, %arg14: memref<!tpu.dma_semaphore, #tpu.memory_space<semaphore_mem>>, %arg15: memref<!tpu.dma_semaphore, #tpu.memory_space<semaphore_mem>>, %arg16: memref<!tpu.dma_semaphore, #tpu.memory_space<semaphore_mem>>) attributes {dimension_semantics = [#tpu.dimension_semantics<core_parallel>, #tpu.dimension_semantics<subcore_parallel>], iteration_bounds = array<i64: 2, 16>, scalar_prefetch = 0 : i64, scratch_operands = 10 : i64, tpu.core_type = #tpu.core_type<sc_vector_subcore>, window_params = [{transform_indices = #map}, {transform_indices = #map}, {transform_indices = #map1}, {transform_indices = #map1}, {transform_indices = #map1}]} {
    %mul3A = arith.constant 2 : i32
    %mul3A_0 = arith.muli %arg1, %mul3A : i32
    %add3A = arith.addi %mul3A_0, %arg0 : i32
    %mul3A_1 = arith.constant 256 : i32
    %mul3A_2 = arith.muli %add3A, %mul3A_1 : i32
    "tpu.region"() ({
      %run_scoped3A = tpu.sem_alloc : memref<!tpu.dma_semaphore, #tpu.memory_space<semaphore_mem>>
      %dma_start3A_440 = tpu.memref_slice %arg2[%mul3A_2] : memref<8192xi32, #tpu.memory_space<hbm>> -> memref<256xi32, #tpu.memory_space<hbm>>
      %dma_start3A_441 = tpu.memref_slice %arg2[%mul3A_2] : memref<8192xi32, #tpu.memory_space<hbm>> -> memref<256xi32, #tpu.memory_space<hbm>>
      tpu.enqueue_dma source(%dma_start3A_441 : memref<256xi32, #tpu.memory_space<hbm>>) target(%arg7 : memref<256xi32, #tpu.memory_space<vmem>>) target_semaphore(%run_scoped3A : memref<!tpu.dma_semaphore, #tpu.memory_space<semaphore_mem>>)
      %dma_wait3A_442 = tpu.memref_slice %arg2[%mul3A_2] : memref<8192xi32, #tpu.memory_space<hbm>> -> memref<256xi32, #tpu.memory_space<hbm>>
      %dma_wait3A_443 = tpu.memref_slice %arg2[%mul3A_2] : memref<8192xi32, #tpu.memory_space<hbm>> -> memref<256xi32, #tpu.memory_space<hbm>>
      tpu.wait_dma2 semaphore(%run_scoped3A : memref<!tpu.dma_semaphore, #tpu.memory_space<semaphore_mem>>) src(%dma_wait3A_443 : memref<256xi32, #tpu.memory_space<hbm>>) dst(%arg7 : memref<256xi32, #tpu.memory_space<vmem>>)
      tpu.yield
    }) : () -> ()
    %mul3A_3 = arith.constant 64 : i32
    %mul3A_4 = arith.muli %add3A, %mul3A_3 : i32
    "tpu.region"() ({
      %run_scoped3A = tpu.sem_alloc : memref<!tpu.dma_semaphore, #tpu.memory_space<semaphore_mem>>
      %dma_start3A_440 = tpu.memref_slice %arg3[%mul3A_4] : memref<2048xi32, #tpu.memory_space<hbm>> -> memref<64xi32, #tpu.memory_space<hbm>>
      %dma_start3A_441 = tpu.memref_slice %arg3[%mul3A_4] : memref<2048xi32, #tpu.memory_space<hbm>> -> memref<64xi32, #tpu.memory_space<hbm>>
      tpu.enqueue_dma source(%dma_start3A_441 : memref<64xi32, #tpu.memory_space<hbm>>) target(%arg8 : memref<64xi32, #tpu.memory_space<vmem>>) target_semaphore(%run_scoped3A : memref<!tpu.dma_semaphore, #tpu.memory_space<semaphore_mem>>)
      %dma_wait3A_442 = tpu.memref_slice %arg3[%mul3A_4] : memref<2048xi32, #tpu.memory_space<hbm>> -> memref<64xi32, #tpu.memory_space<hbm>>
      %dma_wait3A_443 = tpu.memref_slice %arg3[%mul3A_4] : memref<2048xi32, #tpu.memory_space<hbm>> -> memref<64xi32, #tpu.memory_space<hbm>>
      tpu.wait_dma2 semaphore(%run_scoped3A : memref<!tpu.dma_semaphore, #tpu.memory_space<semaphore_mem>>) src(%dma_wait3A_443 : memref<64xi32, #tpu.memory_space<hbm>>) dst(%arg8 : memref<64xi32, #tpu.memory_space<vmem>>)
      tpu.yield
    }) : () -> ()
    %dma_start3A = arith.constant 0 : i32
    %dma_start3A_5 = arith.constant 0 : i32
    %dma_start3A_6 = tpu.memref_slice %arg5[%dma_start3A, %dma_start3A_5] : memref<2048x1024xf32, #tpu.memory_space<hbm>> -> memref<2048x1024xf32, #tpu.memory_space<hbm>>
    tpu.enqueue_indirect_dma source(%dma_start3A_6 : memref<2048x1024xf32, #tpu.memory_space<hbm>>) target(%arg9 : memref<64x1024xf32, #tpu.memory_space<vmem>>) offsets(%arg8 : memref<64xi32, #tpu.memory_space<vmem>>) semaphore(%arg12 : memref<!tpu.dma_semaphore, #tpu.memory_space<semaphore_mem>>)
    %dma_start3A_7 = arith.constant 0 : i32
    %dma_start3A_8 = tpu.memref_slice %arg7[%dma_start3A_7] : memref<256xi32, #tpu.memory_space<vmem>> -> memref<16xi32, #tpu.memory_space<vmem>>
    %dma_start3A_9 = arith.constant 0 : i32
    %dma_start3A_10 = arith.constant 0 : i32
    %dma_start3A_11 = tpu.memref_slice %arg4[%dma_start3A_9, %dma_start3A_10] : memref<50257x1024xf32, #tpu.memory_space<hbm>> -> memref<50257x1024xf32, #tpu.memory_space<hbm>>
    tpu.enqueue_indirect_dma source(%dma_start3A_11 : memref<50257x1024xf32, #tpu.memory_space<hbm>>) target(%arg10 : memref<16x1024xf32, #tpu.memory_space<vmem>>) offsets(%dma_start3A_8 : memref<16xi32, #tpu.memory_space<vmem>>) semaphore(%arg13 : memref<!tpu.dma_semaphore, #tpu.memory_space<semaphore_mem>>)
    %dma_wait3A = arith.constant 0 : i32
    %dma_wait3A_12 = arith.constant 0 : i32
    %dma_wait3A_13 = tpu.memref_slice %arg5[%dma_wait3A, %dma_wait3A_12] : memref<2048x1024xf32, #tpu.memory_space<hbm>> -> memref<2048x1024xf32, #tpu.memory_space<hbm>>
    tpu.wait_indirect_dma semaphore(%arg12 : memref<!tpu.dma_semaphore, #tpu.memory_space<semaphore_mem>>) src(%dma_wait3A_13 : memref<2048x1024xf32, #tpu.memory_space<hbm>>) dst(%arg9 : memref<64x1024xf32, #tpu.memory_space<vmem>>)
    %dma_start3A_14 = arith.constant 16 : i32
    %dma_start3A_15 = tpu.memref_slice %arg7[%dma_start3A_14] : memref<256xi32, #tpu.memory_space<vmem>> -> memref<16xi32, #tpu.memory_space<vmem>>
    %dma_start3A_16 = arith.constant 0 : i32
    %dma_start3A_17 = arith.constant 0 : i32
    %dma_start3A_18 = tpu.memref_slice %arg4[%dma_start3A_16, %dma_start3A_17] : memref<50257x1024xf32, #tpu.memory_space<hbm>> -> memref<50257x1024xf32, #tpu.memory_space<hbm>>
    tpu.enqueue_indirect_dma source(%dma_start3A_18 : memref<50257x1024xf32, #tpu.memory_space<hbm>>) target(%arg11 : memref<16x1024xf32, #tpu.memory_space<vmem>>) offsets(%dma_start3A_15 : memref<16xi32, #tpu.memory_space<vmem>>) semaphore(%arg14 : memref<!tpu.dma_semaphore, #tpu.memory_space<semaphore_mem>>)
    %dma_wait3A_19 = arith.constant 0 : i32
    %dma_wait3A_20 = tpu.memref_slice %arg7[%dma_wait3A_19] : memref<256xi32, #tpu.memory_space<vmem>> -> memref<16xi32, #tpu.memory_space<vmem>>
    %dma_wait3A_21 = arith.constant 0 : i32
    %dma_wait3A_22 = arith.constant 0 : i32
    %dma_wait3A_23 = tpu.memref_slice %arg4[%dma_wait3A_21, %dma_wait3A_22] : memref<50257x1024xf32, #tpu.memory_space<hbm>> -> memref<50257x1024xf32, #tpu.memory_space<hbm>>
    tpu.wait_indirect_dma semaphore(%arg13 : memref<!tpu.dma_semaphore, #tpu.memory_space<semaphore_mem>>) src(%dma_wait3A_23 : memref<50257x1024xf32, #tpu.memory_space<hbm>>) dst(%arg10 : memref<16x1024xf32, #tpu.memory_space<vmem>>)
    %parallel_loop3A = arith.constant 0 : i32
    %parallel_loop3A_24 = arith.constant 1024 : i32
    %parallel_loop3A_25 = arith.constant 1 : i32
    scf.for %parallel_loop3A_440 = %parallel_loop3A to %parallel_loop3A_24 step %parallel_loop3A_25  : i32 {
      %parallel_loop3A_441 = arith.constant 64 : i32
      %parallel_loop3A_442 = arith.divsi %parallel_loop3A_440, %parallel_loop3A_441 : i32
      %parallel_loop3A_443 = arith.constant 64 : i32
      %parallel_loop3A_444 = arith.remsi %parallel_loop3A_440, %parallel_loop3A_443 : i32
      %parallel_loop3A_445 = arith.constant 16 : i32
      %parallel_loop3A_446 = arith.muli %parallel_loop3A_444, %parallel_loop3A_445 : i32
      %parallel_loop3A_447 = arith.index_cast %parallel_loop3A_442 : i32 to index
      %parallel_loop3A_448 = arith.index_cast %parallel_loop3A_446 : i32 to index
      %parallel_loop3A_449 = tpu.vector_load %arg10[%parallel_loop3A_447, %parallel_loop3A_448] {strides = array<i32>} : memref<16x1024xf32, #tpu.memory_space<vmem>>, vector<1x16xf32>,
      %parallel_loop3A_450 = vector.shape_cast %parallel_loop3A_449 : vector<1x16xf32> to vector<16xf32>
      %parallel_loop3A_451 = arith.constant 0 : i32
      %parallel_loop3A_452 = arith.addi %parallel_loop3A_451, %parallel_loop3A_442 : i32
      %parallel_loop3A_453 = arith.index_cast %parallel_loop3A_452 : i32 to index
      %parallel_loop3A_454 = arith.index_cast %parallel_loop3A_446 : i32 to index
      %parallel_loop3A_455 = tpu.vector_load %arg9[%parallel_loop3A_453, %parallel_loop3A_454] {strides = array<i32>} : memref<64x1024xf32, #tpu.memory_space<vmem>>, vector<1x16xf32>,
      %parallel_loop3A_456 = vector.shape_cast %parallel_loop3A_455 : vector<1x16xf32> to vector<16xf32>
      %parallel_loop3A_457 = arith.addf %parallel_loop3A_450, %parallel_loop3A_456 : vector<16xf32>
      %parallel_loop3A_458 = arith.index_cast %parallel_loop3A_442 : i32 to index
      %parallel_loop3A_459 = arith.index_cast %parallel_loop3A_446 : i32 to index
      %parallel_loop3A_460 = tpu.vector_load %arg10[%parallel_loop3A_458, %parallel_loop3A_459] {strides = array<i32>} : memref<16x1024xf32, #tpu.memory_space<vmem>>, vector<1x16xf32>,
      %parallel_loop3A_461 = vector.shape_cast %parallel_loop3A_460 : vector<1x16xf32> to vector<16xf32>
      %parallel_loop3A_462 = vector.shape_cast %parallel_loop3A_457 : vector<16xf32> to vector<1x16xf32>
      tpu.vector_store %arg10[%parallel_loop3A_458, %parallel_loop3A_459], %parallel_loop3A_462 {strides = array<i32>} : memref<16x1024xf32, #tpu.memory_space<vmem>>, vector<1x16xf32>,
    } {sc.loop_unroll_factor = 8 : i64, sc.parallel_access}
    %mul3A_26 = arith.constant 64 : i32
    %mul3A_27 = arith.muli %add3A, %mul3A_26 : i32
    %add3A_28 = arith.constant 0 : i32
    %add3A_29 = arith.addi %add3A_28, %mul3A_27 : i32
    %add3A_30 = arith.constant 0 : i32
    %add3A_31 = arith.addi %add3A_29, %add3A_30 : i32
    %dma_start3A_32 = arith.constant 0 : i32
    %dma_start3A_33 = tpu.memref_slice %arg6[%add3A_31, %dma_start3A_32] : memref<8192x1024xf32, #tpu.memory_space<hbm>> -> memref<16x1024xf32, #tpu.memory_space<hbm>>
    %dma_start3A_34 = arith.constant 0 : i32
    %dma_start3A_35 = tpu.memref_slice %arg6[%add3A_31, %dma_start3A_34] : memref<8192x1024xf32, #tpu.memory_space<hbm>> -> memref<16x1024xf32, #tpu.memory_space<hbm>>
    tpu.enqueue_dma source(%arg10 : memref<16x1024xf32, #tpu.memory_space<vmem>>) target(%dma_start3A_35 : memref<16x1024xf32, #tpu.memory_space<hbm>>) target_semaphore(%arg15 : memref<!tpu.dma_semaphore, #tpu.memory_space<semaphore_mem>>)
    %dma_wait3A_36 = arith.constant 0 : i32
    %dma_wait3A_37 = tpu.memref_slice %arg6[%add3A_31, %dma_wait3A_36] : memref<8192x1024xf32, #tpu.memory_space<hbm>> -> memref<16x1024xf32, #tpu.memory_space<hbm>>
    %dma_wait3A_38 = arith.constant 0 : i32
    %dma_wait3A_39 = tpu.memref_slice %arg6[%add3A_31, %dma_wait3A_38] : memref<8192x1024xf32, #tpu.memory_space<hbm>> -> memref<16x1024xf32, #tpu.memory_space<hbm>>
    tpu.wait_dma2 semaphore(%arg15 : memref<!tpu.dma_semaphore, #tpu.memory_space<semaphore_mem>>) src(%arg10 : memref<16x1024xf32, #tpu.memory_space<vmem>>) dst(%dma_wait3A_39 : memref<16x1024xf32, #tpu.memory_space<hbm>>)
    %dma_start3A_40 = arith.constant 32 : i32
    %dma_start3A_41 = tpu.memref_slice %arg7[%dma_start3A_40] : memref<256xi32, #tpu.memory_space<vmem>> -> memref<16xi32, #tpu.memory_space<vmem>>
    %dma_start3A_42 = arith.constant 0 : i32
    %dma_start3A_43 = arith.constant 0 : i32
    %dma_start3A_44 = tpu.memref_slice %arg4[%dma_start3A_42, %dma_start3A_43] : memref<50257x1024xf32, #tpu.memory_space<hbm>> -> memref<50257x1024xf32, #tpu.memory_space<hbm>>
    tpu.enqueue_indirect_dma source(%dma_start3A_44 : memref<50257x1024xf32, #tpu.memory_space<hbm>>) target(%arg10 : memref<16x1024xf32, #tpu.memory_space<vmem>>) offsets(%dma_start3A_41 : memref<16xi32, #tpu.memory_space<vmem>>) semaphore(%arg13 : memref<!tpu.dma_semaphore, #tpu.memory_space<semaphore_mem>>)
    %dma_wait3A_45 = arith.constant 16 : i32
    %dma_wait3A_46 = tpu.memref_slice %arg7[%dma_wait3A_45] : memref<256xi32, #tpu.memory_space<vmem>> -> memref<16xi32, #tpu.memory_space<vmem>>
    %dma_wait3A_47 = arith.constant 0 : i32
    %dma_wait3A_48 = arith.constant 0 : i32
    %dma_wait3A_49 = tpu.memref_slice %arg4[%dma_wait3A_47, %dma_wait3A_48] : memref<50257x1024xf32, #tpu.memory_space<hbm>> -> memref<50257x1024xf32, #tpu.memory_space<hbm>>
    tpu.wait_indirect_dma semaphore(%arg14 : memref<!tpu.dma_semaphore, #tpu.memory_space<semaphore_mem>>) src(%dma_wait3A_49 : memref<50257x1024xf32, #tpu.memory_space<hbm>>) dst(%arg11 : memref<16x1024xf32, #tpu.memory_space<vmem>>)
    %parallel_loop3A_50 = arith.constant 0 : i32
    %parallel_loop3A_51 = arith.constant 1024 : i32
    %parallel_loop3A_52 = arith.constant 1 : i32
    scf.for %parallel_loop3A_440 = %parallel_loop3A_50 to %parallel_loop3A_51 step %parallel_loop3A_52  : i32 {
      %parallel_loop3A_441 = arith.constant 64 : i32
      %parallel_loop3A_442 = arith.divsi %parallel_loop3A_440, %parallel_loop3A_441 : i32
      %parallel_loop3A_443 = arith.constant 64 : i32
      %parallel_loop3A_444 = arith.remsi %parallel_loop3A_440, %parallel_loop3A_443 : i32
      %parallel_loop3A_445 = arith.constant 16 : i32
      %parallel_loop3A_446 = arith.muli %parallel_loop3A_444, %parallel_loop3A_445 : i32
      %parallel_loop3A_447 = arith.index_cast %parallel_loop3A_442 : i32 to index
      %parallel_loop3A_448 = arith.index_cast %parallel_loop3A_446 : i32 to index
      %parallel_loop3A_449 = tpu.vector_load %arg11[%parallel_loop3A_447, %parallel_loop3A_448] {strides = array<i32>} : memref<16x1024xf32, #tpu.memory_space<vmem>>, vector<1x16xf32>,
      %parallel_loop3A_450 = vector.shape_cast %parallel_loop3A_449 : vector<1x16xf32> to vector<16xf32>
      %parallel_loop3A_451 = arith.constant 16 : i32
      %parallel_loop3A_452 = arith.addi %parallel_loop3A_451, %parallel_loop3A_442 : i32
      %parallel_loop3A_453 = arith.index_cast %parallel_loop3A_452 : i32 to index
      %parallel_loop3A_454 = arith.index_cast %parallel_loop3A_446 : i32 to index
      %parallel_loop3A_455 = tpu.vector_load %arg9[%parallel_loop3A_453, %parallel_loop3A_454] {strides = array<i32>} : memref<64x1024xf32, #tpu.memory_space<vmem>>, vector<1x16xf32>,
      %parallel_loop3A_456 = vector.shape_cast %parallel_loop3A_455 : vector<1x16xf32> to vector<16xf32>
      %parallel_loop3A_457 = arith.addf %parallel_loop3A_450, %parallel_loop3A_456 : vector<16xf32>
      %parallel_loop3A_458 = arith.index_cast %parallel_loop3A_442 : i32 to index
      %parallel_loop3A_459 = arith.index_cast %parallel_loop3A_446 : i32 to index
      %parallel_loop3A_460 = tpu.vector_load %arg11[%parallel_loop3A_458, %parallel_loop3A_459] {strides = array<i32>} : memref<16x1024xf32, #tpu.memory_space<vmem>>, vector<1x16xf32>,
      %parallel_loop3A_461 = vector.shape_cast %parallel_loop3A_460 : vector<1x16xf32> to vector<16xf32>
      %parallel_loop3A_462 = vector.shape_cast %parallel_loop3A_457 : vector<16xf32> to vector<1x16xf32>
      tpu.vector_store %arg11[%parallel_loop3A_458, %parallel_loop3A_459], %parallel_loop3A_462 {strides = array<i32>} : memref<16x1024xf32, #tpu.memory_space<vmem>>, vector<1x16xf32>,
    } {sc.loop_unroll_factor = 8 : i64, sc.parallel_access}
    %mul3A_53 = arith.constant 64 : i32
    %mul3A_54 = arith.muli %add3A, %mul3A_53 : i32
    %add3A_55 = arith.constant 0 : i32
    %add3A_56 = arith.addi %add3A_55, %mul3A_54 : i32
    %add3A_57 = arith.constant 16 : i32
    %add3A_58 = arith.addi %add3A_56, %add3A_57 : i32
    %dma_start3A_59 = arith.constant 0 : i32
    %dma_start3A_60 = tpu.memref_slice %arg6[%add3A_58, %dma_start3A_59] : memref<8192x1024xf32, #tpu.memory_space<hbm>> -> memref<16x1024xf32, #tpu.memory_space<hbm>>
    %dma_start3A_61 = arith.constant 0 : i32
    %dma_start3A_62 = tpu.memref_slice %arg6[%add3A_58, %dma_start3A_61] : memref<8192x1024xf32, #tpu.memory_space<hbm>> -> memref<16x1024xf32, #tpu.memory_space<hbm>>
    tpu.enqueue_dma source(%arg11 : memref<16x1024xf32, #tpu.memory_space<vmem>>) target(%dma_start3A_62 : memref<16x1024xf32, #tpu.memory_space<hbm>>) target_semaphore(%arg16 : memref<!tpu.dma_semaphore, #tpu.memory_space<semaphore_mem>>)
    %dma_wait3A_63 = arith.constant 0 : i32
    %dma_wait3A_64 = tpu.memref_slice %arg6[%add3A_58, %dma_wait3A_63] : memref<8192x1024xf32, #tpu.memory_space<hbm>> -> memref<16x1024xf32, #tpu.memory_space<hbm>>
    %dma_wait3A_65 = arith.constant 0 : i32
    %dma_wait3A_66 = tpu.memref_slice %arg6[%add3A_58, %dma_wait3A_65] : memref<8192x1024xf32, #tpu.memory_space<hbm>> -> memref<16x1024xf32, #tpu.memory_space<hbm>>
    tpu.wait_dma2 semaphore(%arg16 : memref<!tpu.dma_semaphore, #tpu.memory_space<semaphore_mem>>) src(%arg11 : memref<16x1024xf32, #tpu.memory_space<vmem>>) dst(%dma_wait3A_66 : memref<16x1024xf32, #tpu.memory_space<hbm>>)
    %dma_start3A_67 = arith.constant 48 : i32
    %dma_start3A_68 = tpu.memref_slice %arg7[%dma_start3A_67] : memref<256xi32, #tpu.memory_space<vmem>> -> memref<16xi32, #tpu.memory_space<vmem>>
    %dma_start3A_69 = arith.constant 0 : i32
    %dma_start3A_70 = arith.constant 0 : i32
    %dma_start3A_71 = tpu.memref_slice %arg4[%dma_start3A_69, %dma_start3A_70] : memref<50257x1024xf32, #tpu.memory_space<hbm>> -> memref<50257x1024xf32, #tpu.memory_space<hbm>>
    tpu.enqueue_indirect_dma source(%dma_start3A_71 : memref<50257x1024xf32, #tpu.memory_space<hbm>>) target(%arg11 : memref<16x1024xf32, #tpu.memory_space<vmem>>) offsets(%dma_start3A_68 : memref<16xi32, #tpu.memory_space<vmem>>) semaphore(%arg14 : memref<!tpu.dma_semaphore, #tpu.memory_space<semaphore_mem>>)
    %dma_wait3A_72 = arith.constant 32 : i32
    %dma_wait3A_73 = tpu.memref_slice %arg7[%dma_wait3A_72] : memref<256xi32, #tpu.memory_space<vmem>> -> memref<16xi32, #tpu.memory_space<vmem>>
    %dma_wait3A_74 = arith.constant 0 : i32
    %dma_wait3A_75 = arith.constant 0 : i32
    %dma_wait3A_76 = tpu.memref_slice %arg4[%dma_wait3A_74, %dma_wait3A_75] : memref<50257x1024xf32, #tpu.memory_space<hbm>> -> memref<50257x1024xf32, #tpu.memory_space<hbm>>
    tpu.wait_indirect_dma semaphore(%arg13 : memref<!tpu.dma_semaphore, #tpu.memory_space<semaphore_mem>>) src(%dma_wait3A_76 : memref<50257x1024xf32, #tpu.memory_space<hbm>>) dst(%arg10 : memref<16x1024xf32, #tpu.memory_space<vmem>>)
    %parallel_loop3A_77 = arith.constant 0 : i32
    %parallel_loop3A_78 = arith.constant 1024 : i32
    %parallel_loop3A_79 = arith.constant 1 : i32
    scf.for %parallel_loop3A_440 = %parallel_loop3A_77 to %parallel_loop3A_78 step %parallel_loop3A_79  : i32 {
      %parallel_loop3A_441 = arith.constant 64 : i32
      %parallel_loop3A_442 = arith.divsi %parallel_loop3A_440, %parallel_loop3A_441 : i32
      %parallel_loop3A_443 = arith.constant 64 : i32
      %parallel_loop3A_444 = arith.remsi %parallel_loop3A_440, %parallel_loop3A_443 : i32
      %parallel_loop3A_445 = arith.constant 16 : i32
      %parallel_loop3A_446 = arith.muli %parallel_loop3A_444, %parallel_loop3A_445 : i32
      %parallel_loop3A_447 = arith.index_cast %parallel_loop3A_442 : i32 to index
      %parallel_loop3A_448 = arith.index_cast %parallel_loop3A_446 : i32 to index
      %parallel_loop3A_449 = tpu.vector_load %arg10[%parallel_loop3A_447, %parallel_loop3A_448] {strides = array<i32>} : memref<16x1024xf32, #tpu.memory_space<vmem>>, vector<1x16xf32>,
      %parallel_loop3A_450 = vector.shape_cast %parallel_loop3A_449 : vector<1x16xf32> to vector<16xf32>
      %parallel_loop3A_451 = arith.constant 32 : i32
      %parallel_loop3A_452 = arith.addi %parallel_loop3A_451, %parallel_loop3A_442 : i32
      %parallel_loop3A_453 = arith.index_cast %parallel_loop3A_452 : i32 to index
      %parallel_loop3A_454 = arith.index_cast %parallel_loop3A_446 : i32 to index
      %parallel_loop3A_455 = tpu.vector_load %arg9[%parallel_loop3A_453, %parallel_loop3A_454] {strides = array<i32>} : memref<64x1024xf32, #tpu.memory_space<vmem>>, vector<1x16xf32>,
      %parallel_loop3A_456 = vector.shape_cast %parallel_loop3A_455 : vector<1x16xf32> to vector<16xf32>
      %parallel_loop3A_457 = arith.addf %parallel_loop3A_450, %parallel_loop3A_456 : vector<16xf32>
      %parallel_loop3A_458 = arith.index_cast %parallel_loop3A_442 : i32 to index
      %parallel_loop3A_459 = arith.index_cast %parallel_loop3A_446 : i32 to index
      %parallel_loop3A_460 = tpu.vector_load %arg10[%parallel_loop3A_458, %parallel_loop3A_459] {strides = array<i32>} : memref<16x1024xf32, #tpu.memory_space<vmem>>, vector<1x16xf32>,
      %parallel_loop3A_461 = vector.shape_cast %parallel_loop3A_460 : vector<1x16xf32> to vector<16xf32>
      %parallel_loop3A_462 = vector.shape_cast %parallel_loop3A_457 : vector<16xf32> to vector<1x16xf32>
      tpu.vector_store %arg10[%parallel_loop3A_458, %parallel_loop3A_459], %parallel_loop3A_462 {strides = array<i32>} : memref<16x1024xf32, #tpu.memory_space<vmem>>, vector<1x16xf32>,
    } {sc.loop_unroll_factor = 8 : i64, sc.parallel_access}
    %mul3A_80 = arith.constant 64 : i32
    %mul3A_81 = arith.muli %add3A, %mul3A_80 : i32
    %add3A_82 = arith.constant 0 : i32
    %add3A_83 = arith.addi %add3A_82, %mul3A_81 : i32
    %add3A_84 = arith.constant 32 : i32
    %add3A_85 = arith.addi %add3A_83, %add3A_84 : i32
    %dma_start3A_86 = arith.constant 0 : i32
    %dma_start3A_87 = tpu.memref_slice %arg6[%add3A_85, %dma_start3A_86] : memref<8192x1024xf32, #tpu.memory_space<hbm>> -> memref<16x1024xf32, #tpu.memory_space<hbm>>
    %dma_start3A_88 = arith.constant 0 : i32
    %dma_start3A_89 = tpu.memref_slice %arg6[%add3A_85, %dma_start3A_88] : memref<8192x1024xf32, #tpu.memory_space<hbm>> -> memref<16x1024xf32, #tpu.memory_space<hbm>>
    tpu.enqueue_dma source(%arg10 : memref<16x1024xf32, #tpu.memory_space<vmem>>) target(%dma_start3A_89 : memref<16x1024xf32, #tpu.memory_space<hbm>>) target_semaphore(%arg15 : memref<!tpu.dma_semaphore, #tpu.memory_space<semaphore_mem>>)
    %dma_wait3A_90 = arith.constant 0 : i32
    %dma_wait3A_91 = tpu.memref_slice %arg6[%add3A_85, %dma_wait3A_90] : memref<8192x1024xf32, #tpu.memory_space<hbm>> -> memref<16x1024xf32, #tpu.memory_space<hbm>>
    %dma_wait3A_92 = arith.constant 0 : i32
    %dma_wait3A_93 = tpu.memref_slice %arg6[%add3A_85, %dma_wait3A_92] : memref<8192x1024xf32, #tpu.memory_space<hbm>> -> memref<16x1024xf32, #tpu.memory_space<hbm>>
    tpu.wait_dma2 semaphore(%arg15 : memref<!tpu.dma_semaphore, #tpu.memory_space<semaphore_mem>>) src(%arg10 : memref<16x1024xf32, #tpu.memory_space<vmem>>) dst(%dma_wait3A_93 : memref<16x1024xf32, #tpu.memory_space<hbm>>)
    %dma_start3A_94 = arith.constant 64 : i32
    %dma_start3A_95 = tpu.memref_slice %arg7[%dma_start3A_94] : memref<256xi32, #tpu.memory_space<vmem>> -> memref<16xi32, #tpu.memory_space<vmem>>
    %dma_start3A_96 = arith.constant 0 : i32
    %dma_start3A_97 = arith.constant 0 : i32
    %dma_start3A_98 = tpu.memref_slice %arg4[%dma_start3A_96, %dma_start3A_97] : memref<50257x1024xf32, #tpu.memory_space<hbm>> -> memref<50257x1024xf32, #tpu.memory_space<hbm>>
    tpu.enqueue_indirect_dma source(%dma_start3A_98 : memref<50257x1024xf32, #tpu.memory_space<hbm>>) target(%arg10 : memref<16x1024xf32, #tpu.memory_space<vmem>>) offsets(%dma_start3A_95 : memref<16xi32, #tpu.memory_space<vmem>>) semaphore(%arg13 : memref<!tpu.dma_semaphore, #tpu.memory_space<semaphore_mem>>)
    %dma_wait3A_99 = arith.constant 48 : i32
    %dma_wait3A_100 = tpu.memref_slice %arg7[%dma_wait3A_99] : memref<256xi32, #tpu.memory_space<vmem>> -> memref<16xi32, #tpu.memory_space<vmem>>
    %dma_wait3A_101 = arith.constant 0 : i32
    %dma_wait3A_102 = arith.constant 0 : i32
    %dma_wait3A_103 = tpu.memref_slice %arg4[%dma_wait3A_101, %dma_wait3A_102] : memref<50257x1024xf32, #tpu.memory_space<hbm>> -> memref<50257x1024xf32, #tpu.memory_space<hbm>>
    tpu.wait_indirect_dma semaphore(%arg14 : memref<!tpu.dma_semaphore, #tpu.memory_space<semaphore_mem>>) src(%dma_wait3A_103 : memref<50257x1024xf32, #tpu.memory_space<hbm>>) dst(%arg11 : memref<16x1024xf32, #tpu.memory_space<vmem>>)
    %parallel_loop3A_104 = arith.constant 0 : i32
    %parallel_loop3A_105 = arith.constant 1024 : i32
    %parallel_loop3A_106 = arith.constant 1 : i32
    scf.for %parallel_loop3A_440 = %parallel_loop3A_104 to %parallel_loop3A_105 step %parallel_loop3A_106  : i32 {
      %parallel_loop3A_441 = arith.constant 64 : i32
      %parallel_loop3A_442 = arith.divsi %parallel_loop3A_440, %parallel_loop3A_441 : i32
      %parallel_loop3A_443 = arith.constant 64 : i32
      %parallel_loop3A_444 = arith.remsi %parallel_loop3A_440, %parallel_loop3A_443 : i32
      %parallel_loop3A_445 = arith.constant 16 : i32
      %parallel_loop3A_446 = arith.muli %parallel_loop3A_444, %parallel_loop3A_445 : i32
      %parallel_loop3A_447 = arith.index_cast %parallel_loop3A_442 : i32 to index
      %parallel_loop3A_448 = arith.index_cast %parallel_loop3A_446 : i32 to index
      %parallel_loop3A_449 = tpu.vector_load %arg11[%parallel_loop3A_447, %parallel_loop3A_448] {strides = array<i32>} : memref<16x1024xf32, #tpu.memory_space<vmem>>, vector<1x16xf32>,
      %parallel_loop3A_450 = vector.shape_cast %parallel_loop3A_449 : vector<1x16xf32> to vector<16xf32>
      %parallel_loop3A_451 = arith.constant 48 : i32
      %parallel_loop3A_452 = arith.addi %parallel_loop3A_451, %parallel_loop3A_442 : i32
      %parallel_loop3A_453 = arith.index_cast %parallel_loop3A_452 : i32 to index
      %parallel_loop3A_454 = arith.index_cast %parallel_loop3A_446 : i32 to index
      %parallel_loop3A_455 = tpu.vector_load %arg9[%parallel_loop3A_453, %parallel_loop3A_454] {strides = array<i32>} : memref<64x1024xf32, #tpu.memory_space<vmem>>, vector<1x16xf32>,
      %parallel_loop3A_456 = vector.shape_cast %parallel_loop3A_455 : vector<1x16xf32> to vector<16xf32>
      %parallel_loop3A_457 = arith.addf %parallel_loop3A_450, %parallel_loop3A_456 : vector<16xf32>
      %parallel_loop3A_458 = arith.index_cast %parallel_loop3A_442 : i32 to index
      %parallel_loop3A_459 = arith.index_cast %parallel_loop3A_446 : i32 to index
      %parallel_loop3A_460 = tpu.vector_load %arg11[%parallel_loop3A_458, %parallel_loop3A_459] {strides = array<i32>} : memref<16x1024xf32, #tpu.memory_space<vmem>>, vector<1x16xf32>,
      %parallel_loop3A_461 = vector.shape_cast %parallel_loop3A_460 : vector<1x16xf32> to vector<16xf32>
      %parallel_loop3A_462 = vector.shape_cast %parallel_loop3A_457 : vector<16xf32> to vector<1x16xf32>
      tpu.vector_store %arg11[%parallel_loop3A_458, %parallel_loop3A_459], %parallel_loop3A_462 {strides = array<i32>} : memref<16x1024xf32, #tpu.memory_space<vmem>>, vector<1x16xf32>,
    } {sc.loop_unroll_factor = 8 : i64, sc.parallel_access}
    %mul3A_107 = arith.constant 64 : i32
    %mul3A_108 = arith.muli %add3A, %mul3A_107 : i32
    %add3A_109 = arith.constant 0 : i32
    %add3A_110 = arith.addi %add3A_109, %mul3A_108 : i32
    %add3A_111 = arith.constant 48 : i32
    %add3A_112 = arith.addi %add3A_110, %add3A_111 : i32
    %dma_start3A_113 = arith.constant 0 : i32
    %dma_start3A_114 = tpu.memref_slice %arg6[%add3A_112, %dma_start3A_113] : memref<8192x1024xf32, #tpu.memory_space<hbm>> -> memref<16x1024xf32, #tpu.memory_space<hbm>>
    %dma_start3A_115 = arith.constant 0 : i32
    %dma_start3A_116 = tpu.memref_slice %arg6[%add3A_112, %dma_start3A_115] : memref<8192x1024xf32, #tpu.memory_space<hbm>> -> memref<16x1024xf32, #tpu.memory_space<hbm>>
    tpu.enqueue_dma source(%arg11 : memref<16x1024xf32, #tpu.memory_space<vmem>>) target(%dma_start3A_116 : memref<16x1024xf32, #tpu.memory_space<hbm>>) target_semaphore(%arg16 : memref<!tpu.dma_semaphore, #tpu.memory_space<semaphore_mem>>)
    %dma_wait3A_117 = arith.constant 0 : i32
    %dma_wait3A_118 = tpu.memref_slice %arg6[%add3A_112, %dma_wait3A_117] : memref<8192x1024xf32, #tpu.memory_space<hbm>> -> memref<16x1024xf32, #tpu.memory_space<hbm>>
    %dma_wait3A_119 = arith.constant 0 : i32
    %dma_wait3A_120 = tpu.memref_slice %arg6[%add3A_112, %dma_wait3A_119] : memref<8192x1024xf32, #tpu.memory_space<hbm>> -> memref<16x1024xf32, #tpu.memory_space<hbm>>
    tpu.wait_dma2 semaphore(%arg16 : memref<!tpu.dma_semaphore, #tpu.memory_space<semaphore_mem>>) src(%arg11 : memref<16x1024xf32, #tpu.memory_space<vmem>>) dst(%dma_wait3A_120 : memref<16x1024xf32, #tpu.memory_space<hbm>>)
    %dma_start3A_121 = arith.constant 80 : i32
    %dma_start3A_122 = tpu.memref_slice %arg7[%dma_start3A_121] : memref<256xi32, #tpu.memory_space<vmem>> -> memref<16xi32, #tpu.memory_space<vmem>>
    %dma_start3A_123 = arith.constant 0 : i32
    %dma_start3A_124 = arith.constant 0 : i32
    %dma_start3A_125 = tpu.memref_slice %arg4[%dma_start3A_123, %dma_start3A_124] : memref<50257x1024xf32, #tpu.memory_space<hbm>> -> memref<50257x1024xf32, #tpu.memory_space<hbm>>
    tpu.enqueue_indirect_dma source(%dma_start3A_125 : memref<50257x1024xf32, #tpu.memory_space<hbm>>) target(%arg11 : memref<16x1024xf32, #tpu.memory_space<vmem>>) offsets(%dma_start3A_122 : memref<16xi32, #tpu.memory_space<vmem>>) semaphore(%arg14 : memref<!tpu.dma_semaphore, #tpu.memory_space<semaphore_mem>>)
    %dma_wait3A_126 = arith.constant 64 : i32
    %dma_wait3A_127 = tpu.memref_slice %arg7[%dma_wait3A_126] : memref<256xi32, #tpu.memory_space<vmem>> -> memref<16xi32, #tpu.memory_space<vmem>>
    %dma_wait3A_128 = arith.constant 0 : i32
    %dma_wait3A_129 = arith.constant 0 : i32
    %dma_wait3A_130 = tpu.memref_slice %arg4[%dma_wait3A_128, %dma_wait3A_129] : memref<50257x1024xf32, #tpu.memory_space<hbm>> -> memref<50257x1024xf32, #tpu.memory_space<hbm>>
    tpu.wait_indirect_dma semaphore(%arg13 : memref<!tpu.dma_semaphore, #tpu.memory_space<semaphore_mem>>) src(%dma_wait3A_130 : memref<50257x1024xf32, #tpu.memory_space<hbm>>) dst(%arg10 : memref<16x1024xf32, #tpu.memory_space<vmem>>)
    %parallel_loop3A_131 = arith.constant 0 : i32
    %parallel_loop3A_132 = arith.constant 1024 : i32
    %parallel_loop3A_133 = arith.constant 1 : i32
    scf.for %parallel_loop3A_440 = %parallel_loop3A_131 to %parallel_loop3A_132 step %parallel_loop3A_133  : i32 {
      %parallel_loop3A_441 = arith.constant 64 : i32
      %parallel_loop3A_442 = arith.divsi %parallel_loop3A_440, %parallel_loop3A_441 : i32
      %parallel_loop3A_443 = arith.constant 64 : i32
      %parallel_loop3A_444 = arith.remsi %parallel_loop3A_440, %parallel_loop3A_443 : i32
      %parallel_loop3A_445 = arith.constant 16 : i32
      %parallel_loop3A_446 = arith.muli %parallel_loop3A_444, %parallel_loop3A_445 : i32
      %parallel_loop3A_447 = arith.index_cast %parallel_loop3A_442 : i32 to index
      %parallel_loop3A_448 = arith.index_cast %parallel_loop3A_446 : i32 to index
      %parallel_loop3A_449 = tpu.vector_load %arg10[%parallel_loop3A_447, %parallel_loop3A_448] {strides = array<i32>} : memref<16x1024xf32, #tpu.memory_space<vmem>>, vector<1x16xf32>,
      %parallel_loop3A_450 = vector.shape_cast %parallel_loop3A_449 : vector<1x16xf32> to vector<16xf32>
      %parallel_loop3A_451 = arith.constant 0 : i32
      %parallel_loop3A_452 = arith.addi %parallel_loop3A_451, %parallel_loop3A_442 : i32
      %parallel_loop3A_453 = arith.index_cast %parallel_loop3A_452 : i32 to index
      %parallel_loop3A_454 = arith.index_cast %parallel_loop3A_446 : i32 to index
      %parallel_loop3A_455 = tpu.vector_load %arg9[%parallel_loop3A_453, %parallel_loop3A_454] {strides = array<i32>} : memref<64x1024xf32, #tpu.memory_space<vmem>>, vector<1x16xf32>,
      %parallel_loop3A_456 = vector.shape_cast %parallel_loop3A_455 : vector<1x16xf32> to vector<16xf32>
      %parallel_loop3A_457 = arith.addf %parallel_loop3A_450, %parallel_loop3A_456 : vector<16xf32>
      %parallel_loop3A_458 = arith.index_cast %parallel_loop3A_442 : i32 to index
      %parallel_loop3A_459 = arith.index_cast %parallel_loop3A_446 : i32 to index
      %parallel_loop3A_460 = tpu.vector_load %arg10[%parallel_loop3A_458, %parallel_loop3A_459] {strides = array<i32>} : memref<16x1024xf32, #tpu.memory_space<vmem>>, vector<1x16xf32>,
      %parallel_loop3A_461 = vector.shape_cast %parallel_loop3A_460 : vector<1x16xf32> to vector<16xf32>
      %parallel_loop3A_462 = vector.shape_cast %parallel_loop3A_457 : vector<16xf32> to vector<1x16xf32>
      tpu.vector_store %arg10[%parallel_loop3A_458, %parallel_loop3A_459], %parallel_loop3A_462 {strides = array<i32>} : memref<16x1024xf32, #tpu.memory_space<vmem>>, vector<1x16xf32>,
    } {sc.loop_unroll_factor = 8 : i64, sc.parallel_access}
    %mul3A_134 = arith.constant 64 : i32
    %mul3A_135 = arith.muli %add3A, %mul3A_134 : i32
    %add3A_136 = arith.constant 2048 : i32
    %add3A_137 = arith.addi %add3A_136, %mul3A_135 : i32
    %add3A_138 = arith.constant 0 : i32
    %add3A_139 = arith.addi %add3A_137, %add3A_138 : i32
    %dma_start3A_140 = arith.constant 0 : i32
    %dma_start3A_141 = tpu.memref_slice %arg6[%add3A_139, %dma_start3A_140] : memref<8192x1024xf32, #tpu.memory_space<hbm>> -> memref<16x1024xf32, #tpu.memory_space<hbm>>
    %dma_start3A_142 = arith.constant 0 : i32
    %dma_start3A_143 = tpu.memref_slice %arg6[%add3A_139, %dma_start3A_142] : memref<8192x1024xf32, #tpu.memory_space<hbm>> -> memref<16x1024xf32, #tpu.memory_space<hbm>>
    tpu.enqueue_dma source(%arg10 : memref<16x1024xf32, #tpu.memory_space<vmem>>) target(%dma_start3A_143 : memref<16x1024xf32, #tpu.memory_space<hbm>>) target_semaphore(%arg15 : memref<!tpu.dma_semaphore, #tpu.memory_space<semaphore_mem>>)
    %dma_wait3A_144 = arith.constant 0 : i32
    %dma_wait3A_145 = tpu.memref_slice %arg6[%add3A_139, %dma_wait3A_144] : memref<8192x1024xf32, #tpu.memory_space<hbm>> -> memref<16x1024xf32, #tpu.memory_space<hbm>>
    %dma_wait3A_146 = arith.constant 0 : i32
    %dma_wait3A_147 = tpu.memref_slice %arg6[%add3A_139, %dma_wait3A_146] : memref<8192x1024xf32, #tpu.memory_space<hbm>> -> memref<16x1024xf32, #tpu.memory_space<hbm>>
    tpu.wait_dma2 semaphore(%arg15 : memref<!tpu.dma_semaphore, #tpu.memory_space<semaphore_mem>>) src(%arg10 : memref<16x1024xf32, #tpu.memory_space<vmem>>) dst(%dma_wait3A_147 : memref<16x1024xf32, #tpu.memory_space<hbm>>)
    %dma_start3A_148 = arith.constant 96 : i32
    %dma_start3A_149 = tpu.memref_slice %arg7[%dma_start3A_148] : memref<256xi32, #tpu.memory_space<vmem>> -> memref<16xi32, #tpu.memory_space<vmem>>
    %dma_start3A_150 = arith.constant 0 : i32
    %dma_start3A_151 = arith.constant 0 : i32
    %dma_start3A_152 = tpu.memref_slice %arg4[%dma_start3A_150, %dma_start3A_151] : memref<50257x1024xf32, #tpu.memory_space<hbm>> -> memref<50257x1024xf32, #tpu.memory_space<hbm>>
    tpu.enqueue_indirect_dma source(%dma_start3A_152 : memref<50257x1024xf32, #tpu.memory_space<hbm>>) target(%arg10 : memref<16x1024xf32, #tpu.memory_space<vmem>>) offsets(%dma_start3A_149 : memref<16xi32, #tpu.memory_space<vmem>>) semaphore(%arg13 : memref<!tpu.dma_semaphore, #tpu.memory_space<semaphore_mem>>)
    %dma_wait3A_153 = arith.constant 80 : i32
    %dma_wait3A_154 = tpu.memref_slice %arg7[%dma_wait3A_153] : memref<256xi32, #tpu.memory_space<vmem>> -> memref<16xi32, #tpu.memory_space<vmem>>
    %dma_wait3A_155 = arith.constant 0 : i32
    %dma_wait3A_156 = arith.constant 0 : i32
    %dma_wait3A_157 = tpu.memref_slice %arg4[%dma_wait3A_155, %dma_wait3A_156] : memref<50257x1024xf32, #tpu.memory_space<hbm>> -> memref<50257x1024xf32, #tpu.memory_space<hbm>>
    tpu.wait_indirect_dma semaphore(%arg14 : memref<!tpu.dma_semaphore, #tpu.memory_space<semaphore_mem>>) src(%dma_wait3A_157 : memref<50257x1024xf32, #tpu.memory_space<hbm>>) dst(%arg11 : memref<16x1024xf32, #tpu.memory_space<vmem>>)
    %parallel_loop3A_158 = arith.constant 0 : i32
    %parallel_loop3A_159 = arith.constant 1024 : i32
    %parallel_loop3A_160 = arith.constant 1 : i32
    scf.for %parallel_loop3A_440 = %parallel_loop3A_158 to %parallel_loop3A_159 step %parallel_loop3A_160  : i32 {
      %parallel_loop3A_441 = arith.constant 64 : i32
      %parallel_loop3A_442 = arith.divsi %parallel_loop3A_440, %parallel_loop3A_441 : i32
      %parallel_loop3A_443 = arith.constant 64 : i32
      %parallel_loop3A_444 = arith.remsi %parallel_loop3A_440, %parallel_loop3A_443 : i32
      %parallel_loop3A_445 = arith.constant 16 : i32
      %parallel_loop3A_446 = arith.muli %parallel_loop3A_444, %parallel_loop3A_445 : i32
      %parallel_loop3A_447 = arith.index_cast %parallel_loop3A_442 : i32 to index
      %parallel_loop3A_448 = arith.index_cast %parallel_loop3A_446 : i32 to index
      %parallel_loop3A_449 = tpu.vector_load %arg11[%parallel_loop3A_447, %parallel_loop3A_448] {strides = array<i32>} : memref<16x1024xf32, #tpu.memory_space<vmem>>, vector<1x16xf32>,
      %parallel_loop3A_450 = vector.shape_cast %parallel_loop3A_449 : vector<1x16xf32> to vector<16xf32>
      %parallel_loop3A_451 = arith.constant 16 : i32
      %parallel_loop3A_452 = arith.addi %parallel_loop3A_451, %parallel_loop3A_442 : i32
      %parallel_loop3A_453 = arith.index_cast %parallel_loop3A_452 : i32 to index
      %parallel_loop3A_454 = arith.index_cast %parallel_loop3A_446 : i32 to index
      %parallel_loop3A_455 = tpu.vector_load %arg9[%parallel_loop3A_453, %parallel_loop3A_454] {strides = array<i32>} : memref<64x1024xf32, #tpu.memory_space<vmem>>, vector<1x16xf32>,
      %parallel_loop3A_456 = vector.shape_cast %parallel_loop3A_455 : vector<1x16xf32> to vector<16xf32>
      %parallel_loop3A_457 = arith.addf %parallel_loop3A_450, %parallel_loop3A_456 : vector<16xf32>
      %parallel_loop3A_458 = arith.index_cast %parallel_loop3A_442 : i32 to index
      %parallel_loop3A_459 = arith.index_cast %parallel_loop3A_446 : i32 to index
      %parallel_loop3A_460 = tpu.vector_load %arg11[%parallel_loop3A_458, %parallel_loop3A_459] {strides = array<i32>} : memref<16x1024xf32, #tpu.memory_space<vmem>>, vector<1x16xf32>,
      %parallel_loop3A_461 = vector.shape_cast %parallel_loop3A_460 : vector<1x16xf32> to vector<16xf32>
      %parallel_loop3A_462 = vector.shape_cast %parallel_loop3A_457 : vector<16xf32> to vector<1x16xf32>
      tpu.vector_store %arg11[%parallel_loop3A_458, %parallel_loop3A_459], %parallel_loop3A_462 {strides = array<i32>} : memref<16x1024xf32, #tpu.memory_space<vmem>>, vector<1x16xf32>,
    } {sc.loop_unroll_factor = 8 : i64, sc.parallel_access}
    %mul3A_161 = arith.constant 64 : i32
    %mul3A_162 = arith.muli %add3A, %mul3A_161 : i32
    %add3A_163 = arith.constant 2048 : i32
    %add3A_164 = arith.addi %add3A_163, %mul3A_162 : i32
    %add3A_165 = arith.constant 16 : i32
    %add3A_166 = arith.addi %add3A_164, %add3A_165 : i32
    %dma_start3A_167 = arith.constant 0 : i32
    %dma_start3A_168 = tpu.memref_slice %arg6[%add3A_166, %dma_start3A_167] : memref<8192x1024xf32, #tpu.memory_space<hbm>> -> memref<16x1024xf32, #tpu.memory_space<hbm>>
    %dma_start3A_169 = arith.constant 0 : i32
    %dma_start3A_170 = tpu.memref_slice %arg6[%add3A_166, %dma_start3A_169] : memref<8192x1024xf32, #tpu.memory_space<hbm>> -> memref<16x1024xf32, #tpu.memory_space<hbm>>
    tpu.enqueue_dma source(%arg11 : memref<16x1024xf32, #tpu.memory_space<vmem>>) target(%dma_start3A_170 : memref<16x1024xf32, #tpu.memory_space<hbm>>) target_semaphore(%arg16 : memref<!tpu.dma_semaphore, #tpu.memory_space<semaphore_mem>>)
    %dma_wait3A_171 = arith.constant 0 : i32
    %dma_wait3A_172 = tpu.memref_slice %arg6[%add3A_166, %dma_wait3A_171] : memref<8192x1024xf32, #tpu.memory_space<hbm>> -> memref<16x1024xf32, #tpu.memory_space<hbm>>
    %dma_wait3A_173 = arith.constant 0 : i32
    %dma_wait3A_174 = tpu.memref_slice %arg6[%add3A_166, %dma_wait3A_173] : memref<8192x1024xf32, #tpu.memory_space<hbm>> -> memref<16x1024xf32, #tpu.memory_space<hbm>>
    tpu.wait_dma2 semaphore(%arg16 : memref<!tpu.dma_semaphore, #tpu.memory_space<semaphore_mem>>) src(%arg11 : memref<16x1024xf32, #tpu.memory_space<vmem>>) dst(%dma_wait3A_174 : memref<16x1024xf32, #tpu.memory_space<hbm>>)
    %dma_start3A_175 = arith.constant 112 : i32
    %dma_start3A_176 = tpu.memref_slice %arg7[%dma_start3A_175] : memref<256xi32, #tpu.memory_space<vmem>> -> memref<16xi32, #tpu.memory_space<vmem>>
    %dma_start3A_177 = arith.constant 0 : i32
    %dma_start3A_178 = arith.constant 0 : i32
    %dma_start3A_179 = tpu.memref_slice %arg4[%dma_start3A_177, %dma_start3A_178] : memref<50257x1024xf32, #tpu.memory_space<hbm>> -> memref<50257x1024xf32, #tpu.memory_space<hbm>>
    tpu.enqueue_indirect_dma source(%dma_start3A_179 : memref<50257x1024xf32, #tpu.memory_space<hbm>>) target(%arg11 : memref<16x1024xf32, #tpu.memory_space<vmem>>) offsets(%dma_start3A_176 : memref<16xi32, #tpu.memory_space<vmem>>) semaphore(%arg14 : memref<!tpu.dma_semaphore, #tpu.memory_space<semaphore_mem>>)
    %dma_wait3A_180 = arith.constant 96 : i32
    %dma_wait3A_181 = tpu.memref_slice %arg7[%dma_wait3A_180] : memref<256xi32, #tpu.memory_space<vmem>> -> memref<16xi32, #tpu.memory_space<vmem>>
    %dma_wait3A_182 = arith.constant 0 : i32
    %dma_wait3A_183 = arith.constant 0 : i32
    %dma_wait3A_184 = tpu.memref_slice %arg4[%dma_wait3A_182, %dma_wait3A_183] : memref<50257x1024xf32, #tpu.memory_space<hbm>> -> memref<50257x1024xf32, #tpu.memory_space<hbm>>
    tpu.wait_indirect_dma semaphore(%arg13 : memref<!tpu.dma_semaphore, #tpu.memory_space<semaphore_mem>>) src(%dma_wait3A_184 : memref<50257x1024xf32, #tpu.memory_space<hbm>>) dst(%arg10 : memref<16x1024xf32, #tpu.memory_space<vmem>>)
    %parallel_loop3A_185 = arith.constant 0 : i32
    %parallel_loop3A_186 = arith.constant 1024 : i32
    %parallel_loop3A_187 = arith.constant 1 : i32
    scf.for %parallel_loop3A_440 = %parallel_loop3A_185 to %parallel_loop3A_186 step %parallel_loop3A_187  : i32 {
      %parallel_loop3A_441 = arith.constant 64 : i32
      %parallel_loop3A_442 = arith.divsi %parallel_loop3A_440, %parallel_loop3A_441 : i32
      %parallel_loop3A_443 = arith.constant 64 : i32
      %parallel_loop3A_444 = arith.remsi %parallel_loop3A_440, %parallel_loop3A_443 : i32
      %parallel_loop3A_445 = arith.constant 16 : i32
      %parallel_loop3A_446 = arith.muli %parallel_loop3A_444, %parallel_loop3A_445 : i32
      %parallel_loop3A_447 = arith.index_cast %parallel_loop3A_442 : i32 to index
      %parallel_loop3A_448 = arith.index_cast %parallel_loop3A_446 : i32 to index
      %parallel_loop3A_449 = tpu.vector_load %arg10[%parallel_loop3A_447, %parallel_loop3A_448] {strides = array<i32>} : memref<16x1024xf32, #tpu.memory_space<vmem>>, vector<1x16xf32>,
      %parallel_loop3A_450 = vector.shape_cast %parallel_loop3A_449 : vector<1x16xf32> to vector<16xf32>
      %parallel_loop3A_451 = arith.constant 32 : i32
      %parallel_loop3A_452 = arith.addi %parallel_loop3A_451, %parallel_loop3A_442 : i32
      %parallel_loop3A_453 = arith.index_cast %parallel_loop3A_452 : i32 to index
      %parallel_loop3A_454 = arith.index_cast %parallel_loop3A_446 : i32 to index
      %parallel_loop3A_455 = tpu.vector_load %arg9[%parallel_loop3A_453, %parallel_loop3A_454] {strides = array<i32>} : memref<64x1024xf32, #tpu.memory_space<vmem>>, vector<1x16xf32>,
      %parallel_loop3A_456 = vector.shape_cast %parallel_loop3A_455 : vector<1x16xf32> to vector<16xf32>
      %parallel_loop3A_457 = arith.addf %parallel_loop3A_450, %parallel_loop3A_456 : vector<16xf32>
      %parallel_loop3A_458 = arith.index_cast %parallel_loop3A_442 : i32 to index
      %parallel_loop3A_459 = arith.index_cast %parallel_loop3A_446 : i32 to index
      %parallel_loop3A_460 = tpu.vector_load %arg10[%parallel_loop3A_458, %parallel_loop3A_459] {strides = array<i32>} : memref<16x1024xf32, #tpu.memory_space<vmem>>, vector<1x16xf32>,
      %parallel_loop3A_461 = vector.shape_cast %parallel_loop3A_460 : vector<1x16xf32> to vector<16xf32>
      %parallel_loop3A_462 = vector.shape_cast %parallel_loop3A_457 : vector<16xf32> to vector<1x16xf32>
      tpu.vector_store %arg10[%parallel_loop3A_458, %parallel_loop3A_459], %parallel_loop3A_462 {strides = array<i32>} : memref<16x1024xf32, #tpu.memory_space<vmem>>, vector<1x16xf32>,
    } {sc.loop_unroll_factor = 8 : i64, sc.parallel_access}
    %mul3A_188 = arith.constant 64 : i32
    %mul3A_189 = arith.muli %add3A, %mul3A_188 : i32
    %add3A_190 = arith.constant 2048 : i32
    %add3A_191 = arith.addi %add3A_190, %mul3A_189 : i32
    %add3A_192 = arith.constant 32 : i32
    %add3A_193 = arith.addi %add3A_191, %add3A_192 : i32
    %dma_start3A_194 = arith.constant 0 : i32
    %dma_start3A_195 = tpu.memref_slice %arg6[%add3A_193, %dma_start3A_194] : memref<8192x1024xf32, #tpu.memory_space<hbm>> -> memref<16x1024xf32, #tpu.memory_space<hbm>>
    %dma_start3A_196 = arith.constant 0 : i32
    %dma_start3A_197 = tpu.memref_slice %arg6[%add3A_193, %dma_start3A_196] : memref<8192x1024xf32, #tpu.memory_space<hbm>> -> memref<16x1024xf32, #tpu.memory_space<hbm>>
    tpu.enqueue_dma source(%arg10 : memref<16x1024xf32, #tpu.memory_space<vmem>>) target(%dma_start3A_197 : memref<16x1024xf32, #tpu.memory_space<hbm>>) target_semaphore(%arg15 : memref<!tpu.dma_semaphore, #tpu.memory_space<semaphore_mem>>)
    %dma_wait3A_198 = arith.constant 0 : i32
    %dma_wait3A_199 = tpu.memref_slice %arg6[%add3A_193, %dma_wait3A_198] : memref<8192x1024xf32, #tpu.memory_space<hbm>> -> memref<16x1024xf32, #tpu.memory_space<hbm>>
    %dma_wait3A_200 = arith.constant 0 : i32
    %dma_wait3A_201 = tpu.memref_slice %arg6[%add3A_193, %dma_wait3A_200] : memref<8192x1024xf32, #tpu.memory_space<hbm>> -> memref<16x1024xf32, #tpu.memory_space<hbm>>
    tpu.wait_dma2 semaphore(%arg15 : memref<!tpu.dma_semaphore, #tpu.memory_space<semaphore_mem>>) src(%arg10 : memref<16x1024xf32, #tpu.memory_space<vmem>>) dst(%dma_wait3A_201 : memref<16x1024xf32, #tpu.memory_space<hbm>>)
    %dma_start3A_202 = arith.constant 128 : i32
    %dma_start3A_203 = tpu.memref_slice %arg7[%dma_start3A_202] : memref<256xi32, #tpu.memory_space<vmem>> -> memref<16xi32, #tpu.memory_space<vmem>>
    %dma_start3A_204 = arith.constant 0 : i32
    %dma_start3A_205 = arith.constant 0 : i32
    %dma_start3A_206 = tpu.memref_slice %arg4[%dma_start3A_204, %dma_start3A_205] : memref<50257x1024xf32, #tpu.memory_space<hbm>> -> memref<50257x1024xf32, #tpu.memory_space<hbm>>
    tpu.enqueue_indirect_dma source(%dma_start3A_206 : memref<50257x1024xf32, #tpu.memory_space<hbm>>) target(%arg10 : memref<16x1024xf32, #tpu.memory_space<vmem>>) offsets(%dma_start3A_203 : memref<16xi32, #tpu.memory_space<vmem>>) semaphore(%arg13 : memref<!tpu.dma_semaphore, #tpu.memory_space<semaphore_mem>>)
    %dma_wait3A_207 = arith.constant 112 : i32
    %dma_wait3A_208 = tpu.memref_slice %arg7[%dma_wait3A_207] : memref<256xi32, #tpu.memory_space<vmem>> -> memref<16xi32, #tpu.memory_space<vmem>>
    %dma_wait3A_209 = arith.constant 0 : i32
    %dma_wait3A_210 = arith.constant 0 : i32
    %dma_wait3A_211 = tpu.memref_slice %arg4[%dma_wait3A_209, %dma_wait3A_210] : memref<50257x1024xf32, #tpu.memory_space<hbm>> -> memref<50257x1024xf32, #tpu.memory_space<hbm>>
    tpu.wait_indirect_dma semaphore(%arg14 : memref<!tpu.dma_semaphore, #tpu.memory_space<semaphore_mem>>) src(%dma_wait3A_211 : memref<50257x1024xf32, #tpu.memory_space<hbm>>) dst(%arg11 : memref<16x1024xf32, #tpu.memory_space<vmem>>)
    %parallel_loop3A_212 = arith.constant 0 : i32
    %parallel_loop3A_213 = arith.constant 1024 : i32
    %parallel_loop3A_214 = arith.constant 1 : i32
    scf.for %parallel_loop3A_440 = %parallel_loop3A_212 to %parallel_loop3A_213 step %parallel_loop3A_214  : i32 {
      %parallel_loop3A_441 = arith.constant 64 : i32
      %parallel_loop3A_442 = arith.divsi %parallel_loop3A_440, %parallel_loop3A_441 : i32
      %parallel_loop3A_443 = arith.constant 64 : i32
      %parallel_loop3A_444 = arith.remsi %parallel_loop3A_440, %parallel_loop3A_443 : i32
      %parallel_loop3A_445 = arith.constant 16 : i32
      %parallel_loop3A_446 = arith.muli %parallel_loop3A_444, %parallel_loop3A_445 : i32
      %parallel_loop3A_447 = arith.index_cast %parallel_loop3A_442 : i32 to index
      %parallel_loop3A_448 = arith.index_cast %parallel_loop3A_446 : i32 to index
      %parallel_loop3A_449 = tpu.vector_load %arg11[%parallel_loop3A_447, %parallel_loop3A_448] {strides = array<i32>} : memref<16x1024xf32, #tpu.memory_space<vmem>>, vector<1x16xf32>,
      %parallel_loop3A_450 = vector.shape_cast %parallel_loop3A_449 : vector<1x16xf32> to vector<16xf32>
      %parallel_loop3A_451 = arith.constant 48 : i32
      %parallel_loop3A_452 = arith.addi %parallel_loop3A_451, %parallel_loop3A_442 : i32
      %parallel_loop3A_453 = arith.index_cast %parallel_loop3A_452 : i32 to index
      %parallel_loop3A_454 = arith.index_cast %parallel_loop3A_446 : i32 to index
      %parallel_loop3A_455 = tpu.vector_load %arg9[%parallel_loop3A_453, %parallel_loop3A_454] {strides = array<i32>} : memref<64x1024xf32, #tpu.memory_space<vmem>>, vector<1x16xf32>,
      %parallel_loop3A_456 = vector.shape_cast %parallel_loop3A_455 : vector<1x16xf32> to vector<16xf32>
      %parallel_loop3A_457 = arith.addf %parallel_loop3A_450, %parallel_loop3A_456 : vector<16xf32>
      %parallel_loop3A_458 = arith.index_cast %parallel_loop3A_442 : i32 to index
      %parallel_loop3A_459 = arith.index_cast %parallel_loop3A_446 : i32 to index
      %parallel_loop3A_460 = tpu.vector_load %arg11[%parallel_loop3A_458, %parallel_loop3A_459] {strides = array<i32>} : memref<16x1024xf32, #tpu.memory_space<vmem>>, vector<1x16xf32>,
      %parallel_loop3A_461 = vector.shape_cast %parallel_loop3A_460 : vector<1x16xf32> to vector<16xf32>
      %parallel_loop3A_462 = vector.shape_cast %parallel_loop3A_457 : vector<16xf32> to vector<1x16xf32>
      tpu.vector_store %arg11[%parallel_loop3A_458, %parallel_loop3A_459], %parallel_loop3A_462 {strides = array<i32>} : memref<16x1024xf32, #tpu.memory_space<vmem>>, vector<1x16xf32>,
    } {sc.loop_unroll_factor = 8 : i64, sc.parallel_access}
    %mul3A_215 = arith.constant 64 : i32
    %mul3A_216 = arith.muli %add3A, %mul3A_215 : i32
    %add3A_217 = arith.constant 2048 : i32
    %add3A_218 = arith.addi %add3A_217, %mul3A_216 : i32
    %add3A_219 = arith.constant 48 : i32
    %add3A_220 = arith.addi %add3A_218, %add3A_219 : i32
    %dma_start3A_221 = arith.constant 0 : i32
    %dma_start3A_222 = tpu.memref_slice %arg6[%add3A_220, %dma_start3A_221] : memref<8192x1024xf32, #tpu.memory_space<hbm>> -> memref<16x1024xf32, #tpu.memory_space<hbm>>
    %dma_start3A_223 = arith.constant 0 : i32
    %dma_start3A_224 = tpu.memref_slice %arg6[%add3A_220, %dma_start3A_223] : memref<8192x1024xf32, #tpu.memory_space<hbm>> -> memref<16x1024xf32, #tpu.memory_space<hbm>>
    tpu.enqueue_dma source(%arg11 : memref<16x1024xf32, #tpu.memory_space<vmem>>) target(%dma_start3A_224 : memref<16x1024xf32, #tpu.memory_space<hbm>>) target_semaphore(%arg16 : memref<!tpu.dma_semaphore, #tpu.memory_space<semaphore_mem>>)
    %dma_wait3A_225 = arith.constant 0 : i32
    %dma_wait3A_226 = tpu.memref_slice %arg6[%add3A_220, %dma_wait3A_225] : memref<8192x1024xf32, #tpu.memory_space<hbm>> -> memref<16x1024xf32, #tpu.memory_space<hbm>>
    %dma_wait3A_227 = arith.constant 0 : i32
    %dma_wait3A_228 = tpu.memref_slice %arg6[%add3A_220, %dma_wait3A_227] : memref<8192x1024xf32, #tpu.memory_space<hbm>> -> memref<16x1024xf32, #tpu.memory_space<hbm>>
    tpu.wait_dma2 semaphore(%arg16 : memref<!tpu.dma_semaphore, #tpu.memory_space<semaphore_mem>>) src(%arg11 : memref<16x1024xf32, #tpu.memory_space<vmem>>) dst(%dma_wait3A_228 : memref<16x1024xf32, #tpu.memory_space<hbm>>)
    %dma_start3A_229 = arith.constant 144 : i32
    %dma_start3A_230 = tpu.memref_slice %arg7[%dma_start3A_229] : memref<256xi32, #tpu.memory_space<vmem>> -> memref<16xi32, #tpu.memory_space<vmem>>
    %dma_start3A_231 = arith.constant 0 : i32
    %dma_start3A_232 = arith.constant 0 : i32
    %dma_start3A_233 = tpu.memref_slice %arg4[%dma_start3A_231, %dma_start3A_232] : memref<50257x1024xf32, #tpu.memory_space<hbm>> -> memref<50257x1024xf32, #tpu.memory_space<hbm>>
    tpu.enqueue_indirect_dma source(%dma_start3A_233 : memref<50257x1024xf32, #tpu.memory_space<hbm>>) target(%arg11 : memref<16x1024xf32, #tpu.memory_space<vmem>>) offsets(%dma_start3A_230 : memref<16xi32, #tpu.memory_space<vmem>>) semaphore(%arg14 : memref<!tpu.dma_semaphore, #tpu.memory_space<semaphore_mem>>)
    %dma_wait3A_234 = arith.constant 128 : i32
    %dma_wait3A_235 = tpu.memref_slice %arg7[%dma_wait3A_234] : memref<256xi32, #tpu.memory_space<vmem>> -> memref<16xi32, #tpu.memory_space<vmem>>
    %dma_wait3A_236 = arith.constant 0 : i32
    %dma_wait3A_237 = arith.constant 0 : i32
    %dma_wait3A_238 = tpu.memref_slice %arg4[%dma_wait3A_236, %dma_wait3A_237] : memref<50257x1024xf32, #tpu.memory_space<hbm>> -> memref<50257x1024xf32, #tpu.memory_space<hbm>>
    tpu.wait_indirect_dma semaphore(%arg13 : memref<!tpu.dma_semaphore, #tpu.memory_space<semaphore_mem>>) src(%dma_wait3A_238 : memref<50257x1024xf32, #tpu.memory_space<hbm>>) dst(%arg10 : memref<16x1024xf32, #tpu.memory_space<vmem>>)
    %parallel_loop3A_239 = arith.constant 0 : i32
    %parallel_loop3A_240 = arith.constant 1024 : i32
    %parallel_loop3A_241 = arith.constant 1 : i32
    scf.for %parallel_loop3A_440 = %parallel_loop3A_239 to %parallel_loop3A_240 step %parallel_loop3A_241  : i32 {
      %parallel_loop3A_441 = arith.constant 64 : i32
      %parallel_loop3A_442 = arith.divsi %parallel_loop3A_440, %parallel_loop3A_441 : i32
      %parallel_loop3A_443 = arith.constant 64 : i32
      %parallel_loop3A_444 = arith.remsi %parallel_loop3A_440, %parallel_loop3A_443 : i32
      %parallel_loop3A_445 = arith.constant 16 : i32
      %parallel_loop3A_446 = arith.muli %parallel_loop3A_444, %parallel_loop3A_445 : i32
      %parallel_loop3A_447 = arith.index_cast %parallel_loop3A_442 : i32 to index
      %parallel_loop3A_448 = arith.index_cast %parallel_loop3A_446 : i32 to index
      %parallel_loop3A_449 = tpu.vector_load %arg10[%parallel_loop3A_447, %parallel_loop3A_448] {strides = array<i32>} : memref<16x1024xf32, #tpu.memory_space<vmem>>, vector<1x16xf32>,
      %parallel_loop3A_450 = vector.shape_cast %parallel_loop3A_449 : vector<1x16xf32> to vector<16xf32>
      %parallel_loop3A_451 = arith.constant 0 : i32
      %parallel_loop3A_452 = arith.addi %parallel_loop3A_451, %parallel_loop3A_442 : i32
      %parallel_loop3A_453 = arith.index_cast %parallel_loop3A_452 : i32 to index
      %parallel_loop3A_454 = arith.index_cast %parallel_loop3A_446 : i32 to index
      %parallel_loop3A_455 = tpu.vector_load %arg9[%parallel_loop3A_453, %parallel_loop3A_454] {strides = array<i32>} : memref<64x1024xf32, #tpu.memory_space<vmem>>, vector<1x16xf32>,
      %parallel_loop3A_456 = vector.shape_cast %parallel_loop3A_455 : vector<1x16xf32> to vector<16xf32>
      %parallel_loop3A_457 = arith.addf %parallel_loop3A_450, %parallel_loop3A_456 : vector<16xf32>
      %parallel_loop3A_458 = arith.index_cast %parallel_loop3A_442 : i32 to index
      %parallel_loop3A_459 = arith.index_cast %parallel_loop3A_446 : i32 to index
      %parallel_loop3A_460 = tpu.vector_load %arg10[%parallel_loop3A_458, %parallel_loop3A_459] {strides = array<i32>} : memref<16x1024xf32, #tpu.memory_space<vmem>>, vector<1x16xf32>,
      %parallel_loop3A_461 = vector.shape_cast %parallel_loop3A_460 : vector<1x16xf32> to vector<16xf32>
      %parallel_loop3A_462 = vector.shape_cast %parallel_loop3A_457 : vector<16xf32> to vector<1x16xf32>
      tpu.vector_store %arg10[%parallel_loop3A_458, %parallel_loop3A_459], %parallel_loop3A_462 {strides = array<i32>} : memref<16x1024xf32, #tpu.memory_space<vmem>>, vector<1x16xf32>,
    } {sc.loop_unroll_factor = 8 : i64, sc.parallel_access}
    %mul3A_242 = arith.constant 64 : i32
    %mul3A_243 = arith.muli %add3A, %mul3A_242 : i32
    %add3A_244 = arith.constant 4096 : i32
    %add3A_245 = arith.addi %add3A_244, %mul3A_243 : i32
    %add3A_246 = arith.constant 0 : i32
    %add3A_247 = arith.addi %add3A_245, %add3A_246 : i32
    %dma_start3A_248 = arith.constant 0 : i32
    %dma_start3A_249 = tpu.memref_slice %arg6[%add3A_247, %dma_start3A_248] : memref<8192x1024xf32, #tpu.memory_space<hbm>> -> memref<16x1024xf32, #tpu.memory_space<hbm>>
    %dma_start3A_250 = arith.constant 0 : i32
    %dma_start3A_251 = tpu.memref_slice %arg6[%add3A_247, %dma_start3A_250] : memref<8192x1024xf32, #tpu.memory_space<hbm>> -> memref<16x1024xf32, #tpu.memory_space<hbm>>
    tpu.enqueue_dma source(%arg10 : memref<16x1024xf32, #tpu.memory_space<vmem>>) target(%dma_start3A_251 : memref<16x1024xf32, #tpu.memory_space<hbm>>) target_semaphore(%arg15 : memref<!tpu.dma_semaphore, #tpu.memory_space<semaphore_mem>>)
    %dma_wait3A_252 = arith.constant 0 : i32
    %dma_wait3A_253 = tpu.memref_slice %arg6[%add3A_247, %dma_wait3A_252] : memref<8192x1024xf32, #tpu.memory_space<hbm>> -> memref<16x1024xf32, #tpu.memory_space<hbm>>
    %dma_wait3A_254 = arith.constant 0 : i32
    %dma_wait3A_255 = tpu.memref_slice %arg6[%add3A_247, %dma_wait3A_254] : memref<8192x1024xf32, #tpu.memory_space<hbm>> -> memref<16x1024xf32, #tpu.memory_space<hbm>>
    tpu.wait_dma2 semaphore(%arg15 : memref<!tpu.dma_semaphore, #tpu.memory_space<semaphore_mem>>) src(%arg10 : memref<16x1024xf32, #tpu.memory_space<vmem>>) dst(%dma_wait3A_255 : memref<16x1024xf32, #tpu.memory_space<hbm>>)
    %dma_start3A_256 = arith.constant 160 : i32
    %dma_start3A_257 = tpu.memref_slice %arg7[%dma_start3A_256] : memref<256xi32, #tpu.memory_space<vmem>> -> memref<16xi32, #tpu.memory_space<vmem>>
    %dma_start3A_258 = arith.constant 0 : i32
    %dma_start3A_259 = arith.constant 0 : i32
    %dma_start3A_260 = tpu.memref_slice %arg4[%dma_start3A_258, %dma_start3A_259] : memref<50257x1024xf32, #tpu.memory_space<hbm>> -> memref<50257x1024xf32, #tpu.memory_space<hbm>>
    tpu.enqueue_indirect_dma source(%dma_start3A_260 : memref<50257x1024xf32, #tpu.memory_space<hbm>>) target(%arg10 : memref<16x1024xf32, #tpu.memory_space<vmem>>) offsets(%dma_start3A_257 : memref<16xi32, #tpu.memory_space<vmem>>) semaphore(%arg13 : memref<!tpu.dma_semaphore, #tpu.memory_space<semaphore_mem>>)
    %dma_wait3A_261 = arith.constant 144 : i32
    %dma_wait3A_262 = tpu.memref_slice %arg7[%dma_wait3A_261] : memref<256xi32, #tpu.memory_space<vmem>> -> memref<16xi32, #tpu.memory_space<vmem>>
    %dma_wait3A_263 = arith.constant 0 : i32
    %dma_wait3A_264 = arith.constant 0 : i32
    %dma_wait3A_265 = tpu.memref_slice %arg4[%dma_wait3A_263, %dma_wait3A_264] : memref<50257x1024xf32, #tpu.memory_space<hbm>> -> memref<50257x1024xf32, #tpu.memory_space<hbm>>
    tpu.wait_indirect_dma semaphore(%arg14 : memref<!tpu.dma_semaphore, #tpu.memory_space<semaphore_mem>>) src(%dma_wait3A_265 : memref<50257x1024xf32, #tpu.memory_space<hbm>>) dst(%arg11 : memref<16x1024xf32, #tpu.memory_space<vmem>>)
    %parallel_loop3A_266 = arith.constant 0 : i32
    %parallel_loop3A_267 = arith.constant 1024 : i32
    %parallel_loop3A_268 = arith.constant 1 : i32
    scf.for %parallel_loop3A_440 = %parallel_loop3A_266 to %parallel_loop3A_267 step %parallel_loop3A_268  : i32 {
      %parallel_loop3A_441 = arith.constant 64 : i32
      %parallel_loop3A_442 = arith.divsi %parallel_loop3A_440, %parallel_loop3A_441 : i32
      %parallel_loop3A_443 = arith.constant 64 : i32
      %parallel_loop3A_444 = arith.remsi %parallel_loop3A_440, %parallel_loop3A_443 : i32
      %parallel_loop3A_445 = arith.constant 16 : i32
      %parallel_loop3A_446 = arith.muli %parallel_loop3A_444, %parallel_loop3A_445 : i32
      %parallel_loop3A_447 = arith.index_cast %parallel_loop3A_442 : i32 to index
      %parallel_loop3A_448 = arith.index_cast %parallel_loop3A_446 : i32 to index
      %parallel_loop3A_449 = tpu.vector_load %arg11[%parallel_loop3A_447, %parallel_loop3A_448] {strides = array<i32>} : memref<16x1024xf32, #tpu.memory_space<vmem>>, vector<1x16xf32>,
      %parallel_loop3A_450 = vector.shape_cast %parallel_loop3A_449 : vector<1x16xf32> to vector<16xf32>
      %parallel_loop3A_451 = arith.constant 16 : i32
      %parallel_loop3A_452 = arith.addi %parallel_loop3A_451, %parallel_loop3A_442 : i32
      %parallel_loop3A_453 = arith.index_cast %parallel_loop3A_452 : i32 to index
      %parallel_loop3A_454 = arith.index_cast %parallel_loop3A_446 : i32 to index
      %parallel_loop3A_455 = tpu.vector_load %arg9[%parallel_loop3A_453, %parallel_loop3A_454] {strides = array<i32>} : memref<64x1024xf32, #tpu.memory_space<vmem>>, vector<1x16xf32>,
      %parallel_loop3A_456 = vector.shape_cast %parallel_loop3A_455 : vector<1x16xf32> to vector<16xf32>
      %parallel_loop3A_457 = arith.addf %parallel_loop3A_450, %parallel_loop3A_456 : vector<16xf32>
      %parallel_loop3A_458 = arith.index_cast %parallel_loop3A_442 : i32 to index
      %parallel_loop3A_459 = arith.index_cast %parallel_loop3A_446 : i32 to index
      %parallel_loop3A_460 = tpu.vector_load %arg11[%parallel_loop3A_458, %parallel_loop3A_459] {strides = array<i32>} : memref<16x1024xf32, #tpu.memory_space<vmem>>, vector<1x16xf32>,
      %parallel_loop3A_461 = vector.shape_cast %parallel_loop3A_460 : vector<1x16xf32> to vector<16xf32>
      %parallel_loop3A_462 = vector.shape_cast %parallel_loop3A_457 : vector<16xf32> to vector<1x16xf32>
      tpu.vector_store %arg11[%parallel_loop3A_458, %parallel_loop3A_459], %parallel_loop3A_462 {strides = array<i32>} : memref<16x1024xf32, #tpu.memory_space<vmem>>, vector<1x16xf32>,
    } {sc.loop_unroll_factor = 8 : i64, sc.parallel_access}
    %mul3A_269 = arith.constant 64 : i32
    %mul3A_270 = arith.muli %add3A, %mul3A_269 : i32
    %add3A_271 = arith.constant 4096 : i32
    %add3A_272 = arith.addi %add3A_271, %mul3A_270 : i32
    %add3A_273 = arith.constant 16 : i32
    %add3A_274 = arith.addi %add3A_272, %add3A_273 : i32
    %dma_start3A_275 = arith.constant 0 : i32
    %dma_start3A_276 = tpu.memref_slice %arg6[%add3A_274, %dma_start3A_275] : memref<8192x1024xf32, #tpu.memory_space<hbm>> -> memref<16x1024xf32, #tpu.memory_space<hbm>>
    %dma_start3A_277 = arith.constant 0 : i32
    %dma_start3A_278 = tpu.memref_slice %arg6[%add3A_274, %dma_start3A_277] : memref<8192x1024xf32, #tpu.memory_space<hbm>> -> memref<16x1024xf32, #tpu.memory_space<hbm>>
    tpu.enqueue_dma source(%arg11 : memref<16x1024xf32, #tpu.memory_space<vmem>>) target(%dma_start3A_278 : memref<16x1024xf32, #tpu.memory_space<hbm>>) target_semaphore(%arg16 : memref<!tpu.dma_semaphore, #tpu.memory_space<semaphore_mem>>)
    %dma_wait3A_279 = arith.constant 0 : i32
    %dma_wait3A_280 = tpu.memref_slice %arg6[%add3A_274, %dma_wait3A_279] : memref<8192x1024xf32, #tpu.memory_space<hbm>> -> memref<16x1024xf32, #tpu.memory_space<hbm>>
    %dma_wait3A_281 = arith.constant 0 : i32
    %dma_wait3A_282 = tpu.memref_slice %arg6[%add3A_274, %dma_wait3A_281] : memref<8192x1024xf32, #tpu.memory_space<hbm>> -> memref<16x1024xf32, #tpu.memory_space<hbm>>
    tpu.wait_dma2 semaphore(%arg16 : memref<!tpu.dma_semaphore, #tpu.memory_space<semaphore_mem>>) src(%arg11 : memref<16x1024xf32, #tpu.memory_space<vmem>>) dst(%dma_wait3A_282 : memref<16x1024xf32, #tpu.memory_space<hbm>>)
    %dma_start3A_283 = arith.constant 176 : i32
    %dma_start3A_284 = tpu.memref_slice %arg7[%dma_start3A_283] : memref<256xi32, #tpu.memory_space<vmem>> -> memref<16xi32, #tpu.memory_space<vmem>>
    %dma_start3A_285 = arith.constant 0 : i32
    %dma_start3A_286 = arith.constant 0 : i32
    %dma_start3A_287 = tpu.memref_slice %arg4[%dma_start3A_285, %dma_start3A_286] : memref<50257x1024xf32, #tpu.memory_space<hbm>> -> memref<50257x1024xf32, #tpu.memory_space<hbm>>
    tpu.enqueue_indirect_dma source(%dma_start3A_287 : memref<50257x1024xf32, #tpu.memory_space<hbm>>) target(%arg11 : memref<16x1024xf32, #tpu.memory_space<vmem>>) offsets(%dma_start3A_284 : memref<16xi32, #tpu.memory_space<vmem>>) semaphore(%arg14 : memref<!tpu.dma_semaphore, #tpu.memory_space<semaphore_mem>>)
    %dma_wait3A_288 = arith.constant 160 : i32
    %dma_wait3A_289 = tpu.memref_slice %arg7[%dma_wait3A_288] : memref<256xi32, #tpu.memory_space<vmem>> -> memref<16xi32, #tpu.memory_space<vmem>>
    %dma_wait3A_290 = arith.constant 0 : i32
    %dma_wait3A_291 = arith.constant 0 : i32
    %dma_wait3A_292 = tpu.memref_slice %arg4[%dma_wait3A_290, %dma_wait3A_291] : memref<50257x1024xf32, #tpu.memory_space<hbm>> -> memref<50257x1024xf32, #tpu.memory_space<hbm>>
    tpu.wait_indirect_dma semaphore(%arg13 : memref<!tpu.dma_semaphore, #tpu.memory_space<semaphore_mem>>) src(%dma_wait3A_292 : memref<50257x1024xf32, #tpu.memory_space<hbm>>) dst(%arg10 : memref<16x1024xf32, #tpu.memory_space<vmem>>)
    %parallel_loop3A_293 = arith.constant 0 : i32
    %parallel_loop3A_294 = arith.constant 1024 : i32
    %parallel_loop3A_295 = arith.constant 1 : i32
    scf.for %parallel_loop3A_440 = %parallel_loop3A_293 to %parallel_loop3A_294 step %parallel_loop3A_295  : i32 {
      %parallel_loop3A_441 = arith.constant 64 : i32
      %parallel_loop3A_442 = arith.divsi %parallel_loop3A_440, %parallel_loop3A_441 : i32
      %parallel_loop3A_443 = arith.constant 64 : i32
      %parallel_loop3A_444 = arith.remsi %parallel_loop3A_440, %parallel_loop3A_443 : i32
      %parallel_loop3A_445 = arith.constant 16 : i32
      %parallel_loop3A_446 = arith.muli %parallel_loop3A_444, %parallel_loop3A_445 : i32
      %parallel_loop3A_447 = arith.index_cast %parallel_loop3A_442 : i32 to index
      %parallel_loop3A_448 = arith.index_cast %parallel_loop3A_446 : i32 to index
      %parallel_loop3A_449 = tpu.vector_load %arg10[%parallel_loop3A_447, %parallel_loop3A_448] {strides = array<i32>} : memref<16x1024xf32, #tpu.memory_space<vmem>>, vector<1x16xf32>,
      %parallel_loop3A_450 = vector.shape_cast %parallel_loop3A_449 : vector<1x16xf32> to vector<16xf32>
      %parallel_loop3A_451 = arith.constant 32 : i32
      %parallel_loop3A_452 = arith.addi %parallel_loop3A_451, %parallel_loop3A_442 : i32
      %parallel_loop3A_453 = arith.index_cast %parallel_loop3A_452 : i32 to index
      %parallel_loop3A_454 = arith.index_cast %parallel_loop3A_446 : i32 to index
      %parallel_loop3A_455 = tpu.vector_load %arg9[%parallel_loop3A_453, %parallel_loop3A_454] {strides = array<i32>} : memref<64x1024xf32, #tpu.memory_space<vmem>>, vector<1x16xf32>,
      %parallel_loop3A_456 = vector.shape_cast %parallel_loop3A_455 : vector<1x16xf32> to vector<16xf32>
      %parallel_loop3A_457 = arith.addf %parallel_loop3A_450, %parallel_loop3A_456 : vector<16xf32>
      %parallel_loop3A_458 = arith.index_cast %parallel_loop3A_442 : i32 to index
      %parallel_loop3A_459 = arith.index_cast %parallel_loop3A_446 : i32 to index
      %parallel_loop3A_460 = tpu.vector_load %arg10[%parallel_loop3A_458, %parallel_loop3A_459] {strides = array<i32>} : memref<16x1024xf32, #tpu.memory_space<vmem>>, vector<1x16xf32>,
      %parallel_loop3A_461 = vector.shape_cast %parallel_loop3A_460 : vector<1x16xf32> to vector<16xf32>
      %parallel_loop3A_462 = vector.shape_cast %parallel_loop3A_457 : vector<16xf32> to vector<1x16xf32>
      tpu.vector_store %arg10[%parallel_loop3A_458, %parallel_loop3A_459], %parallel_loop3A_462 {strides = array<i32>} : memref<16x1024xf32, #tpu.memory_space<vmem>>, vector<1x16xf32>,
    } {sc.loop_unroll_factor = 8 : i64, sc.parallel_access}
    %mul3A_296 = arith.constant 64 : i32
    %mul3A_297 = arith.muli %add3A, %mul3A_296 : i32
    %add3A_298 = arith.constant 4096 : i32
    %add3A_299 = arith.addi %add3A_298, %mul3A_297 : i32
    %add3A_300 = arith.constant 32 : i32
    %add3A_301 = arith.addi %add3A_299, %add3A_300 : i32
    %dma_start3A_302 = arith.constant 0 : i32
    %dma_start3A_303 = tpu.memref_slice %arg6[%add3A_301, %dma_start3A_302] : memref<8192x1024xf32, #tpu.memory_space<hbm>> -> memref<16x1024xf32, #tpu.memory_space<hbm>>
    %dma_start3A_304 = arith.constant 0 : i32
    %dma_start3A_305 = tpu.memref_slice %arg6[%add3A_301, %dma_start3A_304] : memref<8192x1024xf32, #tpu.memory_space<hbm>> -> memref<16x1024xf32, #tpu.memory_space<hbm>>
    tpu.enqueue_dma source(%arg10 : memref<16x1024xf32, #tpu.memory_space<vmem>>) target(%dma_start3A_305 : memref<16x1024xf32, #tpu.memory_space<hbm>>) target_semaphore(%arg15 : memref<!tpu.dma_semaphore, #tpu.memory_space<semaphore_mem>>)
    %dma_wait3A_306 = arith.constant 0 : i32
    %dma_wait3A_307 = tpu.memref_slice %arg6[%add3A_301, %dma_wait3A_306] : memref<8192x1024xf32, #tpu.memory_space<hbm>> -> memref<16x1024xf32, #tpu.memory_space<hbm>>
    %dma_wait3A_308 = arith.constant 0 : i32
    %dma_wait3A_309 = tpu.memref_slice %arg6[%add3A_301, %dma_wait3A_308] : memref<8192x1024xf32, #tpu.memory_space<hbm>> -> memref<16x1024xf32, #tpu.memory_space<hbm>>
    tpu.wait_dma2 semaphore(%arg15 : memref<!tpu.dma_semaphore, #tpu.memory_space<semaphore_mem>>) src(%arg10 : memref<16x1024xf32, #tpu.memory_space<vmem>>) dst(%dma_wait3A_309 : memref<16x1024xf32, #tpu.memory_space<hbm>>)
    %dma_start3A_310 = arith.constant 192 : i32
    %dma_start3A_311 = tpu.memref_slice %arg7[%dma_start3A_310] : memref<256xi32, #tpu.memory_space<vmem>> -> memref<16xi32, #tpu.memory_space<vmem>>
    %dma_start3A_312 = arith.constant 0 : i32
    %dma_start3A_313 = arith.constant 0 : i32
    %dma_start3A_314 = tpu.memref_slice %arg4[%dma_start3A_312, %dma_start3A_313] : memref<50257x1024xf32, #tpu.memory_space<hbm>> -> memref<50257x1024xf32, #tpu.memory_space<hbm>>
    tpu.enqueue_indirect_dma source(%dma_start3A_314 : memref<50257x1024xf32, #tpu.memory_space<hbm>>) target(%arg10 : memref<16x1024xf32, #tpu.memory_space<vmem>>) offsets(%dma_start3A_311 : memref<16xi32, #tpu.memory_space<vmem>>) semaphore(%arg13 : memref<!tpu.dma_semaphore, #tpu.memory_space<semaphore_mem>>)
    %dma_wait3A_315 = arith.constant 176 : i32
    %dma_wait3A_316 = tpu.memref_slice %arg7[%dma_wait3A_315] : memref<256xi32, #tpu.memory_space<vmem>> -> memref<16xi32, #tpu.memory_space<vmem>>
    %dma_wait3A_317 = arith.constant 0 : i32
    %dma_wait3A_318 = arith.constant 0 : i32
    %dma_wait3A_319 = tpu.memref_slice %arg4[%dma_wait3A_317, %dma_wait3A_318] : memref<50257x1024xf32, #tpu.memory_space<hbm>> -> memref<50257x1024xf32, #tpu.memory_space<hbm>>
    tpu.wait_indirect_dma semaphore(%arg14 : memref<!tpu.dma_semaphore, #tpu.memory_space<semaphore_mem>>) src(%dma_wait3A_319 : memref<50257x1024xf32, #tpu.memory_space<hbm>>) dst(%arg11 : memref<16x1024xf32, #tpu.memory_space<vmem>>)
    %parallel_loop3A_320 = arith.constant 0 : i32
    %parallel_loop3A_321 = arith.constant 1024 : i32
    %parallel_loop3A_322 = arith.constant 1 : i32
    scf.for %parallel_loop3A_440 = %parallel_loop3A_320 to %parallel_loop3A_321 step %parallel_loop3A_322  : i32 {
      %parallel_loop3A_441 = arith.constant 64 : i32
      %parallel_loop3A_442 = arith.divsi %parallel_loop3A_440, %parallel_loop3A_441 : i32
      %parallel_loop3A_443 = arith.constant 64 : i32
      %parallel_loop3A_444 = arith.remsi %parallel_loop3A_440, %parallel_loop3A_443 : i32
      %parallel_loop3A_445 = arith.constant 16 : i32
      %parallel_loop3A_446 = arith.muli %parallel_loop3A_444, %parallel_loop3A_445 : i32
      %parallel_loop3A_447 = arith.index_cast %parallel_loop3A_442 : i32 to index
      %parallel_loop3A_448 = arith.index_cast %parallel_loop3A_446 : i32 to index
      %parallel_loop3A_449 = tpu.vector_load %arg11[%parallel_loop3A_447, %parallel_loop3A_448] {strides = array<i32>} : memref<16x1024xf32, #tpu.memory_space<vmem>>, vector<1x16xf32>,
      %parallel_loop3A_450 = vector.shape_cast %parallel_loop3A_449 : vector<1x16xf32> to vector<16xf32>
      %parallel_loop3A_451 = arith.constant 48 : i32
      %parallel_loop3A_452 = arith.addi %parallel_loop3A_451, %parallel_loop3A_442 : i32
      %parallel_loop3A_453 = arith.index_cast %parallel_loop3A_452 : i32 to index
      %parallel_loop3A_454 = arith.index_cast %parallel_loop3A_446 : i32 to index
      %parallel_loop3A_455 = tpu.vector_load %arg9[%parallel_loop3A_453, %parallel_loop3A_454] {strides = array<i32>} : memref<64x1024xf32, #tpu.memory_space<vmem>>, vector<1x16xf32>,
      %parallel_loop3A_456 = vector.shape_cast %parallel_loop3A_455 : vector<1x16xf32> to vector<16xf32>
      %parallel_loop3A_457 = arith.addf %parallel_loop3A_450, %parallel_loop3A_456 : vector<16xf32>
      %parallel_loop3A_458 = arith.index_cast %parallel_loop3A_442 : i32 to index
      %parallel_loop3A_459 = arith.index_cast %parallel_loop3A_446 : i32 to index
      %parallel_loop3A_460 = tpu.vector_load %arg11[%parallel_loop3A_458, %parallel_loop3A_459] {strides = array<i32>} : memref<16x1024xf32, #tpu.memory_space<vmem>>, vector<1x16xf32>,
      %parallel_loop3A_461 = vector.shape_cast %parallel_loop3A_460 : vector<1x16xf32> to vector<16xf32>
      %parallel_loop3A_462 = vector.shape_cast %parallel_loop3A_457 : vector<16xf32> to vector<1x16xf32>
      tpu.vector_store %arg11[%parallel_loop3A_458, %parallel_loop3A_459], %parallel_loop3A_462 {strides = array<i32>} : memref<16x1024xf32, #tpu.memory_space<vmem>>, vector<1x16xf32>,
    } {sc.loop_unroll_factor = 8 : i64, sc.parallel_access}
    %mul3A_323 = arith.constant 64 : i32
    %mul3A_324 = arith.muli %add3A, %mul3A_323 : i32
    %add3A_325 = arith.constant 4096 : i32
    %add3A_326 = arith.addi %add3A_325, %mul3A_324 : i32
    %add3A_327 = arith.constant 48 : i32
    %add3A_328 = arith.addi %add3A_326, %add3A_327 : i32
    %dma_start3A_329 = arith.constant 0 : i32
    %dma_start3A_330 = tpu.memref_slice %arg6[%add3A_328, %dma_start3A_329] : memref<8192x1024xf32, #tpu.memory_space<hbm>> -> memref<16x1024xf32, #tpu.memory_space<hbm>>
    %dma_start3A_331 = arith.constant 0 : i32
    %dma_start3A_332 = tpu.memref_slice %arg6[%add3A_328, %dma_start3A_331] : memref<8192x1024xf32, #tpu.memory_space<hbm>> -> memref<16x1024xf32, #tpu.memory_space<hbm>>
    tpu.enqueue_dma source(%arg11 : memref<16x1024xf32, #tpu.memory_space<vmem>>) target(%dma_start3A_332 : memref<16x1024xf32, #tpu.memory_space<hbm>>) target_semaphore(%arg16 : memref<!tpu.dma_semaphore, #tpu.memory_space<semaphore_mem>>)
    %dma_wait3A_333 = arith.constant 0 : i32
    %dma_wait3A_334 = tpu.memref_slice %arg6[%add3A_328, %dma_wait3A_333] : memref<8192x1024xf32, #tpu.memory_space<hbm>> -> memref<16x1024xf32, #tpu.memory_space<hbm>>
    %dma_wait3A_335 = arith.constant 0 : i32
    %dma_wait3A_336 = tpu.memref_slice %arg6[%add3A_328, %dma_wait3A_335] : memref<8192x1024xf32, #tpu.memory_space<hbm>> -> memref<16x1024xf32, #tpu.memory_space<hbm>>
    tpu.wait_dma2 semaphore(%arg16 : memref<!tpu.dma_semaphore, #tpu.memory_space<semaphore_mem>>) src(%arg11 : memref<16x1024xf32, #tpu.memory_space<vmem>>) dst(%dma_wait3A_336 : memref<16x1024xf32, #tpu.memory_space<hbm>>)
    %dma_start3A_337 = arith.constant 208 : i32
    %dma_start3A_338 = tpu.memref_slice %arg7[%dma_start3A_337] : memref<256xi32, #tpu.memory_space<vmem>> -> memref<16xi32, #tpu.memory_space<vmem>>
    %dma_start3A_339 = arith.constant 0 : i32
    %dma_start3A_340 = arith.constant 0 : i32
    %dma_start3A_341 = tpu.memref_slice %arg4[%dma_start3A_339, %dma_start3A_340] : memref<50257x1024xf32, #tpu.memory_space<hbm>> -> memref<50257x1024xf32, #tpu.memory_space<hbm>>
    tpu.enqueue_indirect_dma source(%dma_start3A_341 : memref<50257x1024xf32, #tpu.memory_space<hbm>>) target(%arg11 : memref<16x1024xf32, #tpu.memory_space<vmem>>) offsets(%dma_start3A_338 : memref<16xi32, #tpu.memory_space<vmem>>) semaphore(%arg14 : memref<!tpu.dma_semaphore, #tpu.memory_space<semaphore_mem>>)
    %dma_wait3A_342 = arith.constant 192 : i32
    %dma_wait3A_343 = tpu.memref_slice %arg7[%dma_wait3A_342] : memref<256xi32, #tpu.memory_space<vmem>> -> memref<16xi32, #tpu.memory_space<vmem>>
    %dma_wait3A_344 = arith.constant 0 : i32
    %dma_wait3A_345 = arith.constant 0 : i32
    %dma_wait3A_346 = tpu.memref_slice %arg4[%dma_wait3A_344, %dma_wait3A_345] : memref<50257x1024xf32, #tpu.memory_space<hbm>> -> memref<50257x1024xf32, #tpu.memory_space<hbm>>
    tpu.wait_indirect_dma semaphore(%arg13 : memref<!tpu.dma_semaphore, #tpu.memory_space<semaphore_mem>>) src(%dma_wait3A_346 : memref<50257x1024xf32, #tpu.memory_space<hbm>>) dst(%arg10 : memref<16x1024xf32, #tpu.memory_space<vmem>>)
    %parallel_loop3A_347 = arith.constant 0 : i32
    %parallel_loop3A_348 = arith.constant 1024 : i32
    %parallel_loop3A_349 = arith.constant 1 : i32
    scf.for %parallel_loop3A_440 = %parallel_loop3A_347 to %parallel_loop3A_348 step %parallel_loop3A_349  : i32 {
      %parallel_loop3A_441 = arith.constant 64 : i32
      %parallel_loop3A_442 = arith.divsi %parallel_loop3A_440, %parallel_loop3A_441 : i32
      %parallel_loop3A_443 = arith.constant 64 : i32
      %parallel_loop3A_444 = arith.remsi %parallel_loop3A_440, %parallel_loop3A_443 : i32
      %parallel_loop3A_445 = arith.constant 16 : i32
      %parallel_loop3A_446 = arith.muli %parallel_loop3A_444, %parallel_loop3A_445 : i32
      %parallel_loop3A_447 = arith.index_cast %parallel_loop3A_442 : i32 to index
      %parallel_loop3A_448 = arith.index_cast %parallel_loop3A_446 : i32 to index
      %parallel_loop3A_449 = tpu.vector_load %arg10[%parallel_loop3A_447, %parallel_loop3A_448] {strides = array<i32>} : memref<16x1024xf32, #tpu.memory_space<vmem>>, vector<1x16xf32>,
      %parallel_loop3A_450 = vector.shape_cast %parallel_loop3A_449 : vector<1x16xf32> to vector<16xf32>
      %parallel_loop3A_451 = arith.constant 0 : i32
      %parallel_loop3A_452 = arith.addi %parallel_loop3A_451, %parallel_loop3A_442 : i32
      %parallel_loop3A_453 = arith.index_cast %parallel_loop3A_452 : i32 to index
      %parallel_loop3A_454 = arith.index_cast %parallel_loop3A_446 : i32 to index
      %parallel_loop3A_455 = tpu.vector_load %arg9[%parallel_loop3A_453, %parallel_loop3A_454] {strides = array<i32>} : memref<64x1024xf32, #tpu.memory_space<vmem>>, vector<1x16xf32>,
      %parallel_loop3A_456 = vector.shape_cast %parallel_loop3A_455 : vector<1x16xf32> to vector<16xf32>
      %parallel_loop3A_457 = arith.addf %parallel_loop3A_450, %parallel_loop3A_456 : vector<16xf32>
      %parallel_loop3A_458 = arith.index_cast %parallel_loop3A_442 : i32 to index
      %parallel_loop3A_459 = arith.index_cast %parallel_loop3A_446 : i32 to index
      %parallel_loop3A_460 = tpu.vector_load %arg10[%parallel_loop3A_458, %parallel_loop3A_459] {strides = array<i32>} : memref<16x1024xf32, #tpu.memory_space<vmem>>, vector<1x16xf32>,
      %parallel_loop3A_461 = vector.shape_cast %parallel_loop3A_460 : vector<1x16xf32> to vector<16xf32>
      %parallel_loop3A_462 = vector.shape_cast %parallel_loop3A_457 : vector<16xf32> to vector<1x16xf32>
      tpu.vector_store %arg10[%parallel_loop3A_458, %parallel_loop3A_459], %parallel_loop3A_462 {strides = array<i32>} : memref<16x1024xf32, #tpu.memory_space<vmem>>, vector<1x16xf32>,
    } {sc.loop_unroll_factor = 8 : i64, sc.parallel_access}
    %mul3A_350 = arith.constant 64 : i32
    %mul3A_351 = arith.muli %add3A, %mul3A_350 : i32
    %add3A_352 = arith.constant 6144 : i32
    %add3A_353 = arith.addi %add3A_352, %mul3A_351 : i32
    %add3A_354 = arith.constant 0 : i32
    %add3A_355 = arith.addi %add3A_353, %add3A_354 : i32
    %dma_start3A_356 = arith.constant 0 : i32
    %dma_start3A_357 = tpu.memref_slice %arg6[%add3A_355, %dma_start3A_356] : memref<8192x1024xf32, #tpu.memory_space<hbm>> -> memref<16x1024xf32, #tpu.memory_space<hbm>>
    %dma_start3A_358 = arith.constant 0 : i32
    %dma_start3A_359 = tpu.memref_slice %arg6[%add3A_355, %dma_start3A_358] : memref<8192x1024xf32, #tpu.memory_space<hbm>> -> memref<16x1024xf32, #tpu.memory_space<hbm>>
    tpu.enqueue_dma source(%arg10 : memref<16x1024xf32, #tpu.memory_space<vmem>>) target(%dma_start3A_359 : memref<16x1024xf32, #tpu.memory_space<hbm>>) target_semaphore(%arg15 : memref<!tpu.dma_semaphore, #tpu.memory_space<semaphore_mem>>)
    %dma_wait3A_360 = arith.constant 0 : i32
    %dma_wait3A_361 = tpu.memref_slice %arg6[%add3A_355, %dma_wait3A_360] : memref<8192x1024xf32, #tpu.memory_space<hbm>> -> memref<16x1024xf32, #tpu.memory_space<hbm>>
    %dma_wait3A_362 = arith.constant 0 : i32
    %dma_wait3A_363 = tpu.memref_slice %arg6[%add3A_355, %dma_wait3A_362] : memref<8192x1024xf32, #tpu.memory_space<hbm>> -> memref<16x1024xf32, #tpu.memory_space<hbm>>
    tpu.wait_dma2 semaphore(%arg15 : memref<!tpu.dma_semaphore, #tpu.memory_space<semaphore_mem>>) src(%arg10 : memref<16x1024xf32, #tpu.memory_space<vmem>>) dst(%dma_wait3A_363 : memref<16x1024xf32, #tpu.memory_space<hbm>>)
    %dma_start3A_364 = arith.constant 224 : i32
    %dma_start3A_365 = tpu.memref_slice %arg7[%dma_start3A_364] : memref<256xi32, #tpu.memory_space<vmem>> -> memref<16xi32, #tpu.memory_space<vmem>>
    %dma_start3A_366 = arith.constant 0 : i32
    %dma_start3A_367 = arith.constant 0 : i32
    %dma_start3A_368 = tpu.memref_slice %arg4[%dma_start3A_366, %dma_start3A_367] : memref<50257x1024xf32, #tpu.memory_space<hbm>> -> memref<50257x1024xf32, #tpu.memory_space<hbm>>
    tpu.enqueue_indirect_dma source(%dma_start3A_368 : memref<50257x1024xf32, #tpu.memory_space<hbm>>) target(%arg10 : memref<16x1024xf32, #tpu.memory_space<vmem>>) offsets(%dma_start3A_365 : memref<16xi32, #tpu.memory_space<vmem>>) semaphore(%arg13 : memref<!tpu.dma_semaphore, #tpu.memory_space<semaphore_mem>>)
    %dma_wait3A_369 = arith.constant 208 : i32
    %dma_wait3A_370 = tpu.memref_slice %arg7[%dma_wait3A_369] : memref<256xi32, #tpu.memory_space<vmem>> -> memref<16xi32, #tpu.memory_space<vmem>>
    %dma_wait3A_371 = arith.constant 0 : i32
    %dma_wait3A_372 = arith.constant 0 : i32
    %dma_wait3A_373 = tpu.memref_slice %arg4[%dma_wait3A_371, %dma_wait3A_372] : memref<50257x1024xf32, #tpu.memory_space<hbm>> -> memref<50257x1024xf32, #tpu.memory_space<hbm>>
    tpu.wait_indirect_dma semaphore(%arg14 : memref<!tpu.dma_semaphore, #tpu.memory_space<semaphore_mem>>) src(%dma_wait3A_373 : memref<50257x1024xf32, #tpu.memory_space<hbm>>) dst(%arg11 : memref<16x1024xf32, #tpu.memory_space<vmem>>)
    %parallel_loop3A_374 = arith.constant 0 : i32
    %parallel_loop3A_375 = arith.constant 1024 : i32
    %parallel_loop3A_376 = arith.constant 1 : i32
    scf.for %parallel_loop3A_440 = %parallel_loop3A_374 to %parallel_loop3A_375 step %parallel_loop3A_376  : i32 {
      %parallel_loop3A_441 = arith.constant 64 : i32
      %parallel_loop3A_442 = arith.divsi %parallel_loop3A_440, %parallel_loop3A_441 : i32
      %parallel_loop3A_443 = arith.constant 64 : i32
      %parallel_loop3A_444 = arith.remsi %parallel_loop3A_440, %parallel_loop3A_443 : i32
      %parallel_loop3A_445 = arith.constant 16 : i32
      %parallel_loop3A_446 = arith.muli %parallel_loop3A_444, %parallel_loop3A_445 : i32
      %parallel_loop3A_447 = arith.index_cast %parallel_loop3A_442 : i32 to index
      %parallel_loop3A_448 = arith.index_cast %parallel_loop3A_446 : i32 to index
      %parallel_loop3A_449 = tpu.vector_load %arg11[%parallel_loop3A_447, %parallel_loop3A_448] {strides = array<i32>} : memref<16x1024xf32, #tpu.memory_space<vmem>>, vector<1x16xf32>,
      %parallel_loop3A_450 = vector.shape_cast %parallel_loop3A_449 : vector<1x16xf32> to vector<16xf32>
      %parallel_loop3A_451 = arith.constant 16 : i32
      %parallel_loop3A_452 = arith.addi %parallel_loop3A_451, %parallel_loop3A_442 : i32
      %parallel_loop3A_453 = arith.index_cast %parallel_loop3A_452 : i32 to index
      %parallel_loop3A_454 = arith.index_cast %parallel_loop3A_446 : i32 to index
      %parallel_loop3A_455 = tpu.vector_load %arg9[%parallel_loop3A_453, %parallel_loop3A_454] {strides = array<i32>} : memref<64x1024xf32, #tpu.memory_space<vmem>>, vector<1x16xf32>,
      %parallel_loop3A_456 = vector.shape_cast %parallel_loop3A_455 : vector<1x16xf32> to vector<16xf32>
      %parallel_loop3A_457 = arith.addf %parallel_loop3A_450, %parallel_loop3A_456 : vector<16xf32>
      %parallel_loop3A_458 = arith.index_cast %parallel_loop3A_442 : i32 to index
      %parallel_loop3A_459 = arith.index_cast %parallel_loop3A_446 : i32 to index
      %parallel_loop3A_460 = tpu.vector_load %arg11[%parallel_loop3A_458, %parallel_loop3A_459] {strides = array<i32>} : memref<16x1024xf32, #tpu.memory_space<vmem>>, vector<1x16xf32>,
      %parallel_loop3A_461 = vector.shape_cast %parallel_loop3A_460 : vector<1x16xf32> to vector<16xf32>
      %parallel_loop3A_462 = vector.shape_cast %parallel_loop3A_457 : vector<16xf32> to vector<1x16xf32>
      tpu.vector_store %arg11[%parallel_loop3A_458, %parallel_loop3A_459], %parallel_loop3A_462 {strides = array<i32>} : memref<16x1024xf32, #tpu.memory_space<vmem>>, vector<1x16xf32>,
    } {sc.loop_unroll_factor = 8 : i64, sc.parallel_access}
    %mul3A_377 = arith.constant 64 : i32
    %mul3A_378 = arith.muli %add3A, %mul3A_377 : i32
    %add3A_379 = arith.constant 6144 : i32
    %add3A_380 = arith.addi %add3A_379, %mul3A_378 : i32
    %add3A_381 = arith.constant 16 : i32
    %add3A_382 = arith.addi %add3A_380, %add3A_381 : i32
    %dma_start3A_383 = arith.constant 0 : i32
    %dma_start3A_384 = tpu.memref_slice %arg6[%add3A_382, %dma_start3A_383] : memref<8192x1024xf32, #tpu.memory_space<hbm>> -> memref<16x1024xf32, #tpu.memory_space<hbm>>
    %dma_start3A_385 = arith.constant 0 : i32
    %dma_start3A_386 = tpu.memref_slice %arg6[%add3A_382, %dma_start3A_385] : memref<8192x1024xf32, #tpu.memory_space<hbm>> -> memref<16x1024xf32, #tpu.memory_space<hbm>>
    tpu.enqueue_dma source(%arg11 : memref<16x1024xf32, #tpu.memory_space<vmem>>) target(%dma_start3A_386 : memref<16x1024xf32, #tpu.memory_space<hbm>>) target_semaphore(%arg16 : memref<!tpu.dma_semaphore, #tpu.memory_space<semaphore_mem>>)
    %dma_wait3A_387 = arith.constant 0 : i32
    %dma_wait3A_388 = tpu.memref_slice %arg6[%add3A_382, %dma_wait3A_387] : memref<8192x1024xf32, #tpu.memory_space<hbm>> -> memref<16x1024xf32, #tpu.memory_space<hbm>>
    %dma_wait3A_389 = arith.constant 0 : i32
    %dma_wait3A_390 = tpu.memref_slice %arg6[%add3A_382, %dma_wait3A_389] : memref<8192x1024xf32, #tpu.memory_space<hbm>> -> memref<16x1024xf32, #tpu.memory_space<hbm>>
    tpu.wait_dma2 semaphore(%arg16 : memref<!tpu.dma_semaphore, #tpu.memory_space<semaphore_mem>>) src(%arg11 : memref<16x1024xf32, #tpu.memory_space<vmem>>) dst(%dma_wait3A_390 : memref<16x1024xf32, #tpu.memory_space<hbm>>)
    %dma_start3A_391 = arith.constant 240 : i32
    %dma_start3A_392 = tpu.memref_slice %arg7[%dma_start3A_391] : memref<256xi32, #tpu.memory_space<vmem>> -> memref<16xi32, #tpu.memory_space<vmem>>
    %dma_start3A_393 = arith.constant 0 : i32
    %dma_start3A_394 = arith.constant 0 : i32
    %dma_start3A_395 = tpu.memref_slice %arg4[%dma_start3A_393, %dma_start3A_394] : memref<50257x1024xf32, #tpu.memory_space<hbm>> -> memref<50257x1024xf32, #tpu.memory_space<hbm>>
    tpu.enqueue_indirect_dma source(%dma_start3A_395 : memref<50257x1024xf32, #tpu.memory_space<hbm>>) target(%arg11 : memref<16x1024xf32, #tpu.memory_space<vmem>>) offsets(%dma_start3A_392 : memref<16xi32, #tpu.memory_space<vmem>>) semaphore(%arg14 : memref<!tpu.dma_semaphore, #tpu.memory_space<semaphore_mem>>)
    %dma_wait3A_396 = arith.constant 224 : i32
    %dma_wait3A_397 = tpu.memref_slice %arg7[%dma_wait3A_396] : memref<256xi32, #tpu.memory_space<vmem>> -> memref<16xi32, #tpu.memory_space<vmem>>
    %dma_wait3A_398 = arith.constant 0 : i32
    %dma_wait3A_399 = arith.constant 0 : i32
    %dma_wait3A_400 = tpu.memref_slice %arg4[%dma_wait3A_398, %dma_wait3A_399] : memref<50257x1024xf32, #tpu.memory_space<hbm>> -> memref<50257x1024xf32, #tpu.memory_space<hbm>>
    tpu.wait_indirect_dma semaphore(%arg13 : memref<!tpu.dma_semaphore, #tpu.memory_space<semaphore_mem>>) src(%dma_wait3A_400 : memref<50257x1024xf32, #tpu.memory_space<hbm>>) dst(%arg10 : memref<16x1024xf32, #tpu.memory_space<vmem>>)
    %parallel_loop3A_401 = arith.constant 0 : i32
    %parallel_loop3A_402 = arith.constant 1024 : i32
    %parallel_loop3A_403 = arith.constant 1 : i32
    scf.for %parallel_loop3A_440 = %parallel_loop3A_401 to %parallel_loop3A_402 step %parallel_loop3A_403  : i32 {
      %parallel_loop3A_441 = arith.constant 64 : i32
      %parallel_loop3A_442 = arith.divsi %parallel_loop3A_440, %parallel_loop3A_441 : i32
      %parallel_loop3A_443 = arith.constant 64 : i32
      %parallel_loop3A_444 = arith.remsi %parallel_loop3A_440, %parallel_loop3A_443 : i32
      %parallel_loop3A_445 = arith.constant 16 : i32
      %parallel_loop3A_446 = arith.muli %parallel_loop3A_444, %parallel_loop3A_445 : i32
      %parallel_loop3A_447 = arith.index_cast %parallel_loop3A_442 : i32 to index
      %parallel_loop3A_448 = arith.index_cast %parallel_loop3A_446 : i32 to index
      %parallel_loop3A_449 = tpu.vector_load %arg10[%parallel_loop3A_447, %parallel_loop3A_448] {strides = array<i32>} : memref<16x1024xf32, #tpu.memory_space<vmem>>, vector<1x16xf32>,
      %parallel_loop3A_450 = vector.shape_cast %parallel_loop3A_449 : vector<1x16xf32> to vector<16xf32>
      %parallel_loop3A_451 = arith.constant 32 : i32
      %parallel_loop3A_452 = arith.addi %parallel_loop3A_451, %parallel_loop3A_442 : i32
      %parallel_loop3A_453 = arith.index_cast %parallel_loop3A_452 : i32 to index
      %parallel_loop3A_454 = arith.index_cast %parallel_loop3A_446 : i32 to index
      %parallel_loop3A_455 = tpu.vector_load %arg9[%parallel_loop3A_453, %parallel_loop3A_454] {strides = array<i32>} : memref<64x1024xf32, #tpu.memory_space<vmem>>, vector<1x16xf32>,
      %parallel_loop3A_456 = vector.shape_cast %parallel_loop3A_455 : vector<1x16xf32> to vector<16xf32>
      %parallel_loop3A_457 = arith.addf %parallel_loop3A_450, %parallel_loop3A_456 : vector<16xf32>
      %parallel_loop3A_458 = arith.index_cast %parallel_loop3A_442 : i32 to index
      %parallel_loop3A_459 = arith.index_cast %parallel_loop3A_446 : i32 to index
      %parallel_loop3A_460 = tpu.vector_load %arg10[%parallel_loop3A_458, %parallel_loop3A_459] {strides = array<i32>} : memref<16x1024xf32, #tpu.memory_space<vmem>>, vector<1x16xf32>,
      %parallel_loop3A_461 = vector.shape_cast %parallel_loop3A_460 : vector<1x16xf32> to vector<16xf32>
      %parallel_loop3A_462 = vector.shape_cast %parallel_loop3A_457 : vector<16xf32> to vector<1x16xf32>
      tpu.vector_store %arg10[%parallel_loop3A_458, %parallel_loop3A_459], %parallel_loop3A_462 {strides = array<i32>} : memref<16x1024xf32, #tpu.memory_space<vmem>>, vector<1x16xf32>,
    } {sc.loop_unroll_factor = 8 : i64, sc.parallel_access}
    %mul3A_404 = arith.constant 64 : i32
    %mul3A_405 = arith.muli %add3A, %mul3A_404 : i32
    %add3A_406 = arith.constant 6144 : i32
    %add3A_407 = arith.addi %add3A_406, %mul3A_405 : i32
    %add3A_408 = arith.constant 32 : i32
    %add3A_409 = arith.addi %add3A_407, %add3A_408 : i32
    %dma_start3A_410 = arith.constant 0 : i32
    %dma_start3A_411 = tpu.memref_slice %arg6[%add3A_409, %dma_start3A_410] : memref<8192x1024xf32, #tpu.memory_space<hbm>> -> memref<16x1024xf32, #tpu.memory_space<hbm>>
    %dma_start3A_412 = arith.constant 0 : i32
    %dma_start3A_413 = tpu.memref_slice %arg6[%add3A_409, %dma_start3A_412] : memref<8192x1024xf32, #tpu.memory_space<hbm>> -> memref<16x1024xf32, #tpu.memory_space<hbm>>
    tpu.enqueue_dma source(%arg10 : memref<16x1024xf32, #tpu.memory_space<vmem>>) target(%dma_start3A_413 : memref<16x1024xf32, #tpu.memory_space<hbm>>) target_semaphore(%arg15 : memref<!tpu.dma_semaphore, #tpu.memory_space<semaphore_mem>>)
    %dma_wait3A_414 = arith.constant 240 : i32
    %dma_wait3A_415 = tpu.memref_slice %arg7[%dma_wait3A_414] : memref<256xi32, #tpu.memory_space<vmem>> -> memref<16xi32, #tpu.memory_space<vmem>>
    %dma_wait3A_416 = arith.constant 0 : i32
    %dma_wait3A_417 = arith.constant 0 : i32
    %dma_wait3A_418 = tpu.memref_slice %arg4[%dma_wait3A_416, %dma_wait3A_417] : memref<50257x1024xf32, #tpu.memory_space<hbm>> -> memref<50257x1024xf32, #tpu.memory_space<hbm>>
    tpu.wait_indirect_dma semaphore(%arg14 : memref<!tpu.dma_semaphore, #tpu.memory_space<semaphore_mem>>) src(%dma_wait3A_418 : memref<50257x1024xf32, #tpu.memory_space<hbm>>) dst(%arg11 : memref<16x1024xf32, #tpu.memory_space<vmem>>)
    %parallel_loop3A_419 = arith.constant 0 : i32
    %parallel_loop3A_420 = arith.constant 1024 : i32
    %parallel_loop3A_421 = arith.constant 1 : i32
    scf.for %parallel_loop3A_440 = %parallel_loop3A_419 to %parallel_loop3A_420 step %parallel_loop3A_421  : i32 {
      %parallel_loop3A_441 = arith.constant 64 : i32
      %parallel_loop3A_442 = arith.divsi %parallel_loop3A_440, %parallel_loop3A_441 : i32
      %parallel_loop3A_443 = arith.constant 64 : i32
      %parallel_loop3A_444 = arith.remsi %parallel_loop3A_440, %parallel_loop3A_443 : i32
      %parallel_loop3A_445 = arith.constant 16 : i32
      %parallel_loop3A_446 = arith.muli %parallel_loop3A_444, %parallel_loop3A_445 : i32
      %parallel_loop3A_447 = arith.index_cast %parallel_loop3A_442 : i32 to index
      %parallel_loop3A_448 = arith.index_cast %parallel_loop3A_446 : i32 to index
      %parallel_loop3A_449 = tpu.vector_load %arg11[%parallel_loop3A_447, %parallel_loop3A_448] {strides = array<i32>} : memref<16x1024xf32, #tpu.memory_space<vmem>>, vector<1x16xf32>,
      %parallel_loop3A_450 = vector.shape_cast %parallel_loop3A_449 : vector<1x16xf32> to vector<16xf32>
      %parallel_loop3A_451 = arith.constant 48 : i32
      %parallel_loop3A_452 = arith.addi %parallel_loop3A_451, %parallel_loop3A_442 : i32
      %parallel_loop3A_453 = arith.index_cast %parallel_loop3A_452 : i32 to index
      %parallel_loop3A_454 = arith.index_cast %parallel_loop3A_446 : i32 to index
      %parallel_loop3A_455 = tpu.vector_load %arg9[%parallel_loop3A_453, %parallel_loop3A_454] {strides = array<i32>} : memref<64x1024xf32, #tpu.memory_space<vmem>>, vector<1x16xf32>,
      %parallel_loop3A_456 = vector.shape_cast %parallel_loop3A_455 : vector<1x16xf32> to vector<16xf32>
      %parallel_loop3A_457 = arith.addf %parallel_loop3A_450, %parallel_loop3A_456 : vector<16xf32>
      %parallel_loop3A_458 = arith.index_cast %parallel_loop3A_442 : i32 to index
      %parallel_loop3A_459 = arith.index_cast %parallel_loop3A_446 : i32 to index
      %parallel_loop3A_460 = tpu.vector_load %arg11[%parallel_loop3A_458, %parallel_loop3A_459] {strides = array<i32>} : memref<16x1024xf32, #tpu.memory_space<vmem>>, vector<1x16xf32>,
      %parallel_loop3A_461 = vector.shape_cast %parallel_loop3A_460 : vector<1x16xf32> to vector<16xf32>
      %parallel_loop3A_462 = vector.shape_cast %parallel_loop3A_457 : vector<16xf32> to vector<1x16xf32>
      tpu.vector_store %arg11[%parallel_loop3A_458, %parallel_loop3A_459], %parallel_loop3A_462 {strides = array<i32>} : memref<16x1024xf32, #tpu.memory_space<vmem>>, vector<1x16xf32>,
    } {sc.loop_unroll_factor = 8 : i64, sc.parallel_access}
    %mul3A_422 = arith.constant 64 : i32
    %mul3A_423 = arith.muli %add3A, %mul3A_422 : i32
    %add3A_424 = arith.constant 6144 : i32
    %add3A_425 = arith.addi %add3A_424, %mul3A_423 : i32
    %add3A_426 = arith.constant 48 : i32
    %add3A_427 = arith.addi %add3A_425, %add3A_426 : i32
    %dma_start3A_428 = arith.constant 0 : i32
    %dma_start3A_429 = tpu.memref_slice %arg6[%add3A_427, %dma_start3A_428] : memref<8192x1024xf32, #tpu.memory_space<hbm>> -> memref<16x1024xf32, #tpu.memory_space<hbm>>
    %dma_start3A_430 = arith.constant 0 : i32
    %dma_start3A_431 = tpu.memref_slice %arg6[%add3A_427, %dma_start3A_430] : memref<8192x1024xf32, #tpu.memory_space<hbm>> -> memref<16x1024xf32, #tpu.memory_space<hbm>>
    tpu.enqueue_dma source(%arg11 : memref<16x1024xf32, #tpu.memory_space<vmem>>) target(%dma_start3A_431 : memref<16x1024xf32, #tpu.memory_space<hbm>>) target_semaphore(%arg16 : memref<!tpu.dma_semaphore, #tpu.memory_space<semaphore_mem>>)
    %dma_wait3A_432 = arith.constant 0 : i32
    %dma_wait3A_433 = tpu.memref_slice %arg6[%add3A_409, %dma_wait3A_432] : memref<8192x1024xf32, #tpu.memory_space<hbm>> -> memref<16x1024xf32, #tpu.memory_space<hbm>>
    %dma_wait3A_434 = arith.constant 0 : i32
    %dma_wait3A_435 = tpu.memref_slice %arg6[%add3A_409, %dma_wait3A_434] : memref<8192x1024xf32, #tpu.memory_space<hbm>> -> memref<16x1024xf32, #tpu.memory_space<hbm>>
    tpu.wait_dma2 semaphore(%arg15 : memref<!tpu.dma_semaphore, #tpu.memory_space<semaphore_mem>>) src(%arg10 : memref<16x1024xf32, #tpu.memory_space<vmem>>) dst(%dma_wait3A_435 : memref<16x1024xf32, #tpu.memory_space<hbm>>)
    %dma_wait3A_436 = arith.constant 0 : i32
    %dma_wait3A_437 = tpu.memref_slice %arg6[%add3A_427, %dma_wait3A_436] : memref<8192x1024xf32, #tpu.memory_space<hbm>> -> memref<16x1024xf32, #tpu.memory_space<hbm>>
    %dma_wait3A_438 = arith.constant 0 : i32
    %dma_wait3A_439 = tpu.memref_slice %arg6[%add3A_427, %dma_wait3A_438] : memref<8192x1024xf32, #tpu.memory_space<hbm>> -> memref<16x1024xf32, #tpu.memory_space<hbm>>
    tpu.wait_dma2 semaphore(%arg16 : memref<!tpu.dma_semaphore, #tpu.memory_space<semaphore_mem>>) src(%arg11 : memref<16x1024xf32, #tpu.memory_space<vmem>>) dst(%dma_wait3A_439 : memref<16x1024xf32, #tpu.memory_space<hbm>>)
    return
  }
}

</mosaic_0001>

<sc_bundles>
// kernel: kernel.3.cloned.1.call-start
scs
__scs_entry_jumppad:
0x0: {  	(pc) =	sbr.rel $0x88, $3  }
0x1: {  	(tag) =	ssettag $0x0;
	lr =	simm.s32 $0x1  }
0x2: {  	[smem:$0x3F9D] =	sst lr;
	_ =	strace $0xD0000000  }
0x3: {  	_ = 	snop  }
0x4: {  	_ = 	snop  }
0x5: {  	_ = 	snop  }
0x6: {  	_ = 	snop  }
0x7: {  	_ = 	snop  }
__scs_overlays_trampoline_lowered:
0x8: {  	[smem:$0x3FAC] =	sst s0  }
0x9: {  	[smem:$0x3FAD] =	sst s1  }
0xa: {  	[smem:$0x3FAE] =	sst s2  }
0xb: {  	[smem:$0x3FAF] =	sst s3  }
0xc: {  	[smem:$0x3FB0] =	sst s4  }
0xd: {  	[smem:$0x3FB1] =	sst s5  }
0xe: {  	[smem:$0x3FB2] =	sst s6  }
0xf: {  	[smem:$0x3FB3] =	sst s7  }
0x10: {  	[smem:$0x3FB4] =	sst s8  }
0x11: {  	[smem:$0x3FB5] =	sst s9;
	s0 =	simm.s32 @!p0 $0x0  }
0x12: {  	s1 =	sld [smem:$0x3F9B];
	s0 =	simm.s32 @p0 $0x1  }
0x13: {  	[smem:$0x3FB6] =	sst s0;
	s0 =	simm.s32 @!p1 $0x0  }
0x14: {  	s2 =	sld [smem:$0x3F9A];
	s0 =	simm.s32 @p1 $0x1  }
0x15: {  	[smem:$0x3FB7] =	sst s0;
	s0 =	simm.s32 @!p2 $0x0  }
0x16: {  	s3 =	sld [smem:$0x3FDB];
	s0 =	simm.s32 @p2 $0x1  }
0x17: {  	s4 =	simm.s32 $0x1BF5;
	[smem:$0x3FB9] =	sst s0  }
0x18: {  	s0 =	sld [smem:$0x3F9C];
	_ =	swait.ge [sflag:s4], $0x0  }
0x19: {  	s7 =	sld [smem:$0x3F9D]  }
0x1a: {  	s8 =	sadd.s32 $0xFFFFE003, lr  }
0x1b: {  	s9 =	sadd.s32 $0xFFFFFEF7, lr;
	s5 =	simm.s32 $0xFFFFFFFF;
	p2 =	slt.u32 s8, $0xFFFFF086  }
0x1c: {  	p1 =	slt.u32 s9, $0xF7A;
	s5 =	simm.s32 @!p2 $0x0  }
0x1d: {  	s5 =	simm.s32 @p1 $0x1;
	p0 =	seq.s32 s7, s2  }
0x1e: {  	s7 =	smul.u32 @!p0 $0xF7A, s2;
	p2 =	seq.s32 @!p0 s5, $0x0  }
0x1f: {  	s9 =	smul.u32 $0xF7A, s1;
	s8 =	simm.s32 @!p0 $0x1BF5;
	p2 =	por !p2, p0  }
0x20: {  	[sflag:s8] =	ssyncset.s32 @!p0 $0xFFFFF086;
	s6 =	sadd.s32 @!p0 s3, s7;
	s7 =	simm.s32 @!p0 $0x108  }
0x21: {  	s3 =	sadd.s32 s3, s9;
	s6 =	sadd.s32 @!p0 $0x88, s6;
	s7 =	simm.s32 @p2 $0x1082  }
0x22: {  	[simem:s7], [sflag:s8] =	dma.local @!p0 [hbm:s6], $0xF7A  }
0x23: {  	s9 =	sor.u32 $0xD0000000, s2;
	s6 =	simm.s32 $0x108;
	_ =	swait.ge @!p0 [sflag:s8], $0x0  }
0x24: {  	s3 =	sadd.s32 $0x88, s3;
	s6 =	simm.s32 @!p1 $0x1082;
	[sflag:s4] =	ssyncset.s32 $0xFFFFF086  }
0x25: {  	[simem:s6], [sflag:s4] =	dma.local [hbm:s3], $0xF7A  }
0x26: {  	[smem:$0x3F9D] =	sst s1;
	(tag) =	ssettag s2;
	_ =	strace s9  }
0x27: {  	s1 =	sld [smem:$0x3FAD]  }
0x28: {  	s2 =	sld [smem:$0x3FAE]  }
0x29: {  	s4 =	sld [smem:$0x3FB0]  }
0x2a: {  	p0 =	seq.s32 s5, $0x0;
	s5 =	sld [smem:$0x3FB1]  }
0x2b: {  	s6 =	sld [smem:$0x3FB2]  }
0x2c: {  	s7 =	sld [smem:$0x3FB3]  }
0x2d: {  	s3 =	simm.s32 $0x108;
	s8 =	sld [smem:$0x3FB4]  }
0x2e: {  	s3 =	simm.s32 @!p0 $0x1082;
	s9 =	sld [smem:$0x3FB5]  }
0x2f: {  	lr =	sadd.s32 s0, s3;
	s0 =	sld [smem:$0x3FAC]  }
0x30: {  	s3 =	sld [smem:$0x3FAF]  }
0x31: {  	[smem:$0x3FB8] =	sst s10  }
0x32: {  	s10 =	sld [smem:$0x3FB6];
	_ =	sdelay $0x3  }
0x33: {  	p0 =	seq.s32 s10, $0x1;
	s10 =	sld [smem:$0x3FB8];
	_ =	sdelay $0x3  }
0x34: {  	[smem:$0x3FB8] =	sst s10  }
0x35: {  	s10 =	sld [smem:$0x3FB7];
	_ =	sdelay $0x3  }
0x36: {  	p1 =	seq.s32 s10, $0x1;
	s10 =	sld [smem:$0x3FB8];
	_ =	sdelay $0x3  }
0x37: {  	[smem:$0x3FB8] =	sst s10  }
0x38: {  	s10 =	sld [smem:$0x3FB9]  }
0x39: {  	_ = 	snop;
	(pc) =	sbr.ind lr, $3  }
0x3a: {  	_ = 	snop  }
0x3b: {  	_ = 	snop  }
0x3c: {  	p2 =	seq.s32 s10, $0x1;
	s10 =	sld [smem:$0x3FB8]  }
0x3d: {  	_ =	shalt  }
0x3e: {  	_ =	shalt  }
0x3f: {  	_ =	shalt  }
0x40: {  	_ =	shalt  }
0x41: {  	_ =	shalt  }
0x42: {  	_ =	shalt  }
0x43: {  	_ =	shalt  }
0x44: {  	_ =	shalt  }
0x45: {  	_ =	shalt  }
0x46: {  	_ =	shalt  }
0x47: {  	_ =	shalt  }
0x48: {  	_ =	shalt  }
0x49: {  	_ =	shalt  }
0x4a: {  	_ =	shalt  }
0x4b: {  	_ =	shalt  }
0x4c: {  	_ =	shalt  }
0x4d: {  	_ =	shalt  }
0x4e: {  	_ =	shalt  }
0x4f: {  	_ =	shalt  }
0x50: {  	_ =	shalt  }
0x51: {  	_ =	shalt  }
0x52: {  	_ =	shalt  }
0x53: {  	_ =	shalt  }
0x54: {  	_ =	shalt  }
0x55: {  	_ =	shalt  }
0x56: {  	_ =	shalt  }
0x57: {  	_ =	shalt  }
0x58: {  	_ =	shalt  }
0x59: {  	_ =	shalt  }
0x5a: {  	_ =	shalt  }
0x5b: {  	_ =	shalt  }
0x5c: {  	_ =	shalt  }
0x5d: {  	_ =	shalt  }
0x5e: {  	_ =	shalt  }
0x5f: {  	_ =	shalt  }
0x60: {  	_ =	shalt  }
0x61: {  	_ =	shalt  }
0x62: {  	_ =	shalt  }
0x63: {  	_ =	shalt  }
0x64: {  	_ =	shalt  }
0x65: {  	_ =	shalt  }
0x66: {  	_ =	shalt  }
0x67: {  	_ =	shalt  }
0x68: {  	_ =	shalt  }
0x69: {  	_ =	shalt  }
0x6a: {  	_ =	shalt  }
0x6b: {  	_ =	shalt  }
0x6c: {  	_ =	shalt  }
0x6d: {  	_ =	shalt  }
0x6e: {  	_ =	shalt  }
0x6f: {  	_ =	shalt  }
0x70: {  	_ =	shalt  }
0x71: {  	_ =	shalt  }
0x72: {  	_ =	shalt  }
0x73: {  	_ =	shalt  }
0x74: {  	_ =	shalt  }
0x75: {  	_ =	shalt  }
0x76: {  	_ =	shalt  }
0x77: {  	_ =	shalt  }
0x78: {  	_ =	shalt  }
0x79: {  	_ =	shalt  }
0x7a: {  	_ =	shalt  }
0x7b: {  	_ =	shalt  }
0x7c: {  	_ =	shalt  }
0x7d: {  	_ =	shalt  }
0x7e: {  	_ =	shalt  }
0x7f: {  	_ =	shalt  }
0x80: {  	_ =	shalt  }
0x81: {  	_ =	shalt  }
0x82: {  	_ =	shalt  }
0x83: {  	_ =	shalt  }
0x84: {  	_ =	shalt  }
0x85: {  	_ =	shalt  }
0x86: {  	_ =	shalt  }
0x87: {  	_ =	shalt  }
.Lfunc_end0:
.L_simem_size_0:
called_computation_lowered:
.L_overlay_start_0:
0x88: {  	s2 =	sld [smem:$0x3FD9]  }
0x89: {  	s3 =	sld [smem:$0x3FFE];
	_ =	sdelay $0x1  }
0x8a: {  	s1 =	srdreg.scid  }
0x8b: {  	s0 =	sand.u32 $0x1, s1  }
0x8c: {  	s17 =	sshll.u32 s0, $0xA;
	s2 =	sadd.s32 s3, s2  }
0x8d: {  	s2 =	sadd.s32 s2, s17  }
0x8e: {  	[smem:$0x3FC4] =	sst s2  }
0x8f: {  	_ = 	snop  }
0x90: {  	s2 =	sld [smem:$0x3FC8]  }
0x91: {  	s18 =	sld [smem:$0x3FC7]  }
0x92: {  	s4 =	sld [smem:$0x3FD0];
	(tm) =	ssettm $0x1  }
0x93: {  	s5 =	sld [smem:$0x3FFB];
	_ =	sdelay $0x3  }
0x94: {  	_ =	strace s5  }
0x95: {  	s5 =	sld [smem:$0x3FFC];
	_ =	sdelay $0x3  }
0x96: {  	_ =	strace s5  }
0x97: {  	s5 =	sld [smem:$0x3FFD];
	_ =	sdelay $0x3  }
0x98: {  	_ =	strace s5  }
0x99: {  	_ =	strace $0x8FFFFFFF  }
0x9a: {  	s19 =	sld [smem:$0x3FDB];
	_ =	sdelay $0x1  }
0x9b: {  	s6 =	simm.s32 $_scs_section_size  }
0x9c: {  	s7 =	simm.s32 $_size__tile_overlayer_lowered;
	s8 =	simm.s32 $_tile_overlayer_lowered  }
0x9d: {  	s22 =	simm.s32 $0x1BFF;
	s21 =	sshll.u32 s8, $0x1;
	s5 =	sadd.s32 s6, s19  }
0x9e: {  	s9 =	simm.s32 $0x0;
	s20 =	sshll.u32 s7, $0x1;
	s7 =	sadd.s32 s21, s5  }
0x9f: {  	[timem:s9], [sflag:s22] =	dma.local [hbm:s7], s20  }
0xa0: {  	_ =	swait.ge [sflag:s22], s20  }
0xa1: {  	s6 =	ssub.s32 $0x0, s20;
	[sflag:s22] =	ssyncset.done $0x0  }
0xa2: {  	[sflag:s22] =	ssyncadd.s32 s6;
	_ =	sdelay $0x1  }
0xa3: {  	s23 =	simm.s32 $0x1B8B  }
0xa4: {  	_ =	swait.ge [sflag:s23], $0x1  }
0xa5: {  	[sflag:s23] =	ssyncset.done $0x0  }
0xa6: {  	s25 =	simm.s32 $0x1B8E;
	s24 =	sld [smem:$0x3FFE];
	[sflag:s23] =	ssyncadd.s32 $0xFFFFFFFF  }
0xa7: {  	s26 =	simm.s32 $execute0_lowered;
	[smem:$0x3FD2] =	sst s25  }
0xa8: {  	s7 =	sshll.u32 s26, $0x1;
	_ =	strace $0x80000046;
	[dreg:$0x1] =	wrdreg $0xFFFFFFFF  }
0xa9: {  	s28 =	simm.s32 $_size_execute0_lowered;
	s5 =	sadd.s32 s5, s7;
	[dreg:$0x0] =	wrdreg $0x0  }
0xaa: {  	s7 =	sshll.u32 s28, $0x1;
	[dreg:$0x2] =	wrdreg s5  }
0xab: {  	[dreg:$0x3] =	wrdreg s7  }
0xac: {  	[dreg:$0x4] =	wrdreg $0xC0  }
0xad: {  	_ =	task [dreg:s9], $0x5FFFF  }
0xae: {  	[dreg:$0x1] =	wrdreg $0xFFFFFFFF  }
0xaf: {  	[dreg:$0x0] =	wrdreg $0x60  }
0xb0: {  	[dreg:$0x2] =	wrdreg s24  }
0xb1: {  	[dreg:$0x3] =	wrdreg s2  }
0xb2: {  	[dreg:$0x4] =	wrdreg s18  }
0xb3: {  	[dreg:$0x5] =	wrdreg s4  }
0xb4: {  	[dreg:$0x6] =	wrdreg $0x9  }
0xb5: {  	_ =	task.clear_ibuf [dreg:s9], $0x7FFFF;
	_ =	strace $0x90000046  }
0xb6: {  	s29 =	simm.s32 $0x9;
	_ =	strace $0x80000048  }
0xb7: {  	_ =	swait.ge [sflag:s29], $0x1  }
0xb8: {  	[sflag:s29] =	ssyncadd.s32 $0xFFFFFFFF  }
0xb9: {  	_ =	strace $0x90000048  }
0xba: {  	_ =	sfence  }
0xbb: {  	s30 =	sld [smem:$0x0];
	_ =	sdelay $0x2  }
0xbc: {  	s31 =	sshll.u32 s1, $0xD;
	s1 =	sshrl.u32 s1, $0x2  }
0xbd: {  	s3 =	sand.u32 $0x4000, s31;
	s1 =	sadd.s32 s1, s30  }
0xbe: {  	s0 =	sor.u32 s3, s0;
	s1 =	sshll.u32 s1, $0x11  }
0xbf: {  	s0 =	sor.u32 s1, s0  }
0xc0: {  	s0 =	sadd.s32 $0x8F2B, s0  }
0xc1: {  	[sflag:s0] =	ssyncadd.remote.s32 $0x1  }
0xc2: {  	_ =	sfence.sel $0xFFFF  }
0xc3: {  	[dreg:$0x0] =	wrdreg $0xFFFFFFFF;
	(pc) =	sbr.abs _section_cstart, $3  }
0xc4: {  	[dreg:$0x1] =	wrdreg $0xFFFFFFFF  }
0xc5: {  	_ =	task.clear_ibuf [dreg:s9], $0x2FFFF;
	_ =	strace $0x9FFFFFFF  }
0xc6: {  	(tm) =	ssettm $0x7FFFFFFF  }
0xc7: {  	_ =	shalt  }
tec
execute0_lowered:
.L_overlay_start_1:
0x0: {  	(tag) =	ssettag $0x1  }
0x1: {  	s0 =	rddreg [dreg:$0x0]  }
0x2: {  	s1 =	rddreg [dreg:$0x1]  }
0x3: {  	s9 =	rddreg [dreg:$0x2]  }
0x4: {  	s3 =	srdreg.scid;
	s5 =	stileid.u32  }
0x5: {  	s4 =	simm.s32 $0x0;
	s3 =	sand.u32 $0x1, s3;
	s5 =	sshll.u32 s5, $0x1  }
0x6: {  	[smem:$0x7FF] =	sst s4;
	s5 =	sor.u32 s3, s5  }
0x7: {  	s2 =	rddreg [dreg:$0x3];
	_ =	strace $0x80000047;
	s6 =	sshll.u32 s5, $0x5  }
0x8: {  	s3 =	ssub.s32 $0x2, s3;
	s7 =	sshll.u32 s5, $0x3;
	s6 =	sadd.s32 s6, s0  }
0x9: {  	s8 =	sshrl.u32 s3, $0x1;
	s0 =	sadd.s32 s7, s0;
	s6 =	sadd.s32 $0x600, s6  }
0xa: {  	s3 =	ssub.s32 s3, s8;
	s0 =	sadd.s32 $0x400, s0;
	[dreg:$0x5] =	wrdreg s6  }
0xb: {  	s13 =	sshll.u32 s5, $0xD;
	s24 =	smax.u32 s3, $0x1;
	[dreg:$0x6] =	wrdreg s0  }
0xc: {  	s0 =	sadd.s32 s2, s13;
	[dreg:$0x13] =	wrdreg s24  }
0xd: {  	s2 =	sadd.s32 $0x800, s0;
	[dreg:$0x7] =	wrdreg s0  }
0xe: {  	s14 =	sadd.s32 $0x1000, s0;
	[dreg:$0x8] =	wrdreg s2  }
0xf: {  	s15 =	sadd.s32 $0x1800, s0;
	[dreg:$0x9] =	wrdreg s14  }
0x10: {  	s16 =	sadd.s32 $0x40000, s0;
	[dreg:$0xa] =	wrdreg s15  }
0x11: {  	s28 =	simm.s32 $0x2;
	s17 =	sadd.s32 $0x40800, s0;
	[dreg:$0xb] =	wrdreg s16  }
0x12: {  	s29 =	simm.s32 $0x4;
	s18 =	sadd.s32 $0x41000, s0;
	[dreg:$0xc] =	wrdreg s17  }
0x13: {  	s30 =	simm.s32 $0x3;
	s19 =	sadd.s32 $0x41800, s0;
	[dreg:$0xd] =	wrdreg s18  }
0x14: {  	s10 =	sadd.s32 $0x100, s1;
	s20 =	sadd.s32 $0x80000, s0;
	[dreg:$0xe] =	wrdreg s19  }
0x15: {  	s11 =	sadd.s32 $0x200, s1;
	s21 =	sadd.s32 $0x80800, s0;
	[dreg:$0xf] =	wrdreg s20  }
0x16: {  	s12 =	sadd.s32 $0x300, s1;
	s22 =	sadd.s32 $0x81000, s0;
	[dreg:$0x10] =	wrdreg s21  }
0x17: {  	s7 =	sadd.s32 $0x100, s9;
	s23 =	sadd.s32 $0x81800, s0;
	[dreg:$0x11] =	wrdreg s22  }
0x18: {  	s8 =	sadd.s32 $0x200, s9;
	s25 =	sadd.s32 $0xC0000, s0;
	[dreg:$0x12] =	wrdreg s23  }
0x19: {  	s9 =	sadd.s32 $0x300, s9;
	s26 =	sadd.s32 $0xC0800, s0;
	[dreg:$0x14] =	wrdreg s25  }
0x1a: {  	s24 =	simm.s32 $0x16980;
	s31 =	sadd.s32 $0xC1000, s0;
	[dreg:$0x15] =	wrdreg s26  }
0x1b: {  	s13 =	simm.s32 $0x5;
	s0 =	sadd.s32 $0xC1800, s0;
	[dreg:$0x16] =	wrdreg s31  }
0x1c: {  	[dreg:$0x17] =	wrdreg s0;
	s2 =	simm.s32 $0x10180;
	s16 =	simm.s32 $0x13180  }
0x1d: {  	v2 =	vlaneseq.u32;
	s17 =	simm.s32 $0x13980;
	s19 =	simm.s32 $0x14180;
	s20 =	simm.s32 $0x14980  }
0x1e: {  	vm0 =	vmmov $0xffff;
	v1 =	vshrl.u32 v2, $0x3;
	s21 =	simm.s32 $0x15180;
	s22 =	simm.s32 $0x15980;
	s23 =	simm.s32 $0x16180  }
0x1f: {  	v0 =	vand.u32 $0x7, v2;
	v2 =	vor.u32 $0x8, v2;
	v1 =	vmul.u32 $0x8, v1;
	s25 =	simm.s32 $0x17180;
	s26 =	simm.s32 $0x17980;
	s18 =	simm.s32 $0x0  }
.LBB2_1:
0x20: {  	s0 =	rddreg [dreg:$0x5];
	s3 =	simm.s32 $0x6  }
0x21: {  	[tilespmem:s4], [sflag:$0x6] =	stream.linear.gather [hbm4b:s0+s4], $0x100, $0x38;
	[tilespmem:$0x18180] =	vst v63  }
0x22: {  	_ =	swait.ge [sflag:s3], $0x100  }
0x23: {  	[sflag:s3] =	ssyncset.done $0x0  }
0x24: {  	s5 =	simm.s32 $0x100;
	s31 =	rddreg [dreg:$0x6];
	[sflag:s3] =	ssyncadd.s32 $0xFFFFFF00  }
0x25: {  	[tilespmem:s5], [sflag:$0x6] =	stream.linear.gather [hbm4b:s31+s4], $0x40, $0x38;
	[tilespmem:$0x18180] =	vst v63  }
0x26: {  	_ =	swait.ge [sflag:s3], $0x40  }
0x27: {  	[sflag:s3] =	ssyncset.done $0x0  }
0x28: {  	[sflag:s3] =	ssyncadd.s32 $0xFFFFFFC0  }
0x29: {  	v3 =	vld [tilespmem:$0x100];
	_ =	sdelay $0x4  }
0x2a: {  	v4 =	vshll.u32 v3, $0x3  }
0x2b: {  	v3 =	vand.u32 $0x7, v3;
	v4 =	vand.u32 $0xFFFFFFC0, v4  }
0x2c: {  	v3 =	vor.u32 v3, v4  }
0x2d: {  	v4 =	vperm.xlane v3, v0;
	_ =	sdelay $0x1  }
0x2e: {  	v4 =	vadd.s32 v1, v4;
	_ =	sdelay $0x3  }
0x2f: {  	s5 =	simm.s32 $0x180;
	s0 =	rddreg [dreg:$0x2]  }
0x30: {  	[tilespmem:s5], [sflag:$0x1] =	stream.indirect_vreg.gather [hbm4b:s0+s4], $0x80, v4, vm0, $0xb8;
	[tilespmem:$0x18180] =	vst v63  }
0x31: {  	s6 =	simm.s32 $0x980;
	v3 =	vperm.xlane v3, v2  }
0x32: {  	[tilespmem:s6], [sflag:$0x1] =	stream.indirect_vreg.gather [hbm4b:s7+s4], $0x80, v4, vm0, $0xb8;
	[tilespmem:$0x18180] =	vst v63  }
0x33: {  	s14 =	simm.s32 $0x1180;
	v3 =	vadd.s32 v1, v3  }
0x34: {  	[tilespmem:s14], [sflag:$0x1] =	stream.indirect_vreg.gather [hbm4b:s8+s4], $0x80, v4, vm0, $0xb8;
	[tilespmem:$0x18180] =	vst v63  }
0x35: {  	s15 =	simm.s32 $0x1980  }
0x36: {  	[tilespmem:s15], [sflag:$0x1] =	stream.indirect_vreg.gather [hbm4b:s9+s4], $0x80, v4, vm0, $0xb8;
	[tilespmem:$0x18180] =	vst v63  }
0x37: {  	s31 =	simm.s32 $0x2180  }
0x38: {  	[tilespmem:s31], [sflag:$0x1] =	stream.indirect_vreg.gather [hbm4b:s0+s4], $0x80, v3, vm0, $0xb8;
	[tilespmem:$0x18180] =	vst v63  }
0x39: {  	s5 =	simm.s32 $0x2980  }
0x3a: {  	[tilespmem:s5], [sflag:$0x1] =	stream.indirect_vreg.gather [hbm4b:s7+s4], $0x80, v3, vm0, $0xb8;
	[tilespmem:$0x18180] =	vst v63  }
0x3b: {  	s6 =	simm.s32 $0x3180  }
0x3c: {  	[tilespmem:s6], [sflag:$0x1] =	stream.indirect_vreg.gather [hbm4b:s8+s4], $0x80, v3, vm0, $0xb8;
	[tilespmem:$0x18180] =	vst v63  }
0x3d: {  	s14 =	simm.s32 $0x3980  }
0x3e: {  	[tilespmem:s14], [sflag:$0x1] =	stream.indirect_vreg.gather [hbm4b:s9+s4], $0x80, v3, vm0, $0xb8;
	[tilespmem:$0x18180] =	vst v63  }
0x3f: {  	v3 =	vld [tilespmem:$0x110];
	_ =	sdelay $0x4  }
0x40: {  	v4 =	vshll.u32 v3, $0x3  }
0x41: {  	v3 =	vand.u32 $0x7, v3;
	v4 =	vand.u32 $0xFFFFFFC0, v4  }
0x42: {  	v3 =	vor.u32 v3, v4  }
0x43: {  	v4 =	vperm.xlane v3, v0;
	_ =	sdelay $0x1  }
0x44: {  	v4 =	vadd.s32 v1, v4;
	_ =	sdelay $0x3  }
0x45: {  	s15 =	simm.s32 $0x4180  }
0x46: {  	[tilespmem:s15], [sflag:$0x1] =	stream.indirect_vreg.gather [hbm4b:s0+s4], $0x80, v4, vm0, $0xb8;
	[tilespmem:$0x18180] =	vst v63  }
0x47: {  	s31 =	simm.s32 $0x4980;
	v3 =	vperm.xlane v3, v2  }
0x48: {  	[tilespmem:s31], [sflag:$0x1] =	stream.indirect_vreg.gather [hbm4b:s7+s4], $0x80, v4, vm0, $0xb8;
	[tilespmem:$0x18180] =	vst v63  }
0x49: {  	s5 =	simm.s32 $0x5180;
	v3 =	vadd.s32 v1, v3  }
0x4a: {  	[tilespmem:s5], [sflag:$0x1] =	stream.indirect_vreg.gather [hbm4b:s8+s4], $0x80, v4, vm0, $0xb8;
	[tilespmem:$0x18180] =	vst v63  }
0x4b: {  	s6 =	simm.s32 $0x5980  }
0x4c: {  	[tilespmem:s6], [sflag:$0x1] =	stream.indirect_vreg.gather [hbm4b:s9+s4], $0x80, v4, vm0, $0xb8;
	[tilespmem:$0x18180] =	vst v63  }
0x4d: {  	s14 =	simm.s32 $0x6180  }
0x4e: {  	[tilespmem:s14], [sflag:$0x1] =	stream.indirect_vreg.gather [hbm4b:s0+s4], $0x80, v3, vm0, $0xb8;
	[tilespmem:$0x18180] =	vst v63  }
0x4f: {  	s15 =	simm.s32 $0x6980  }
0x50: {  	[tilespmem:s15], [sflag:$0x1] =	stream.indirect_vreg.gather [hbm4b:s7+s4], $0x80, v3, vm0, $0xb8;
	[tilespmem:$0x18180] =	vst v63  }
0x51: {  	s31 =	simm.s32 $0x7180  }
0x52: {  	[tilespmem:s31], [sflag:$0x1] =	stream.indirect_vreg.gather [hbm4b:s8+s4], $0x80, v3, vm0, $0xb8;
	[tilespmem:$0x18180] =	vst v63  }
0x53: {  	s5 =	simm.s32 $0x7980  }
0x54: {  	[tilespmem:s5], [sflag:$0x1] =	stream.indirect_vreg.gather [hbm4b:s9+s4], $0x80, v3, vm0, $0xb8;
	[tilespmem:$0x18180] =	vst v63  }
0x55: {  	v3 =	vld [tilespmem:$0x120];
	_ =	sdelay $0x4  }
0x56: {  	v4 =	vshll.u32 v3, $0x3  }
0x57: {  	v3 =	vand.u32 $0x7, v3;
	v4 =	vand.u32 $0xFFFFFFC0, v4  }
0x58: {  	v3 =	vor.u32 v3, v4  }
0x59: {  	v4 =	vperm.xlane v3, v0;
	_ =	sdelay $0x1  }
0x5a: {  	v4 =	vadd.s32 v1, v4;
	_ =	sdelay $0x3  }
0x5b: {  	s6 =	simm.s32 $0x8180  }
0x5c: {  	[tilespmem:s6], [sflag:$0x1] =	stream.indirect_vreg.gather [hbm4b:s0+s4], $0x80, v4, vm0, $0xb8;
	[tilespmem:$0x18180] =	vst v63  }
0x5d: {  	s14 =	simm.s32 $0x8980;
	v3 =	vperm.xlane v3, v2  }
0x5e: {  	[tilespmem:s14], [sflag:$0x1] =	stream.indirect_vreg.gather [hbm4b:s7+s4], $0x80, v4, vm0, $0xb8;
	[tilespmem:$0x18180] =	vst v63  }
0x5f: {  	s15 =	simm.s32 $0x9180;
	v3 =	vadd.s32 v1, v3  }
0x60: {  	[tilespmem:s15], [sflag:$0x1] =	stream.indirect_vreg.gather [hbm4b:s8+s4], $0x80, v4, vm0, $0xb8;
	[tilespmem:$0x18180] =	vst v63  }
0x61: {  	s31 =	simm.s32 $0x9980  }
0x62: {  	[tilespmem:s31], [sflag:$0x1] =	stream.indirect_vreg.gather [hbm4b:s9+s4], $0x80, v4, vm0, $0xb8;
	[tilespmem:$0x18180] =	vst v63  }
0x63: {  	s5 =	simm.s32 $0xA180  }
0x64: {  	[tilespmem:s5], [sflag:$0x1] =	stream.indirect_vreg.gather [hbm4b:s0+s4], $0x80, v3, vm0, $0xb8;
	[tilespmem:$0x18180] =	vst v63  }
0x65: {  	s6 =	simm.s32 $0xA980  }
0x66: {  	[tilespmem:s6], [sflag:$0x1] =	stream.indirect_vreg.gather [hbm4b:s7+s4], $0x80, v3, vm0, $0xb8;
	[tilespmem:$0x18180] =	vst v63  }
0x67: {  	s14 =	simm.s32 $0xB180  }
0x68: {  	[tilespmem:s14], [sflag:$0x1] =	stream.indirect_vreg.gather [hbm4b:s8+s4], $0x80, v3, vm0, $0xb8;
	[tilespmem:$0x18180] =	vst v63  }
0x69: {  	s15 =	simm.s32 $0xB980  }
0x6a: {  	[tilespmem:s15], [sflag:$0x1] =	stream.indirect_vreg.gather [hbm4b:s9+s4], $0x80, v3, vm0, $0xb8;
	[tilespmem:$0x18180] =	vst v63  }
0x6b: {  	v3 =	vld [tilespmem:$0x130];
	_ =	sdelay $0x4  }
0x6c: {  	v4 =	vshll.u32 v3, $0x3  }
0x6d: {  	v3 =	vand.u32 $0x7, v3;
	v4 =	vand.u32 $0xFFFFFFC0, v4  }
0x6e: {  	v3 =	vor.u32 v3, v4  }
0x6f: {  	v4 =	vperm.xlane v3, v0;
	_ =	sdelay $0x1  }
0x70: {  	v4 =	vadd.s32 v1, v4;
	_ =	sdelay $0x3  }
0x71: {  	s31 =	simm.s32 $0xC180  }
0x72: {  	[tilespmem:s31], [sflag:$0x1] =	stream.indirect_vreg.gather [hbm4b:s0+s4], $0x80, v4, vm0, $0xb8;
	[tilespmem:$0x18180] =	vst v63  }
0x73: {  	s5 =	simm.s32 $0xC980;
	v3 =	vperm.xlane v3, v2  }
0x74: {  	[tilespmem:s5], [sflag:$0x1] =	stream.indirect_vreg.gather [hbm4b:s7+s4], $0x80, v4, vm0, $0xb8;
	[tilespmem:$0x18180] =	vst v63  }
0x75: {  	s6 =	simm.s32 $0xD180;
	v3 =	vadd.s32 v1, v3  }
0x76: {  	[tilespmem:s6], [sflag:$0x1] =	stream.indirect_vreg.gather [hbm4b:s8+s4], $0x80, v4, vm0, $0xb8;
	[tilespmem:$0x18180] =	vst v63  }
0x77: {  	s14 =	simm.s32 $0xD980  }
0x78: {  	[tilespmem:s14], [sflag:$0x1] =	stream.indirect_vreg.gather [hbm4b:s9+s4], $0x80, v4, vm0, $0xb8;
	[tilespmem:$0x18180] =	vst v63  }
0x79: {  	s15 =	simm.s32 $0xE180  }
0x7a: {  	[tilespmem:s15], [sflag:$0x1] =	stream.indirect_vreg.gather [hbm4b:s0+s4], $0x80, v3, vm0, $0xb8;
	[tilespmem:$0x18180] =	vst v63  }
0x7b: {  	s31 =	simm.s32 $0xE980  }
0x7c: {  	[tilespmem:s31], [sflag:$0x1] =	stream.indirect_vreg.gather [hbm4b:s7+s4], $0x80, v3, vm0, $0xb8;
	[tilespmem:$0x18180] =	vst v63  }
0x7d: {  	s3 =	simm.s32 $0xF180  }
0x7e: {  	[tilespmem:s3], [sflag:$0x1] =	stream.indirect_vreg.gather [hbm4b:s8+s4], $0x80, v3, vm0, $0xb8;
	[tilespmem:$0x18180] =	vst v63  }
0x7f: {  	s5 =	simm.s32 $0xF980  }
0x80: {  	[tilespmem:s5], [sflag:$0x1] =	stream.indirect_vreg.gather [hbm4b:s9+s4], $0x80, v3, vm0, $0xb8;
	[tilespmem:$0x18180] =	vst v63  }
0x81: {  	v3 =	vld [tilespmem:$0x0];
	_ =	sdelay $0x4  }
0x82: {  	v4 =	vshll.u32 v3, $0x3  }
0x83: {  	v3 =	vand.u32 $0x7, v3;
	v4 =	vand.u32 $0xFFFFFFC0, v4  }
0x84: {  	v3 =	vor.u32 v3, v4  }
0x85: {  	v4 =	vperm.xlane v3, v0;
	_ =	sdelay $0x1  }
0x86: {  	v4 =	vadd.s32 v1, v4;
	_ =	sdelay $0x4  }
0x87: {  	[tilespmem:s2], [sflag:$0x2] =	stream.indirect_vreg.gather [hbm4b:s1+s4], $0x80, v4, vm0, $0xb8;
	[tilespmem:$0x18180] =	vst v63  }
0x88: {  	s6 =	simm.s32 $0x10980;
	v3 =	vperm.xlane v3, v2  }
0x89: {  	[tilespmem:s6], [sflag:$0x2] =	stream.indirect_vreg.gather [hbm4b:s10+s4], $0x80, v4, vm0, $0xb8;
	[tilespmem:$0x18180] =	vst v63  }
0x8a: {  	s14 =	simm.s32 $0x11180;
	v3 =	vadd.s32 v1, v3  }
0x8b: {  	[tilespmem:s14], [sflag:$0x2] =	stream.indirect_vreg.gather [hbm4b:s11+s4], $0x80, v4, vm0, $0xb8;
	[tilespmem:$0x18180] =	vst v63  }
0x8c: {  	s15 =	simm.s32 $0x11980  }
0x8d: {  	[tilespmem:s15], [sflag:$0x2] =	stream.indirect_vreg.gather [hbm4b:s12+s4], $0x80, v4, vm0, $0xb8;
	[tilespmem:$0x18180] =	vst v63  }
0x8e: {  	s31 =	simm.s32 $0x12180  }
0x8f: {  	[tilespmem:s31], [sflag:$0x2] =	stream.indirect_vreg.gather [hbm4b:s1+s4], $0x80, v3, vm0, $0xb8;
	[tilespmem:$0x18180] =	vst v63  }
0x90: {  	s3 =	simm.s32 $0x12980  }
0x91: {  	[tilespmem:s3], [sflag:$0x2] =	stream.indirect_vreg.gather [hbm4b:s10+s4], $0x80, v3, vm0, $0xb8;
	[tilespmem:$0x18180] =	vst v63  }
0x92: {  	_ = 	snop  }
0x93: {  	[tilespmem:s16], [sflag:$0x2] =	stream.indirect_vreg.gather [hbm4b:s11+s4], $0x80, v3, vm0, $0xb8;
	[tilespmem:$0x18180] =	vst v63  }
0x94: {  	s5 =	simm.s32 $0x1  }
0x95: {  	[tilespmem:s17], [sflag:$0x2] =	stream.indirect_vreg.gather [hbm4b:s12+s4], $0x80, v3, vm0, $0xb8;
	[tilespmem:$0x18180] =	vst v63  }
0x96: {  	_ =	swait.ge [sflag:s5], $0x10000  }
0x97: {  	[sflag:s5] =	ssyncset.done $0x0  }
0x98: {  	[sflag:s5] =	ssyncadd.s32 $0xFFFF0000  }
0x99: {  	v3 =	vld [tilespmem:$0x10];
	_ =	sdelay $0x4  }
0x9a: {  	v4 =	vshll.u32 v3, $0x3  }
0x9b: {  	v3 =	vand.u32 $0x7, v3;
	v4 =	vand.u32 $0xFFFFFFC0, v4  }
0x9c: {  	v3 =	vor.u32 v3, v4  }
0x9d: {  	v4 =	vperm.xlane v3, v0;
	_ =	sdelay $0x1  }
0x9e: {  	v4 =	vadd.s32 v1, v4;
	_ =	sdelay $0x4  }
0x9f: {  	[tilespmem:s19], [sflag:$0x3] =	stream.indirect_vreg.gather [hbm4b:s1+s4], $0x80, v4, vm0, $0xb8;
	[tilespmem:$0x18180] =	vst v63  }
0xa0: {  	v3 =	vperm.xlane v3, v2  }
0xa1: {  	[tilespmem:s20], [sflag:$0x3] =	stream.indirect_vreg.gather [hbm4b:s10+s4], $0x80, v4, vm0, $0xb8;
	[tilespmem:$0x18180] =	vst v63  }
0xa2: {  	v3 =	vadd.s32 v1, v3  }
0xa3: {  	[tilespmem:s21], [sflag:$0x3] =	stream.indirect_vreg.gather [hbm4b:s11+s4], $0x80, v4, vm0, $0xb8;
	[tilespmem:$0x18180] =	vst v63  }
0xa4: {  	_ = 	snop  }
0xa5: {  	[tilespmem:s22], [sflag:$0x3] =	stream.indirect_vreg.gather [hbm4b:s12+s4], $0x80, v4, vm0, $0xb8;
	[tilespmem:$0x18180] =	vst v63  }
0xa6: {  	_ = 	snop  }
0xa7: {  	[tilespmem:s23], [sflag:$0x3] =	stream.indirect_vreg.gather [hbm4b:s1+s4], $0x80, v3, vm0, $0xb8;
	[tilespmem:$0x18180] =	vst v63  }
0xa8: {  	_ = 	snop  }
0xa9: {  	[tilespmem:s24], [sflag:$0x3] =	stream.indirect_vreg.gather [hbm4b:s10+s4], $0x80, v3, vm0, $0xb8;
	[tilespmem:$0x18180] =	vst v63  }
0xaa: {  	s6 =	simm.s32 $0x0  }
0xab: {  	[tilespmem:s25], [sflag:$0x3] =	stream.indirect_vreg.gather [hbm4b:s11+s4], $0x80, v3, vm0, $0xb8;
	[tilespmem:$0x18180] =	vst v63  }
0xac: {  	s0 =	sand.u32 $0x2000, s6  }
0xad: {  	[tilespmem:s26], [sflag:$0x3] =	stream.indirect_vreg.gather [hbm4b:s12+s4], $0x80, v3, vm0, $0xb8;
	[tilespmem:$0x18180] =	vst v63  }
0xae: {  	s14 =	sand.u32 $0x1C00, s4;
	s15 =	simm.s32 $0x0;
	_ =	swait.ge [sflag:s28], $0x4000  }
0xaf: {  	s0 =	sor.u32 s14, s0;
	s31 =	sand.u32 $0x380, s15;
	[sflag:s28] =	ssyncset.done $0x0  }
0xb0: {  	s3 =	sor.u32 s31, s0;
	[sflag:s28] =	ssyncadd.s32 $0xFFFFC000  }
0xb1: {  	v3 =	vld [tilespmem:s3+$0x101F0]  }
0xb2: {  	v5 =	vld [tilespmem:s3+$0x1F0]  }
0xb3: {  	v6 =	vld [tilespmem:s3+$0x10180]  }
0xb4: {  	v8 =	vld [tilespmem:s3+$0x180]  }
0xb5: {  	v9 =	vld [tilespmem:s3+$0x10190]  }
0xb6: {  	v10 =	vld [tilespmem:s3+$0x190]  }
0xb7: {  	v4 =	vld [tilespmem:s3+$0x101A0]  }
0xb8: {  	v7 =	vld [tilespmem:s3+$0x1A0];
	v5 =	vadd.f32 v5, v3  }
0xb9: {  	v8 =	vadd.f32 v8, v6;
	v3 =	vld [tilespmem:s3+$0x101B0]  }
0xba: {  	v6 =	vld [tilespmem:s3+$0x1B0];
	[tilespmem:s3+$0x101F0] =	vst v5  }
0xbb: {  	s0 =	simm.s32 $0x0;
	s5 =	simm.s32 $0x0;
	[tilespmem:s3+$0x10180] =	vst v8;
	v8 =	vadd.f32 v10, v9;
	v5 =	vld [tilespmem:s3+$0x101C0]  }
.LBB2_2:
0xbc: {  	s0 =	sadd.s32 $0x8, s0;
	v9 =	vld [tilespmem:s3+$0x1C0]  }
0xbd: {  	s5 =	sadd.s32 $0x400, s5;
	s31 =	sshll.u32 s0, $0x4;
	p0 =	slt.u32 s0, $0x3F8;
	[tilespmem:s3+$0x10190] =	vst v8;
	v4 =	vadd.f32 v7, v4;
	v7 =	vld [tilespmem:s3+$0x101D0]  }
0xbe: {  	s6 =	sand.u32 $0x1C00, s5;
	s14 =	sshll.u32 s0, $0x1;
	s31 =	sand.u32 $0x2000, s31;
	v8 =	vld [tilespmem:s3+$0x1D0]  }
0xbf: {  	s14 =	sand.u32 $0x380, s14;
	s6 =	sor.u32 s6, s31;
	[tilespmem:s3+$0x101A0] =	vst v4;
	v3 =	vadd.f32 v6, v3;
	v4 =	vld [tilespmem:s3+$0x101E0]  }
0xc0: {  	s6 =	sor.u32 s14, s6;
	v6 =	vld [tilespmem:s3+$0x1E0]  }
0xc1: {  	v10 =	vld [tilespmem:s6+$0x101F0];
	[tilespmem:s3+$0x101B0] =	vst v3;
	v3 =	vadd.f32 v9, v5  }
0xc2: {  	v5 =	vld [tilespmem:s6+$0x1F0]  }
0xc3: {  	v9 =	vld [tilespmem:s6+$0x10180];
	[tilespmem:s3+$0x101C0] =	vst v3;
	v3 =	vadd.f32 v8, v7  }
0xc4: {  	v8 =	vld [tilespmem:s6+$0x180]  }
0xc5: {  	v11 =	vld [tilespmem:s6+$0x10190];
	[tilespmem:s3+$0x101D0] =	vst v3;
	v3 =	vadd.f32 v6, v4  }
0xc6: {  	v12 =	vld [tilespmem:s6+$0x190]  }
.Ltmp0:
0xc7: {  	v4 =	vld [tilespmem:s6+$0x101A0];
	v5 =	vadd.f32 v5, v10;
	[tilespmem:s3+$0x101E0] =	vst v3;
	s3 =	smov.u32 s6;
	(pc) =	sbr.rel @p0 .LBB2_2-.Ltmp0, $4  }
0xc8: {  	v7 =	vld [tilespmem:s3+$0x1A0]  }
0xc9: {  	v8 =	vadd.f32 v8, v9;
	v3 =	vld [tilespmem:s3+$0x101B0];
	[tilespmem:s3+$0x101F0] =	vst v5  }
0xca: {  	v6 =	vld [tilespmem:s3+$0x1B0]  }
0xcb: {  	[tilespmem:s3+$0x10180] =	vst v8;
	v8 =	vadd.f32 v12, v11;
	v5 =	vld [tilespmem:s3+$0x101C0]  }
0xcc: {  	v9 =	vld [tilespmem:s3+$0x1C0]  }
0xcd: {  	v10 =	vld [tilespmem:s3+$0x101D0]  }
0xce: {  	v11 =	vld [tilespmem:s3+$0x1D0]  }
0xcf: {  	v12 =	vld [tilespmem:s3+$0x101E0]  }
0xd0: {  	v13 =	vld [tilespmem:s3+$0x1E0]  }
0xd1: {  	v4 =	vadd.f32 v7, v4  }
0xd2: {  	[tilespmem:s3+$0x10190] =	vst v8;
	v3 =	vadd.f32 v6, v3  }
0xd3: {  	[tilespmem:s3+$0x101A0] =	vst v4;
	v4 =	vadd.f32 v9, v5  }
0xd4: {  	[tilespmem:s3+$0x101B0] =	vst v3;
	v3 =	vadd.f32 v11, v10  }
0xd5: {  	[tilespmem:s3+$0x101C0] =	vst v4;
	v4 =	vadd.f32 v13, v12  }
0xd6: {  	[tilespmem:s3+$0x101D0] =	vst v3  }
0xd7: {  	[tilespmem:s3+$0x101E0] =	vst v4  }
0xd8: {  	s31 =	simm.s32 $0x0;
	s0 =	rddreg [dreg:$0x7]  }
0xd9: {  	[hbm4b:s0+s31] =	stream.linear.scatter [tilespmem:s2], [sflag:$0x4], $0x4000, $0x38;
	[tilespmem:$0x18180] =	vst v63  }
0xda: {  	_ =	swait.ge [sflag:s29], $0x4000  }
0xdb: {  	[sflag:s29] =	ssyncset.done $0x0  }
0xdc: {  	[sflag:s29] =	ssyncadd.s32 $0xFFFFC000  }
0xdd: {  	v3 =	vld [tilespmem:$0x20];
	_ =	sdelay $0x4  }
0xde: {  	v4 =	vshll.u32 v3, $0x3  }
0xdf: {  	v3 =	vand.u32 $0x7, v3;
	v4 =	vand.u32 $0xFFFFFFC0, v4  }
0xe0: {  	v3 =	vor.u32 v3, v4  }
0xe1: {  	v4 =	vperm.xlane v3, v0;
	_ =	sdelay $0x1  }
0xe2: {  	v4 =	vadd.s32 v1, v4;
	_ =	sdelay $0x4  }
0xe3: {  	[tilespmem:s2], [sflag:$0x2] =	stream.indirect_vreg.gather [hbm4b:s1+s31], $0x80, v4, vm0, $0xb8;
	[tilespmem:$0x18180] =	vst v63  }
0xe4: {  	s14 =	simm.s32 $0x10980;
	v3 =	vperm.xlane v3, v2  }
0xe5: {  	[tilespmem:s14], [sflag:$0x2] =	stream.indirect_vreg.gather [hbm4b:s10+s31], $0x80, v4, vm0, $0xb8;
	[tilespmem:$0x18180] =	vst v63  }
0xe6: {  	s15 =	simm.s32 $0x11180;
	v3 =	vadd.s32 v1, v3  }
0xe7: {  	[tilespmem:s15], [sflag:$0x2] =	stream.indirect_vreg.gather [hbm4b:s11+s31], $0x80, v4, vm0, $0xb8;
	[tilespmem:$0x18180] =	vst v63  }
0xe8: {  	s3 =	simm.s32 $0x11980  }
0xe9: {  	[tilespmem:s3], [sflag:$0x2] =	stream.indirect_vreg.gather [hbm4b:s12+s31], $0x80, v4, vm0, $0xb8;
	[tilespmem:$0x18180] =	vst v63  }
0xea: {  	s5 =	simm.s32 $0x12180  }
0xeb: {  	[tilespmem:s5], [sflag:$0x2] =	stream.indirect_vreg.gather [hbm4b:s1+s31], $0x80, v3, vm0, $0xb8;
	[tilespmem:$0x18180] =	vst v63  }
0xec: {  	s6 =	simm.s32 $0x12980  }
0xed: {  	[tilespmem:s6], [sflag:$0x2] =	stream.indirect_vreg.gather [hbm4b:s10+s31], $0x80, v3, vm0, $0xb8;
	[tilespmem:$0x18180] =	vst v63  }
0xee: {  	s14 =	simm.s32 $0x0  }
0xef: {  	[tilespmem:s16], [sflag:$0x2] =	stream.indirect_vreg.gather [hbm4b:s11+s31], $0x80, v3, vm0, $0xb8;
	[tilespmem:$0x18180] =	vst v63  }
0xf0: {  	s0 =	sand.u32 $0x2000, s14  }
0xf1: {  	[tilespmem:s17], [sflag:$0x2] =	stream.indirect_vreg.gather [hbm4b:s12+s31], $0x80, v3, vm0, $0xb8;
	[tilespmem:$0x18180] =	vst v63  }
0xf2: {  	s15 =	sand.u32 $0x1C00, s31;
	s5 =	simm.s32 $0x0;
	_ =	swait.ge [sflag:s30], $0x4000  }
0xf3: {  	s0 =	sor.u32 s15, s0;
	s5 =	sand.u32 $0x380, s5;
	[sflag:s30] =	ssyncset.done $0x0  }
0xf4: {  	s0 =	sor.u32 s5, s0;
	[sflag:s30] =	ssyncadd.s32 $0xFFFFC000  }
0xf5: {  	s3 =	sadd.s32 $0x14180, s0;
	v9 =	vld [tilespmem:s0+$0x41F0]  }
0xf6: {  	v10 =	vld [tilespmem:s3+$0x70]  }
0xf7: {  	v8 =	vld [tilespmem:s3+$0x10]  }
0xf8: {  	v7 =	vld [tilespmem:s3+$0x20]  }
0xf9: {  	v6 =	vld [tilespmem:s3+$0x30]  }
0xfa: {  	v5 =	vld [tilespmem:s3+$0x40]  }
0xfb: {  	v3 =	vld [tilespmem:s3+$0x50]  }
0xfc: {  	v4 =	vld [tilespmem:s3+$0x60]  }
0xfd: {  	v11 =	vld [tilespmem:s0+$0x4180];
	v10 =	vadd.f32 v9, v10  }
0xfe: {  	v9 =	vld [tilespmem:s0+$0x14180]  }
0xff: {  	s5 =	simm.s32 $0x0;
	[tilespmem:s3+$0x70] =	vst v10;
	v10 =	vld [tilespmem:s0+$0x4190]  }
.LBB2_4:
0x100: {  	s5 =	sadd.s32 $0x8, s5;
	v12 =	vld [tilespmem:s0+$0x41A0]  }
0x101: {  	s31 =	sadd.s32 $0x400, s31;
	s6 =	sshll.u32 s5, $0x4;
	p0 =	slt.u32 s5, $0x3F8;
	v13 =	vld [tilespmem:s0+$0x41B0]  }
0x102: {  	s14 =	sand.u32 $0x1C00, s31;
	s15 =	sshll.u32 s5, $0x1;
	s6 =	sand.u32 $0x2000, s6;
	v14 =	vld [tilespmem:s0+$0x41C0]  }
0x103: {  	s15 =	sand.u32 $0x380, s15;
	s6 =	sor.u32 s14, s6;
	v9 =	vadd.f32 v11, v9;
	v11 =	vld [tilespmem:s0+$0x41D0]  }
0x104: {  	s6 =	sor.u32 s15, s6;
	v8 =	vadd.f32 v10, v8;
	v10 =	vld [tilespmem:s0+$0x41E0]  }
0x105: {  	s14 =	sadd.s32 $0x14180, s6;
	v15 =	vld [tilespmem:s6+$0x41F0];
	[tilespmem:s0+$0x14180] =	vst v9;
	v7 =	vadd.f32 v12, v7;
	s0 =	smov.u32 s6  }
0x106: {  	v9 =	vld [tilespmem:s14+$0x70];
	[tilespmem:s3+$0x10] =	vst v8;
	v6 =	vadd.f32 v13, v6  }
0x107: {  	v8 =	vld [tilespmem:s14+$0x10];
	[tilespmem:s3+$0x20] =	vst v7;
	v5 =	vadd.f32 v14, v5  }
0x108: {  	v7 =	vld [tilespmem:s14+$0x20];
	[tilespmem:s3+$0x30] =	vst v6;
	v3 =	vadd.f32 v11, v3  }
0x109: {  	v6 =	vld [tilespmem:s14+$0x30];
	[tilespmem:s3+$0x40] =	vst v5;
	v4 =	vadd.f32 v10, v4  }
0x10a: {  	v5 =	vld [tilespmem:s14+$0x40];
	[tilespmem:s3+$0x50] =	vst v3  }
.Ltmp1:
0x10b: {  	v3 =	vld [tilespmem:s14+$0x50];
	v10 =	vadd.f32 v15, v9;
	[tilespmem:s3+$0x60] =	vst v4;
	s3 =	smov.u32 s14;
	(pc) =	sbr.rel @p0 .LBB2_4-.Ltmp1, $4  }
0x10c: {  	v4 =	vld [tilespmem:s3+$0x60]  }
0x10d: {  	v9 =	vld [tilespmem:s0+$0x14180];
	[tilespmem:s3+$0x70] =	vst v10  }
0x10e: {  	v11 =	vld [tilespmem:s0+$0x4180]  }
0x10f: {  	v10 =	vld [tilespmem:s0+$0x4190]  }
0x110: {  	v12 =	vld [tilespmem:s0+$0x41A0]  }
0x111: {  	v13 =	vld [tilespmem:s0+$0x41B0]  }
0x112: {  	v14 =	vld [tilespmem:s0+$0x41C0]  }
0x113: {  	v9 =	vadd.f32 v11, v9;
	v11 =	vld [tilespmem:s0+$0x41D0]  }
0x114: {  	v8 =	vadd.f32 v10, v8;
	v10 =	vld [tilespmem:s0+$0x41E0]  }
0x115: {  	[tilespmem:s0+$0x14180] =	vst v9;
	v7 =	vadd.f32 v12, v7  }
0x116: {  	v6 =	vadd.f32 v13, v6;
	[tilespmem:s3+$0x10] =	vst v8  }
0x117: {  	v5 =	vadd.f32 v14, v5;
	[tilespmem:s3+$0x20] =	vst v7  }
0x118: {  	[tilespmem:s3+$0x30] =	vst v6;
	v3 =	vadd.f32 v11, v3  }
0x119: {  	[tilespmem:s3+$0x40] =	vst v5;
	v4 =	vadd.f32 v10, v4  }
0x11a: {  	[tilespmem:s3+$0x50] =	vst v3  }
0x11b: {  	[tilespmem:s3+$0x60] =	vst v4  }
0x11c: {  	s31 =	simm.s32 $0x0;
	s0 =	rddreg [dreg:$0x8]  }
0x11d: {  	[hbm4b:s0+s31] =	stream.linear.scatter [tilespmem:s19], [sflag:$0x5], $0x4000, $0x38;
	[tilespmem:$0x18180] =	vst v63  }
0x11e: {  	_ =	swait.ge [sflag:s13], $0x4000  }
0x11f: {  	[sflag:s13] =	ssyncset.done $0x0  }
0x120: {  	[sflag:s13] =	ssyncadd.s32 $0xFFFFC000  }
0x121: {  	v3 =	vld [tilespmem:$0x30];
	_ =	sdelay $0x4  }
0x122: {  	v4 =	vshll.u32 v3, $0x3  }
0x123: {  	v3 =	vand.u32 $0x7, v3;
	v4 =	vand.u32 $0xFFFFFFC0, v4  }
0x124: {  	v3 =	vor.u32 v3, v4  }
0x125: {  	v4 =	vperm.xlane v3, v0;
	_ =	sdelay $0x1  }
0x126: {  	v4 =	vadd.s32 v1, v4;
	_ =	sdelay $0x4  }
0x127: {  	[tilespmem:s19], [sflag:$0x3] =	stream.indirect_vreg.gather [hbm4b:s1+s31], $0x80, v4, vm0, $0xb8;
	[tilespmem:$0x18180] =	vst v63  }
0x128: {  	v3 =	vperm.xlane v3, v2  }
0x129: {  	[tilespmem:s20], [sflag:$0x3] =	stream.indirect_vreg.gather [hbm4b:s10+s31], $0x80, v4, vm0, $0xb8;
	[tilespmem:$0x18180] =	vst v63  }
0x12a: {  	v3 =	vadd.s32 v1, v3  }
0x12b: {  	[tilespmem:s21], [sflag:$0x3] =	stream.indirect_vreg.gather [hbm4b:s11+s31], $0x80, v4, vm0, $0xb8;
	[tilespmem:$0x18180] =	vst v63  }
0x12c: {  	_ = 	snop  }
0x12d: {  	[tilespmem:s22], [sflag:$0x3] =	stream.indirect_vreg.gather [hbm4b:s12+s31], $0x80, v4, vm0, $0xb8;
	[tilespmem:$0x18180] =	vst v63  }
0x12e: {  	_ = 	snop  }
0x12f: {  	[tilespmem:s23], [sflag:$0x3] =	stream.indirect_vreg.gather [hbm4b:s1+s31], $0x80, v3, vm0, $0xb8;
	[tilespmem:$0x18180] =	vst v63  }
0x130: {  	_ = 	snop  }
0x131: {  	[tilespmem:s24], [sflag:$0x3] =	stream.indirect_vreg.gather [hbm4b:s10+s31], $0x80, v3, vm0, $0xb8;
	[tilespmem:$0x18180] =	vst v63  }
0x132: {  	_ = 	snop  }
0x133: {  	[tilespmem:s25], [sflag:$0x3] =	stream.indirect_vreg.gather [hbm4b:s11+s31], $0x80, v3, vm0, $0xb8;
	[tilespmem:$0x18180] =	vst v63  }
0x134: {  	s14 =	simm.s32 $0x0;
	s5 =	simm.s32 $0x0  }
0x135: {  	[tilespmem:s26], [sflag:$0x3] =	stream.indirect_vreg.gather [hbm4b:s12+s31], $0x80, v3, vm0, $0xb8;
	[tilespmem:$0x18180] =	vst v63  }
0x136: {  	s15 =	sand.u32 $0x1C00, s31;
	s0 =	sand.u32 $0x2000, s14;
	_ =	swait.ge [sflag:s28], $0x4000  }
0x137: {  	s5 =	sand.u32 $0x380, s5;
	s0 =	sor.u32 s15, s0;
	[sflag:s28] =	ssyncset.done $0x0  }
0x138: {  	s0 =	sor.u32 s5, s0;
	[sflag:s28] =	ssyncadd.s32 $0xFFFFC000  }
0x139: {  	s3 =	sadd.s32 $0x10180, s0;
	v9 =	vld [tilespmem:s0+$0x81F0]  }
0x13a: {  	v10 =	vld [tilespmem:s3+$0x70]  }
0x13b: {  	v8 =	vld [tilespmem:s3+$0x10]  }
0x13c: {  	v7 =	vld [tilespmem:s3+$0x20]  }
0x13d: {  	v6 =	vld [tilespmem:s3+$0x30]  }
0x13e: {  	v5 =	vld [tilespmem:s3+$0x40]  }
0x13f: {  	v3 =	vld [tilespmem:s3+$0x50]  }
0x140: {  	v4 =	vld [tilespmem:s3+$0x60]  }
0x141: {  	v11 =	vld [tilespmem:s0+$0x8180];
	v10 =	vadd.f32 v9, v10  }
0x142: {  	v9 =	vld [tilespmem:s0+$0x10180]  }
0x143: {  	s5 =	simm.s32 $0x0;
	[tilespmem:s3+$0x70] =	vst v10;
	v10 =	vld [tilespmem:s0+$0x8190]  }
.LBB2_6:
0x144: {  	s5 =	sadd.s32 $0x8, s5;
	v12 =	vld [tilespmem:s0+$0x81A0]  }
0x145: {  	s31 =	sadd.s32 $0x400, s31;
	s6 =	sshll.u32 s5, $0x4;
	p0 =	slt.u32 s5, $0x3F8;
	v13 =	vld [tilespmem:s0+$0x81B0]  }
0x146: {  	s14 =	sand.u32 $0x1C00, s31;
	s15 =	sshll.u32 s5, $0x1;
	s6 =	sand.u32 $0x2000, s6;
	v14 =	vld [tilespmem:s0+$0x81C0]  }
0x147: {  	s15 =	sand.u32 $0x380, s15;
	s6 =	sor.u32 s14, s6;
	v9 =	vadd.f32 v11, v9;
	v11 =	vld [tilespmem:s0+$0x81D0]  }
0x148: {  	s6 =	sor.u32 s15, s6;
	v8 =	vadd.f32 v10, v8;
	v10 =	vld [tilespmem:s0+$0x81E0]  }
0x149: {  	s14 =	sadd.s32 $0x10180, s6;
	v15 =	vld [tilespmem:s6+$0x81F0];
	[tilespmem:s0+$0x10180] =	vst v9;
	v7 =	vadd.f32 v12, v7;
	s0 =	smov.u32 s6  }
0x14a: {  	v9 =	vld [tilespmem:s14+$0x70];
	[tilespmem:s3+$0x10] =	vst v8;
	v6 =	vadd.f32 v13, v6  }
0x14b: {  	v8 =	vld [tilespmem:s14+$0x10];
	[tilespmem:s3+$0x20] =	vst v7;
	v5 =	vadd.f32 v14, v5  }
0x14c: {  	v7 =	vld [tilespmem:s14+$0x20];
	[tilespmem:s3+$0x30] =	vst v6;
	v3 =	vadd.f32 v11, v3  }
0x14d: {  	v6 =	vld [tilespmem:s14+$0x30];
	[tilespmem:s3+$0x40] =	vst v5;
	v4 =	vadd.f32 v10, v4  }
0x14e: {  	v5 =	vld [tilespmem:s14+$0x40];
	[tilespmem:s3+$0x50] =	vst v3  }
.Ltmp2:
0x14f: {  	v3 =	vld [tilespmem:s14+$0x50];
	v10 =	vadd.f32 v15, v9;
	[tilespmem:s3+$0x60] =	vst v4;
	s3 =	smov.u32 s14;
	(pc) =	sbr.rel @p0 .LBB2_6-.Ltmp2, $4  }
0x150: {  	v4 =	vld [tilespmem:s3+$0x60]  }
0x151: {  	v9 =	vld [tilespmem:s0+$0x10180];
	[tilespmem:s3+$0x70] =	vst v10  }
0x152: {  	v11 =	vld [tilespmem:s0+$0x8180]  }
0x153: {  	v10 =	vld [tilespmem:s0+$0x8190]  }
0x154: {  	v12 =	vld [tilespmem:s0+$0x81A0]  }
0x155: {  	v13 =	vld [tilespmem:s0+$0x81B0]  }
0x156: {  	v14 =	vld [tilespmem:s0+$0x81C0]  }
0x157: {  	v9 =	vadd.f32 v11, v9;
	v11 =	vld [tilespmem:s0+$0x81D0]  }
0x158: {  	v8 =	vadd.f32 v10, v8;
	v10 =	vld [tilespmem:s0+$0x81E0]  }
0x159: {  	[tilespmem:s0+$0x10180] =	vst v9;
	v7 =	vadd.f32 v12, v7  }
0x15a: {  	v6 =	vadd.f32 v13, v6;
	[tilespmem:s3+$0x10] =	vst v8  }
0x15b: {  	v5 =	vadd.f32 v14, v5;
	[tilespmem:s3+$0x20] =	vst v7  }
0x15c: {  	[tilespmem:s3+$0x30] =	vst v6;
	v3 =	vadd.f32 v11, v3  }
0x15d: {  	[tilespmem:s3+$0x40] =	vst v5;
	v4 =	vadd.f32 v10, v4  }
0x15e: {  	[tilespmem:s3+$0x50] =	vst v3  }
0x15f: {  	[tilespmem:s3+$0x60] =	vst v4  }
0x160: {  	s31 =	simm.s32 $0x0;
	s0 =	rddreg [dreg:$0x9]  }
0x161: {  	[hbm4b:s0+s31] =	stream.linear.scatter [tilespmem:s2], [sflag:$0x4], $0x4000, $0x38;
	[tilespmem:$0x18180] =	vst v63  }
0x162: {  	_ =	swait.ge [sflag:s29], $0x4000  }
0x163: {  	[sflag:s29] =	ssyncset.done $0x0  }
0x164: {  	[sflag:s29] =	ssyncadd.s32 $0xFFFFC000  }
0x165: {  	v3 =	vld [tilespmem:$0x40];
	_ =	sdelay $0x4  }
0x166: {  	v4 =	vshll.u32 v3, $0x3  }
0x167: {  	v3 =	vand.u32 $0x7, v3;
	v4 =	vand.u32 $0xFFFFFFC0, v4  }
0x168: {  	v3 =	vor.u32 v3, v4  }
0x169: {  	v4 =	vperm.xlane v3, v0;
	_ =	sdelay $0x1  }
0x16a: {  	v4 =	vadd.s32 v1, v4;
	_ =	sdelay $0x4  }
0x16b: {  	[tilespmem:s2], [sflag:$0x2] =	stream.indirect_vreg.gather [hbm4b:s1+s31], $0x80, v4, vm0, $0xb8;
	[tilespmem:$0x18180] =	vst v63  }
0x16c: {  	s14 =	simm.s32 $0x10980;
	v3 =	vperm.xlane v3, v2  }
0x16d: {  	[tilespmem:s14], [sflag:$0x2] =	stream.indirect_vreg.gather [hbm4b:s10+s31], $0x80, v4, vm0, $0xb8;
	[tilespmem:$0x18180] =	vst v63  }
0x16e: {  	s15 =	simm.s32 $0x11180;
	v3 =	vadd.s32 v1, v3  }
0x16f: {  	[tilespmem:s15], [sflag:$0x2] =	stream.indirect_vreg.gather [hbm4b:s11+s31], $0x80, v4, vm0, $0xb8;
	[tilespmem:$0x18180] =	vst v63  }
0x170: {  	s3 =	simm.s32 $0x11980  }
0x171: {  	[tilespmem:s3], [sflag:$0x2] =	stream.indirect_vreg.gather [hbm4b:s12+s31], $0x80, v4, vm0, $0xb8;
	[tilespmem:$0x18180] =	vst v63  }
0x172: {  	s5 =	simm.s32 $0x12180  }
0x173: {  	[tilespmem:s5], [sflag:$0x2] =	stream.indirect_vreg.gather [hbm4b:s1+s31], $0x80, v3, vm0, $0xb8;
	[tilespmem:$0x18180] =	vst v63  }
0x174: {  	s6 =	simm.s32 $0x12980  }
0x175: {  	[tilespmem:s6], [sflag:$0x2] =	stream.indirect_vreg.gather [hbm4b:s10+s31], $0x80, v3, vm0, $0xb8;
	[tilespmem:$0x18180] =	vst v63  }
0x176: {  	s14 =	simm.s32 $0x0  }
0x177: {  	[tilespmem:s16], [sflag:$0x2] =	stream.indirect_vreg.gather [hbm4b:s11+s31], $0x80, v3, vm0, $0xb8;
	[tilespmem:$0x18180] =	vst v63  }
0x178: {  	s0 =	sand.u32 $0x2000, s14  }
0x179: {  	[tilespmem:s17], [sflag:$0x2] =	stream.indirect_vreg.gather [hbm4b:s12+s31], $0x80, v3, vm0, $0xb8;
	[tilespmem:$0x18180] =	vst v63  }
0x17a: {  	s15 =	sand.u32 $0x1C00, s31;
	s5 =	simm.s32 $0x0;
	_ =	swait.ge [sflag:s30], $0x4000  }
0x17b: {  	s0 =	sor.u32 s15, s0;
	s5 =	sand.u32 $0x380, s5;
	[sflag:s30] =	ssyncset.done $0x0  }
0x17c: {  	s0 =	sor.u32 s5, s0;
	[sflag:s30] =	ssyncadd.s32 $0xFFFFC000  }
0x17d: {  	s3 =	sadd.s32 $0x14180, s0;
	v9 =	vld [tilespmem:s0+$0xC1F0]  }
0x17e: {  	v10 =	vld [tilespmem:s3+$0x70]  }
0x17f: {  	v8 =	vld [tilespmem:s3+$0x10]  }
0x180: {  	v7 =	vld [tilespmem:s3+$0x20]  }
0x181: {  	v6 =	vld [tilespmem:s3+$0x30]  }
0x182: {  	v5 =	vld [tilespmem:s3+$0x40]  }
0x183: {  	v3 =	vld [tilespmem:s3+$0x50]  }
0x184: {  	v4 =	vld [tilespmem:s3+$0x60]  }
0x185: {  	v11 =	vld [tilespmem:s0+$0xC180];
	v10 =	vadd.f32 v9, v10  }
0x186: {  	v9 =	vld [tilespmem:s0+$0x14180]  }
0x187: {  	s5 =	simm.s32 $0x0;
	[tilespmem:s3+$0x70] =	vst v10;
	v10 =	vld [tilespmem:s0+$0xC190]  }
.LBB2_8:
0x188: {  	s5 =	sadd.s32 $0x8, s5;
	v12 =	vld [tilespmem:s0+$0xC1A0]  }
0x189: {  	s31 =	sadd.s32 $0x400, s31;
	s6 =	sshll.u32 s5, $0x4;
	p0 =	slt.u32 s5, $0x3F8;
	v13 =	vld [tilespmem:s0+$0xC1B0]  }
0x18a: {  	s14 =	sand.u32 $0x1C00, s31;
	s15 =	sshll.u32 s5, $0x1;
	s6 =	sand.u32 $0x2000, s6;
	v14 =	vld [tilespmem:s0+$0xC1C0]  }
0x18b: {  	s15 =	sand.u32 $0x380, s15;
	s6 =	sor.u32 s14, s6;
	v9 =	vadd.f32 v11, v9;
	v11 =	vld [tilespmem:s0+$0xC1D0]  }
0x18c: {  	s6 =	sor.u32 s15, s6;
	v8 =	vadd.f32 v10, v8;
	v10 =	vld [tilespmem:s0+$0xC1E0]  }
0x18d: {  	s14 =	sadd.s32 $0x14180, s6;
	v15 =	vld [tilespmem:s6+$0xC1F0];
	[tilespmem:s0+$0x14180] =	vst v9;
	v7 =	vadd.f32 v12, v7;
	s0 =	smov.u32 s6  }
0x18e: {  	v9 =	vld [tilespmem:s14+$0x70];
	[tilespmem:s3+$0x10] =	vst v8;
	v6 =	vadd.f32 v13, v6  }
0x18f: {  	v8 =	vld [tilespmem:s14+$0x10];
	[tilespmem:s3+$0x20] =	vst v7;
	v5 =	vadd.f32 v14, v5  }
0x190: {  	v7 =	vld [tilespmem:s14+$0x20];
	[tilespmem:s3+$0x30] =	vst v6;
	v3 =	vadd.f32 v11, v3  }
0x191: {  	v6 =	vld [tilespmem:s14+$0x30];
	[tilespmem:s3+$0x40] =	vst v5;
	v4 =	vadd.f32 v10, v4  }
0x192: {  	v5 =	vld [tilespmem:s14+$0x40];
	[tilespmem:s3+$0x50] =	vst v3  }
.Ltmp3:
0x193: {  	v3 =	vld [tilespmem:s14+$0x50];
	v10 =	vadd.f32 v15, v9;
	[tilespmem:s3+$0x60] =	vst v4;
	s3 =	smov.u32 s14;
	(pc) =	sbr.rel @p0 .LBB2_8-.Ltmp3, $4  }
0x194: {  	v4 =	vld [tilespmem:s3+$0x60]  }
0x195: {  	v9 =	vld [tilespmem:s0+$0x14180];
	[tilespmem:s3+$0x70] =	vst v10  }
0x196: {  	v11 =	vld [tilespmem:s0+$0xC180]  }
0x197: {  	v10 =	vld [tilespmem:s0+$0xC190]  }
0x198: {  	v12 =	vld [tilespmem:s0+$0xC1A0]  }
0x199: {  	v13 =	vld [tilespmem:s0+$0xC1B0]  }
0x19a: {  	v14 =	vld [tilespmem:s0+$0xC1C0]  }
0x19b: {  	v9 =	vadd.f32 v11, v9;
	v11 =	vld [tilespmem:s0+$0xC1D0]  }
0x19c: {  	v8 =	vadd.f32 v10, v8;
	v10 =	vld [tilespmem:s0+$0xC1E0]  }
0x19d: {  	[tilespmem:s0+$0x14180] =	vst v9;
	v7 =	vadd.f32 v12, v7  }
0x19e: {  	v6 =	vadd.f32 v13, v6;
	[tilespmem:s3+$0x10] =	vst v8  }
0x19f: {  	v5 =	vadd.f32 v14, v5;
	[tilespmem:s3+$0x20] =	vst v7  }
0x1a0: {  	[tilespmem:s3+$0x30] =	vst v6;
	v3 =	vadd.f32 v11, v3  }
0x1a1: {  	[tilespmem:s3+$0x40] =	vst v5;
	v4 =	vadd.f32 v10, v4  }
0x1a2: {  	[tilespmem:s3+$0x50] =	vst v3  }
0x1a3: {  	[tilespmem:s3+$0x60] =	vst v4  }
0x1a4: {  	s31 =	simm.s32 $0x0;
	s0 =	rddreg [dreg:$0xa]  }
0x1a5: {  	[hbm4b:s0+s31] =	stream.linear.scatter [tilespmem:s19], [sflag:$0x5], $0x4000, $0x38;
	[tilespmem:$0x18180] =	vst v63  }
0x1a6: {  	_ =	swait.ge [sflag:s13], $0x4000  }
0x1a7: {  	[sflag:s13] =	ssyncset.done $0x0  }
0x1a8: {  	[sflag:s13] =	ssyncadd.s32 $0xFFFFC000  }
0x1a9: {  	v3 =	vld [tilespmem:$0x50];
	_ =	sdelay $0x4  }
0x1aa: {  	v4 =	vshll.u32 v3, $0x3  }
0x1ab: {  	v3 =	vand.u32 $0x7, v3;
	v4 =	vand.u32 $0xFFFFFFC0, v4  }
0x1ac: {  	v3 =	vor.u32 v3, v4  }
0x1ad: {  	v4 =	vperm.xlane v3, v0;
	_ =	sdelay $0x1  }
0x1ae: {  	v4 =	vadd.s32 v1, v4;
	_ =	sdelay $0x4  }
0x1af: {  	[tilespmem:s19], [sflag:$0x3] =	stream.indirect_vreg.gather [hbm4b:s1+s31], $0x80, v4, vm0, $0xb8;
	[tilespmem:$0x18180] =	vst v63  }
0x1b0: {  	v3 =	vperm.xlane v3, v2  }
0x1b1: {  	[tilespmem:s20], [sflag:$0x3] =	stream.indirect_vreg.gather [hbm4b:s10+s31], $0x80, v4, vm0, $0xb8;
	[tilespmem:$0x18180] =	vst v63  }
0x1b2: {  	v3 =	vadd.s32 v1, v3  }
0x1b3: {  	[tilespmem:s21], [sflag:$0x3] =	stream.indirect_vreg.gather [hbm4b:s11+s31], $0x80, v4, vm0, $0xb8;
	[tilespmem:$0x18180] =	vst v63  }
0x1b4: {  	_ = 	snop  }
0x1b5: {  	[tilespmem:s22], [sflag:$0x3] =	stream.indirect_vreg.gather [hbm4b:s12+s31], $0x80, v4, vm0, $0xb8;
	[tilespmem:$0x18180] =	vst v63  }
0x1b6: {  	_ = 	snop  }
0x1b7: {  	[tilespmem:s23], [sflag:$0x3] =	stream.indirect_vreg.gather [hbm4b:s1+s31], $0x80, v3, vm0, $0xb8;
	[tilespmem:$0x18180] =	vst v63  }
0x1b8: {  	_ = 	snop  }
0x1b9: {  	[tilespmem:s24], [sflag:$0x3] =	stream.indirect_vreg.gather [hbm4b:s10+s31], $0x80, v3, vm0, $0xb8;
	[tilespmem:$0x18180] =	vst v63  }
0x1ba: {  	_ = 	snop  }
0x1bb: {  	[tilespmem:s25], [sflag:$0x3] =	stream.indirect_vreg.gather [hbm4b:s11+s31], $0x80, v3, vm0, $0xb8;
	[tilespmem:$0x18180] =	vst v63  }
0x1bc: {  	s6 =	simm.s32 $0x0;
	s5 =	simm.s32 $0x0  }
0x1bd: {  	[tilespmem:s26], [sflag:$0x3] =	stream.indirect_vreg.gather [hbm4b:s12+s31], $0x80, v3, vm0, $0xb8;
	[tilespmem:$0x18180] =	vst v63  }
0x1be: {  	s14 =	sand.u32 $0x1C00, s31;
	s0 =	sand.u32 $0x2000, s6;
	_ =	swait.ge [sflag:s28], $0x4000  }
0x1bf: {  	s15 =	sand.u32 $0x380, s5;
	s0 =	sor.u32 s14, s0;
	[sflag:s28] =	ssyncset.done $0x0  }
0x1c0: {  	s3 =	sor.u32 s15, s0;
	[sflag:s28] =	ssyncadd.s32 $0xFFFFC000  }
0x1c1: {  	v3 =	vld [tilespmem:s3+$0x101F0]  }
0x1c2: {  	v5 =	vld [tilespmem:s3+$0x1F0]  }
0x1c3: {  	v6 =	vld [tilespmem:s3+$0x10180]  }
0x1c4: {  	v8 =	vld [tilespmem:s3+$0x180]  }
0x1c5: {  	v9 =	vld [tilespmem:s3+$0x10190]  }
0x1c6: {  	v10 =	vld [tilespmem:s3+$0x190]  }
0x1c7: {  	v4 =	vld [tilespmem:s3+$0x101A0]  }
0x1c8: {  	v7 =	vld [tilespmem:s3+$0x1A0];
	v5 =	vadd.f32 v5, v3  }
0x1c9: {  	v8 =	vadd.f32 v8, v6;
	v3 =	vld [tilespmem:s3+$0x101B0]  }
0x1ca: {  	v6 =	vld [tilespmem:s3+$0x1B0];
	[tilespmem:s3+$0x101F0] =	vst v5  }
0x1cb: {  	s0 =	simm.s32 $0x0;
	[tilespmem:s3+$0x10180] =	vst v8;
	v8 =	vadd.f32 v10, v9;
	v5 =	vld [tilespmem:s3+$0x101C0]  }
.LBB2_10:
0x1cc: {  	s0 =	sadd.s32 $0x8, s0;
	v9 =	vld [tilespmem:s3+$0x1C0]  }
0x1cd: {  	s31 =	sadd.s32 $0x400, s31;
	s5 =	sshll.u32 s0, $0x4;
	p0 =	slt.u32 s0, $0x3F8;
	[tilespmem:s3+$0x10190] =	vst v8;
	v4 =	vadd.f32 v7, v4;
	v7 =	vld [tilespmem:s3+$0x101D0]  }
0x1ce: {  	s6 =	sand.u32 $0x1C00, s31;
	s14 =	sshll.u32 s0, $0x1;
	s5 =	sand.u32 $0x2000, s5;
	v8 =	vld [tilespmem:s3+$0x1D0]  }
0x1cf: {  	s5 =	sor.u32 s6, s5;
	s6 =	sand.u32 $0x380, s14;
	[tilespmem:s3+$0x101A0] =	vst v4;
	v3 =	vadd.f32 v6, v3;
	v4 =	vld [tilespmem:s3+$0x101E0]  }
0x1d0: {  	s5 =	sor.u32 s6, s5;
	v6 =	vld [tilespmem:s3+$0x1E0]  }
0x1d1: {  	v10 =	vld [tilespmem:s5+$0x101F0];
	[tilespmem:s3+$0x101B0] =	vst v3;
	v3 =	vadd.f32 v9, v5  }
0x1d2: {  	v5 =	vld [tilespmem:s5+$0x1F0]  }
0x1d3: {  	v9 =	vld [tilespmem:s5+$0x10180];
	[tilespmem:s3+$0x101C0] =	vst v3;
	v3 =	vadd.f32 v8, v7  }
0x1d4: {  	v8 =	vld [tilespmem:s5+$0x180]  }
0x1d5: {  	v11 =	vld [tilespmem:s5+$0x10190];
	[tilespmem:s3+$0x101D0] =	vst v3;
	v3 =	vadd.f32 v6, v4  }
0x1d6: {  	v12 =	vld [tilespmem:s5+$0x190]  }
.Ltmp4:
0x1d7: {  	v4 =	vld [tilespmem:s5+$0x101A0];
	v5 =	vadd.f32 v5, v10;
	[tilespmem:s3+$0x101E0] =	vst v3;
	s3 =	smov.u32 s5;
	(pc) =	sbr.rel @p0 .LBB2_10-.Ltmp4, $4  }
0x1d8: {  	v7 =	vld [tilespmem:s3+$0x1A0]  }
0x1d9: {  	v8 =	vadd.f32 v8, v9;
	v3 =	vld [tilespmem:s3+$0x101B0];
	[tilespmem:s3+$0x101F0] =	vst v5  }
0x1da: {  	v6 =	vld [tilespmem:s3+$0x1B0]  }
0x1db: {  	[tilespmem:s3+$0x10180] =	vst v8;
	v8 =	vadd.f32 v12, v11;
	v5 =	vld [tilespmem:s3+$0x101C0]  }
0x1dc: {  	v9 =	vld [tilespmem:s3+$0x1C0]  }
0x1dd: {  	v10 =	vld [tilespmem:s3+$0x101D0]  }
0x1de: {  	v11 =	vld [tilespmem:s3+$0x1D0]  }
0x1df: {  	v12 =	vld [tilespmem:s3+$0x101E0]  }
0x1e0: {  	v13 =	vld [tilespmem:s3+$0x1E0]  }
0x1e1: {  	v4 =	vadd.f32 v7, v4  }
0x1e2: {  	[tilespmem:s3+$0x10190] =	vst v8;
	v3 =	vadd.f32 v6, v3  }
0x1e3: {  	[tilespmem:s3+$0x101A0] =	vst v4;
	v4 =	vadd.f32 v9, v5  }
0x1e4: {  	[tilespmem:s3+$0x101B0] =	vst v3;
	v3 =	vadd.f32 v11, v10  }
0x1e5: {  	[tilespmem:s3+$0x101C0] =	vst v4;
	v4 =	vadd.f32 v13, v12  }
0x1e6: {  	[tilespmem:s3+$0x101D0] =	vst v3  }
0x1e7: {  	[tilespmem:s3+$0x101E0] =	vst v4  }
0x1e8: {  	s31 =	simm.s32 $0x0;
	s0 =	rddreg [dreg:$0xb]  }
0x1e9: {  	[hbm4b:s0+s31] =	stream.linear.scatter [tilespmem:s2], [sflag:$0x4], $0x4000, $0x38;
	[tilespmem:$0x18180] =	vst v63  }
0x1ea: {  	_ =	swait.ge [sflag:s29], $0x4000  }
0x1eb: {  	[sflag:s29] =	ssyncset.done $0x0  }
0x1ec: {  	[sflag:s29] =	ssyncadd.s32 $0xFFFFC000  }
0x1ed: {  	v3 =	vld [tilespmem:$0x60];
	_ =	sdelay $0x4  }
0x1ee: {  	v4 =	vshll.u32 v3, $0x3  }
0x1ef: {  	v3 =	vand.u32 $0x7, v3;
	v4 =	vand.u32 $0xFFFFFFC0, v4  }
0x1f0: {  	v3 =	vor.u32 v3, v4  }
0x1f1: {  	v4 =	vperm.xlane v3, v0;
	_ =	sdelay $0x1  }
0x1f2: {  	v4 =	vadd.s32 v1, v4;
	_ =	sdelay $0x4  }
0x1f3: {  	[tilespmem:s2], [sflag:$0x2] =	stream.indirect_vreg.gather [hbm4b:s1+s31], $0x80, v4, vm0, $0xb8;
	[tilespmem:$0x18180] =	vst v63  }
0x1f4: {  	s14 =	simm.s32 $0x10980;
	v3 =	vperm.xlane v3, v2  }
0x1f5: {  	[tilespmem:s14], [sflag:$0x2] =	stream.indirect_vreg.gather [hbm4b:s10+s31], $0x80, v4, vm0, $0xb8;
	[tilespmem:$0x18180] =	vst v63  }
0x1f6: {  	s15 =	simm.s32 $0x11180;
	v3 =	vadd.s32 v1, v3  }
0x1f7: {  	[tilespmem:s15], [sflag:$0x2] =	stream.indirect_vreg.gather [hbm4b:s11+s31], $0x80, v4, vm0, $0xb8;
	[tilespmem:$0x18180] =	vst v63  }
0x1f8: {  	s3 =	simm.s32 $0x11980  }
0x1f9: {  	[tilespmem:s3], [sflag:$0x2] =	stream.indirect_vreg.gather [hbm4b:s12+s31], $0x80, v4, vm0, $0xb8;
	[tilespmem:$0x18180] =	vst v63  }
0x1fa: {  	s5 =	simm.s32 $0x12180  }
0x1fb: {  	[tilespmem:s5], [sflag:$0x2] =	stream.indirect_vreg.gather [hbm4b:s1+s31], $0x80, v3, vm0, $0xb8;
	[tilespmem:$0x18180] =	vst v63  }
0x1fc: {  	s6 =	simm.s32 $0x12980  }
0x1fd: {  	[tilespmem:s6], [sflag:$0x2] =	stream.indirect_vreg.gather [hbm4b:s10+s31], $0x80, v3, vm0, $0xb8;
	[tilespmem:$0x18180] =	vst v63  }
0x1fe: {  	s14 =	simm.s32 $0x0  }
0x1ff: {  	[tilespmem:s16], [sflag:$0x2] =	stream.indirect_vreg.gather [hbm4b:s11+s31], $0x80, v3, vm0, $0xb8;
	[tilespmem:$0x18180] =	vst v63  }
0x200: {  	s0 =	sand.u32 $0x2000, s14  }
0x201: {  	[tilespmem:s17], [sflag:$0x2] =	stream.indirect_vreg.gather [hbm4b:s12+s31], $0x80, v3, vm0, $0xb8;
	[tilespmem:$0x18180] =	vst v63  }
0x202: {  	s15 =	sand.u32 $0x1C00, s31;
	s5 =	simm.s32 $0x0;
	_ =	swait.ge [sflag:s30], $0x4000  }
0x203: {  	s0 =	sor.u32 s15, s0;
	s5 =	sand.u32 $0x380, s5;
	[sflag:s30] =	ssyncset.done $0x0  }
0x204: {  	s0 =	sor.u32 s5, s0;
	[sflag:s30] =	ssyncadd.s32 $0xFFFFC000  }
0x205: {  	s3 =	sadd.s32 $0x14180, s0;
	v9 =	vld [tilespmem:s0+$0x41F0]  }
0x206: {  	v10 =	vld [tilespmem:s3+$0x70]  }
0x207: {  	v8 =	vld [tilespmem:s3+$0x10]  }
0x208: {  	v7 =	vld [tilespmem:s3+$0x20]  }
0x209: {  	v6 =	vld [tilespmem:s3+$0x30]  }
0x20a: {  	v5 =	vld [tilespmem:s3+$0x40]  }
0x20b: {  	v3 =	vld [tilespmem:s3+$0x50]  }
0x20c: {  	v4 =	vld [tilespmem:s3+$0x60]  }
0x20d: {  	v11 =	vld [tilespmem:s0+$0x4180];
	v10 =	vadd.f32 v9, v10  }
0x20e: {  	v9 =	vld [tilespmem:s0+$0x14180]  }
0x20f: {  	s5 =	simm.s32 $0x0;
	[tilespmem:s3+$0x70] =	vst v10;
	v10 =	vld [tilespmem:s0+$0x4190]  }
.LBB2_12:
0x210: {  	s5 =	sadd.s32 $0x8, s5;
	v12 =	vld [tilespmem:s0+$0x41A0]  }
0x211: {  	s31 =	sadd.s32 $0x400, s31;
	s6 =	sshll.u32 s5, $0x4;
	p0 =	slt.u32 s5, $0x3F8;
	v13 =	vld [tilespmem:s0+$0x41B0]  }
0x212: {  	s14 =	sand.u32 $0x1C00, s31;
	s15 =	sshll.u32 s5, $0x1;
	s6 =	sand.u32 $0x2000, s6;
	v14 =	vld [tilespmem:s0+$0x41C0]  }
0x213: {  	s15 =	sand.u32 $0x380, s15;
	s6 =	sor.u32 s14, s6;
	v9 =	vadd.f32 v11, v9;
	v11 =	vld [tilespmem:s0+$0x41D0]  }
0x214: {  	s6 =	sor.u32 s15, s6;
	v8 =	vadd.f32 v10, v8;
	v10 =	vld [tilespmem:s0+$0x41E0]  }
0x215: {  	s14 =	sadd.s32 $0x14180, s6;
	v15 =	vld [tilespmem:s6+$0x41F0];
	[tilespmem:s0+$0x14180] =	vst v9;
	v7 =	vadd.f32 v12, v7;
	s0 =	smov.u32 s6  }
0x216: {  	v9 =	vld [tilespmem:s14+$0x70];
	[tilespmem:s3+$0x10] =	vst v8;
	v6 =	vadd.f32 v13, v6  }
0x217: {  	v8 =	vld [tilespmem:s14+$0x10];
	[tilespmem:s3+$0x20] =	vst v7;
	v5 =	vadd.f32 v14, v5  }
0x218: {  	v7 =	vld [tilespmem:s14+$0x20];
	[tilespmem:s3+$0x30] =	vst v6;
	v3 =	vadd.f32 v11, v3  }
0x219: {  	v6 =	vld [tilespmem:s14+$0x30];
	[tilespmem:s3+$0x40] =	vst v5;
	v4 =	vadd.f32 v10, v4  }
0x21a: {  	v5 =	vld [tilespmem:s14+$0x40];
	[tilespmem:s3+$0x50] =	vst v3  }
.Ltmp5:
0x21b: {  	v3 =	vld [tilespmem:s14+$0x50];
	v10 =	vadd.f32 v15, v9;
	[tilespmem:s3+$0x60] =	vst v4;
	s3 =	smov.u32 s14;
	(pc) =	sbr.rel @p0 .LBB2_12-.Ltmp5, $4  }
0x21c: {  	v4 =	vld [tilespmem:s3+$0x60]  }
0x21d: {  	v9 =	vld [tilespmem:s0+$0x14180];
	[tilespmem:s3+$0x70] =	vst v10  }
0x21e: {  	v11 =	vld [tilespmem:s0+$0x4180]  }
0x21f: {  	v10 =	vld [tilespmem:s0+$0x4190]  }
0x220: {  	v12 =	vld [tilespmem:s0+$0x41A0]  }
0x221: {  	v13 =	vld [tilespmem:s0+$0x41B0]  }
0x222: {  	v14 =	vld [tilespmem:s0+$0x41C0]  }
0x223: {  	v9 =	vadd.f32 v11, v9;
	v11 =	vld [tilespmem:s0+$0x41D0]  }
0x224: {  	v8 =	vadd.f32 v10, v8;
	v10 =	vld [tilespmem:s0+$0x41E0]  }
0x225: {  	[tilespmem:s0+$0x14180] =	vst v9;
	v7 =	vadd.f32 v12, v7  }
0x226: {  	v6 =	vadd.f32 v13, v6;
	[tilespmem:s3+$0x10] =	vst v8  }
0x227: {  	v5 =	vadd.f32 v14, v5;
	[tilespmem:s3+$0x20] =	vst v7  }
0x228: {  	[tilespmem:s3+$0x30] =	vst v6;
	v3 =	vadd.f32 v11, v3  }
0x229: {  	[tilespmem:s3+$0x40] =	vst v5;
	v4 =	vadd.f32 v10, v4  }
0x22a: {  	[tilespmem:s3+$0x50] =	vst v3  }
0x22b: {  	[tilespmem:s3+$0x60] =	vst v4  }
0x22c: {  	s31 =	simm.s32 $0x0;
	s0 =	rddreg [dreg:$0xc]  }
0x22d: {  	[hbm4b:s0+s31] =	stream.linear.scatter [tilespmem:s19], [sflag:$0x5], $0x4000, $0x38;
	[tilespmem:$0x18180] =	vst v63  }
0x22e: {  	_ =	swait.ge [sflag:s13], $0x4000  }
0x22f: {  	[sflag:s13] =	ssyncset.done $0x0  }
0x230: {  	[sflag:s13] =	ssyncadd.s32 $0xFFFFC000  }
0x231: {  	v3 =	vld [tilespmem:$0x70];
	_ =	sdelay $0x4  }
0x232: {  	v4 =	vshll.u32 v3, $0x3  }
0x233: {  	v3 =	vand.u32 $0x7, v3;
	v4 =	vand.u32 $0xFFFFFFC0, v4  }
0x234: {  	v3 =	vor.u32 v3, v4  }
0x235: {  	v4 =	vperm.xlane v3, v0;
	_ =	sdelay $0x1  }
0x236: {  	v4 =	vadd.s32 v1, v4;
	_ =	sdelay $0x4  }
0x237: {  	[tilespmem:s19], [sflag:$0x3] =	stream.indirect_vreg.gather [hbm4b:s1+s31], $0x80, v4, vm0, $0xb8;
	[tilespmem:$0x18180] =	vst v63  }
0x238: {  	v3 =	vperm.xlane v3, v2  }
0x239: {  	[tilespmem:s20], [sflag:$0x3] =	stream.indirect_vreg.gather [hbm4b:s10+s31], $0x80, v4, vm0, $0xb8;
	[tilespmem:$0x18180] =	vst v63  }
0x23a: {  	v3 =	vadd.s32 v1, v3  }
0x23b: {  	[tilespmem:s21], [sflag:$0x3] =	stream.indirect_vreg.gather [hbm4b:s11+s31], $0x80, v4, vm0, $0xb8;
	[tilespmem:$0x18180] =	vst v63  }
0x23c: {  	_ = 	snop  }
0x23d: {  	[tilespmem:s22], [sflag:$0x3] =	stream.indirect_vreg.gather [hbm4b:s12+s31], $0x80, v4, vm0, $0xb8;
	[tilespmem:$0x18180] =	vst v63  }
0x23e: {  	_ = 	snop  }
0x23f: {  	[tilespmem:s23], [sflag:$0x3] =	stream.indirect_vreg.gather [hbm4b:s1+s31], $0x80, v3, vm0, $0xb8;
	[tilespmem:$0x18180] =	vst v63  }
0x240: {  	_ = 	snop  }
0x241: {  	[tilespmem:s24], [sflag:$0x3] =	stream.indirect_vreg.gather [hbm4b:s10+s31], $0x80, v3, vm0, $0xb8;
	[tilespmem:$0x18180] =	vst v63  }
0x242: {  	_ = 	snop  }
0x243: {  	[tilespmem:s25], [sflag:$0x3] =	stream.indirect_vreg.gather [hbm4b:s11+s31], $0x80, v3, vm0, $0xb8;
	[tilespmem:$0x18180] =	vst v63  }
0x244: {  	s14 =	simm.s32 $0x0;
	s5 =	simm.s32 $0x0  }
0x245: {  	[tilespmem:s26], [sflag:$0x3] =	stream.indirect_vreg.gather [hbm4b:s12+s31], $0x80, v3, vm0, $0xb8;
	[tilespmem:$0x18180] =	vst v63  }
0x246: {  	s15 =	sand.u32 $0x1C00, s31;
	s0 =	sand.u32 $0x2000, s14;
	_ =	swait.ge [sflag:s28], $0x4000  }
0x247: {  	s5 =	sand.u32 $0x380, s5;
	s0 =	sor.u32 s15, s0;
	[sflag:s28] =	ssyncset.done $0x0  }
0x248: {  	s0 =	sor.u32 s5, s0;
	[sflag:s28] =	ssyncadd.s32 $0xFFFFC000  }
0x249: {  	s3 =	sadd.s32 $0x10180, s0;
	v9 =	vld [tilespmem:s0+$0x81F0]  }
0x24a: {  	v10 =	vld [tilespmem:s3+$0x70]  }
0x24b: {  	v8 =	vld [tilespmem:s3+$0x10]  }
0x24c: {  	v7 =	vld [tilespmem:s3+$0x20]  }
0x24d: {  	v6 =	vld [tilespmem:s3+$0x30]  }
0x24e: {  	v5 =	vld [tilespmem:s3+$0x40]  }
0x24f: {  	v3 =	vld [tilespmem:s3+$0x50]  }
0x250: {  	v4 =	vld [tilespmem:s3+$0x60]  }
0x251: {  	v11 =	vld [tilespmem:s0+$0x8180];
	v10 =	vadd.f32 v9, v10  }
0x252: {  	v9 =	vld [tilespmem:s0+$0x10180]  }
0x253: {  	s5 =	simm.s32 $0x0;
	[tilespmem:s3+$0x70] =	vst v10;
	v10 =	vld [tilespmem:s0+$0x8190]  }
.LBB2_14:
0x254: {  	s5 =	sadd.s32 $0x8, s5;
	v12 =	vld [tilespmem:s0+$0x81A0]  }
0x255: {  	s31 =	sadd.s32 $0x400, s31;
	s6 =	sshll.u32 s5, $0x4;
	p0 =	slt.u32 s5, $0x3F8;
	v13 =	vld [tilespmem:s0+$0x81B0]  }
0x256: {  	s14 =	sand.u32 $0x1C00, s31;
	s15 =	sshll.u32 s5, $0x1;
	s6 =	sand.u32 $0x2000, s6;
	v14 =	vld [tilespmem:s0+$0x81C0]  }
0x257: {  	s15 =	sand.u32 $0x380, s15;
	s6 =	sor.u32 s14, s6;
	v9 =	vadd.f32 v11, v9;
	v11 =	vld [tilespmem:s0+$0x81D0]  }
0x258: {  	s6 =	sor.u32 s15, s6;
	v8 =	vadd.f32 v10, v8;
	v10 =	vld [tilespmem:s0+$0x81E0]  }
0x259: {  	s14 =	sadd.s32 $0x10180, s6;
	v15 =	vld [tilespmem:s6+$0x81F0];
	[tilespmem:s0+$0x10180] =	vst v9;
	v7 =	vadd.f32 v12, v7;
	s0 =	smov.u32 s6  }
0x25a: {  	v9 =	vld [tilespmem:s14+$0x70];
	[tilespmem:s3+$0x10] =	vst v8;
	v6 =	vadd.f32 v13, v6  }
0x25b: {  	v8 =	vld [tilespmem:s14+$0x10];
	[tilespmem:s3+$0x20] =	vst v7;
	v5 =	vadd.f32 v14, v5  }
0x25c: {  	v7 =	vld [tilespmem:s14+$0x20];
	[tilespmem:s3+$0x30] =	vst v6;
	v3 =	vadd.f32 v11, v3  }
0x25d: {  	v6 =	vld [tilespmem:s14+$0x30];
	[tilespmem:s3+$0x40] =	vst v5;
	v4 =	vadd.f32 v10, v4  }
0x25e: {  	v5 =	vld [tilespmem:s14+$0x40];
	[tilespmem:s3+$0x50] =	vst v3  }
.Ltmp6:
0x25f: {  	v3 =	vld [tilespmem:s14+$0x50];
	v10 =	vadd.f32 v15, v9;
	[tilespmem:s3+$0x60] =	vst v4;
	s3 =	smov.u32 s14;
	(pc) =	sbr.rel @p0 .LBB2_14-.Ltmp6, $4  }
0x260: {  	v4 =	vld [tilespmem:s3+$0x60]  }
0x261: {  	v9 =	vld [tilespmem:s0+$0x10180];
	[tilespmem:s3+$0x70] =	vst v10  }
0x262: {  	v11 =	vld [tilespmem:s0+$0x8180]  }
0x263: {  	v10 =	vld [tilespmem:s0+$0x8190]  }
0x264: {  	v12 =	vld [tilespmem:s0+$0x81A0]  }
0x265: {  	v13 =	vld [tilespmem:s0+$0x81B0]  }
0x266: {  	v14 =	vld [tilespmem:s0+$0x81C0]  }
0x267: {  	v9 =	vadd.f32 v11, v9;
	v11 =	vld [tilespmem:s0+$0x81D0]  }
0x268: {  	v8 =	vadd.f32 v10, v8;
	v10 =	vld [tilespmem:s0+$0x81E0]  }
0x269: {  	[tilespmem:s0+$0x10180] =	vst v9;
	v7 =	vadd.f32 v12, v7  }
0x26a: {  	v6 =	vadd.f32 v13, v6;
	[tilespmem:s3+$0x10] =	vst v8  }
0x26b: {  	v5 =	vadd.f32 v14, v5;
	[tilespmem:s3+$0x20] =	vst v7  }
0x26c: {  	[tilespmem:s3+$0x30] =	vst v6;
	v3 =	vadd.f32 v11, v3  }
0x26d: {  	[tilespmem:s3+$0x40] =	vst v5;
	v4 =	vadd.f32 v10, v4  }
0x26e: {  	[tilespmem:s3+$0x50] =	vst v3  }
0x26f: {  	[tilespmem:s3+$0x60] =	vst v4  }
0x270: {  	s31 =	simm.s32 $0x0;
	s0 =	rddreg [dreg:$0xd]  }
0x271: {  	[hbm4b:s0+s31] =	stream.linear.scatter [tilespmem:s2], [sflag:$0x4], $0x4000, $0x38;
	[tilespmem:$0x18180] =	vst v63  }
0x272: {  	_ =	swait.ge [sflag:s29], $0x4000  }
0x273: {  	[sflag:s29] =	ssyncset.done $0x0  }
0x274: {  	[sflag:s29] =	ssyncadd.s32 $0xFFFFC000  }
0x275: {  	v3 =	vld [tilespmem:$0x80];
	_ =	sdelay $0x4  }
0x276: {  	v4 =	vshll.u32 v3, $0x3  }
0x277: {  	v3 =	vand.u32 $0x7, v3;
	v4 =	vand.u32 $0xFFFFFFC0, v4  }
0x278: {  	v3 =	vor.u32 v3, v4  }
0x279: {  	v4 =	vperm.xlane v3, v0;
	_ =	sdelay $0x1  }
0x27a: {  	v4 =	vadd.s32 v1, v4;
	_ =	sdelay $0x4  }
0x27b: {  	[tilespmem:s2], [sflag:$0x2] =	stream.indirect_vreg.gather [hbm4b:s1+s31], $0x80, v4, vm0, $0xb8;
	[tilespmem:$0x18180] =	vst v63  }
0x27c: {  	s14 =	simm.s32 $0x10980;
	v3 =	vperm.xlane v3, v2  }
0x27d: {  	[tilespmem:s14], [sflag:$0x2] =	stream.indirect_vreg.gather [hbm4b:s10+s31], $0x80, v4, vm0, $0xb8;
	[tilespmem:$0x18180] =	vst v63  }
0x27e: {  	s15 =	simm.s32 $0x11180;
	v3 =	vadd.s32 v1, v3  }
0x27f: {  	[tilespmem:s15], [sflag:$0x2] =	stream.indirect_vreg.gather [hbm4b:s11+s31], $0x80, v4, vm0, $0xb8;
	[tilespmem:$0x18180] =	vst v63  }
0x280: {  	s3 =	simm.s32 $0x11980  }
0x281: {  	[tilespmem:s3], [sflag:$0x2] =	stream.indirect_vreg.gather [hbm4b:s12+s31], $0x80, v4, vm0, $0xb8;
	[tilespmem:$0x18180] =	vst v63  }
0x282: {  	s5 =	simm.s32 $0x12180  }
0x283: {  	[tilespmem:s5], [sflag:$0x2] =	stream.indirect_vreg.gather [hbm4b:s1+s31], $0x80, v3, vm0, $0xb8;
	[tilespmem:$0x18180] =	vst v63  }
0x284: {  	s6 =	simm.s32 $0x12980  }
0x285: {  	[tilespmem:s6], [sflag:$0x2] =	stream.indirect_vreg.gather [hbm4b:s10+s31], $0x80, v3, vm0, $0xb8;
	[tilespmem:$0x18180] =	vst v63  }
0x286: {  	s14 =	simm.s32 $0x0  }
0x287: {  	[tilespmem:s16], [sflag:$0x2] =	stream.indirect_vreg.gather [hbm4b:s11+s31], $0x80, v3, vm0, $0xb8;
	[tilespmem:$0x18180] =	vst v63  }
0x288: {  	s0 =	sand.u32 $0x2000, s14  }
0x289: {  	[tilespmem:s17], [sflag:$0x2] =	stream.indirect_vreg.gather [hbm4b:s12+s31], $0x80, v3, vm0, $0xb8;
	[tilespmem:$0x18180] =	vst v63  }
0x28a: {  	s15 =	sand.u32 $0x1C00, s31;
	s5 =	simm.s32 $0x0;
	_ =	swait.ge [sflag:s30], $0x4000  }
0x28b: {  	s0 =	sor.u32 s15, s0;
	s5 =	sand.u32 $0x380, s5;
	[sflag:s30] =	ssyncset.done $0x0  }
0x28c: {  	s0 =	sor.u32 s5, s0;
	[sflag:s30] =	ssyncadd.s32 $0xFFFFC000  }
0x28d: {  	s3 =	sadd.s32 $0x14180, s0;
	v9 =	vld [tilespmem:s0+$0xC1F0]  }
0x28e: {  	v10 =	vld [tilespmem:s3+$0x70]  }
0x28f: {  	v8 =	vld [tilespmem:s3+$0x10]  }
0x290: {  	v7 =	vld [tilespmem:s3+$0x20]  }
0x291: {  	v6 =	vld [tilespmem:s3+$0x30]  }
0x292: {  	v5 =	vld [tilespmem:s3+$0x40]  }
0x293: {  	v3 =	vld [tilespmem:s3+$0x50]  }
0x294: {  	v4 =	vld [tilespmem:s3+$0x60]  }
0x295: {  	v11 =	vld [tilespmem:s0+$0xC180];
	v10 =	vadd.f32 v9, v10  }
0x296: {  	v9 =	vld [tilespmem:s0+$0x14180]  }
0x297: {  	s5 =	simm.s32 $0x0;
	[tilespmem:s3+$0x70] =	vst v10;
	v10 =	vld [tilespmem:s0+$0xC190]  }
.LBB2_16:
0x298: {  	s5 =	sadd.s32 $0x8, s5;
	v12 =	vld [tilespmem:s0+$0xC1A0]  }
0x299: {  	s31 =	sadd.s32 $0x400, s31;
	s6 =	sshll.u32 s5, $0x4;
	p0 =	slt.u32 s5, $0x3F8;
	v13 =	vld [tilespmem:s0+$0xC1B0]  }
0x29a: {  	s14 =	sand.u32 $0x1C00, s31;
	s15 =	sshll.u32 s5, $0x1;
	s6 =	sand.u32 $0x2000, s6;
	v14 =	vld [tilespmem:s0+$0xC1C0]  }
0x29b: {  	s15 =	sand.u32 $0x380, s15;
	s6 =	sor.u32 s14, s6;
	v9 =	vadd.f32 v11, v9;
	v11 =	vld [tilespmem:s0+$0xC1D0]  }
0x29c: {  	s6 =	sor.u32 s15, s6;
	v8 =	vadd.f32 v10, v8;
	v10 =	vld [tilespmem:s0+$0xC1E0]  }
0x29d: {  	s14 =	sadd.s32 $0x14180, s6;
	v15 =	vld [tilespmem:s6+$0xC1F0];
	[tilespmem:s0+$0x14180] =	vst v9;
	v7 =	vadd.f32 v12, v7;
	s0 =	smov.u32 s6  }
0x29e: {  	v9 =	vld [tilespmem:s14+$0x70];
	[tilespmem:s3+$0x10] =	vst v8;
	v6 =	vadd.f32 v13, v6  }
0x29f: {  	v8 =	vld [tilespmem:s14+$0x10];
	[tilespmem:s3+$0x20] =	vst v7;
	v5 =	vadd.f32 v14, v5  }
0x2a0: {  	v7 =	vld [tilespmem:s14+$0x20];
	[tilespmem:s3+$0x30] =	vst v6;
	v3 =	vadd.f32 v11, v3  }
0x2a1: {  	v6 =	vld [tilespmem:s14+$0x30];
	[tilespmem:s3+$0x40] =	vst v5;
	v4 =	vadd.f32 v10, v4  }
0x2a2: {  	v5 =	vld [tilespmem:s14+$0x40];
	[tilespmem:s3+$0x50] =	vst v3  }
.Ltmp7:
0x2a3: {  	v3 =	vld [tilespmem:s14+$0x50];
	v10 =	vadd.f32 v15, v9;
	[tilespmem:s3+$0x60] =	vst v4;
	s3 =	smov.u32 s14;
	(pc) =	sbr.rel @p0 .LBB2_16-.Ltmp7, $4  }
0x2a4: {  	v4 =	vld [tilespmem:s3+$0x60]  }
0x2a5: {  	v9 =	vld [tilespmem:s0+$0x14180];
	[tilespmem:s3+$0x70] =	vst v10  }
0x2a6: {  	v11 =	vld [tilespmem:s0+$0xC180]  }
0x2a7: {  	v10 =	vld [tilespmem:s0+$0xC190]  }
0x2a8: {  	v12 =	vld [tilespmem:s0+$0xC1A0]  }
0x2a9: {  	v13 =	vld [tilespmem:s0+$0xC1B0]  }
0x2aa: {  	v14 =	vld [tilespmem:s0+$0xC1C0]  }
0x2ab: {  	v9 =	vadd.f32 v11, v9;
	v11 =	vld [tilespmem:s0+$0xC1D0]  }
0x2ac: {  	v8 =	vadd.f32 v10, v8;
	v10 =	vld [tilespmem:s0+$0xC1E0]  }
0x2ad: {  	[tilespmem:s0+$0x14180] =	vst v9;
	v7 =	vadd.f32 v12, v7  }
0x2ae: {  	v6 =	vadd.f32 v13, v6;
	[tilespmem:s3+$0x10] =	vst v8  }
0x2af: {  	v5 =	vadd.f32 v14, v5;
	[tilespmem:s3+$0x20] =	vst v7  }
0x2b0: {  	[tilespmem:s3+$0x30] =	vst v6;
	v3 =	vadd.f32 v11, v3  }
0x2b1: {  	[tilespmem:s3+$0x40] =	vst v5;
	v4 =	vadd.f32 v10, v4  }
0x2b2: {  	[tilespmem:s3+$0x50] =	vst v3  }
0x2b3: {  	[tilespmem:s3+$0x60] =	vst v4  }
0x2b4: {  	s31 =	simm.s32 $0x0;
	s0 =	rddreg [dreg:$0xe]  }
0x2b5: {  	[hbm4b:s0+s31] =	stream.linear.scatter [tilespmem:s19], [sflag:$0x5], $0x4000, $0x38;
	[tilespmem:$0x18180] =	vst v63  }
0x2b6: {  	_ =	swait.ge [sflag:s13], $0x4000  }
0x2b7: {  	[sflag:s13] =	ssyncset.done $0x0  }
0x2b8: {  	[sflag:s13] =	ssyncadd.s32 $0xFFFFC000  }
0x2b9: {  	v3 =	vld [tilespmem:$0x90];
	_ =	sdelay $0x4  }
0x2ba: {  	v4 =	vshll.u32 v3, $0x3  }
0x2bb: {  	v3 =	vand.u32 $0x7, v3;
	v4 =	vand.u32 $0xFFFFFFC0, v4  }
0x2bc: {  	v3 =	vor.u32 v3, v4  }
0x2bd: {  	v4 =	vperm.xlane v3, v0;
	_ =	sdelay $0x1  }
0x2be: {  	v4 =	vadd.s32 v1, v4;
	_ =	sdelay $0x4  }
0x2bf: {  	[tilespmem:s19], [sflag:$0x3] =	stream.indirect_vreg.gather [hbm4b:s1+s31], $0x80, v4, vm0, $0xb8;
	[tilespmem:$0x18180] =	vst v63  }
0x2c0: {  	v3 =	vperm.xlane v3, v2  }
0x2c1: {  	[tilespmem:s20], [sflag:$0x3] =	stream.indirect_vreg.gather [hbm4b:s10+s31], $0x80, v4, vm0, $0xb8;
	[tilespmem:$0x18180] =	vst v63  }
0x2c2: {  	v3 =	vadd.s32 v1, v3  }
0x2c3: {  	[tilespmem:s21], [sflag:$0x3] =	stream.indirect_vreg.gather [hbm4b:s11+s31], $0x80, v4, vm0, $0xb8;
	[tilespmem:$0x18180] =	vst v63  }
0x2c4: {  	_ = 	snop  }
0x2c5: {  	[tilespmem:s22], [sflag:$0x3] =	stream.indirect_vreg.gather [hbm4b:s12+s31], $0x80, v4, vm0, $0xb8;
	[tilespmem:$0x18180] =	vst v63  }
0x2c6: {  	_ = 	snop  }
0x2c7: {  	[tilespmem:s23], [sflag:$0x3] =	stream.indirect_vreg.gather [hbm4b:s1+s31], $0x80, v3, vm0, $0xb8;
	[tilespmem:$0x18180] =	vst v63  }
0x2c8: {  	_ = 	snop  }
0x2c9: {  	[tilespmem:s24], [sflag:$0x3] =	stream.indirect_vreg.gather [hbm4b:s10+s31], $0x80, v3, vm0, $0xb8;
	[tilespmem:$0x18180] =	vst v63  }
0x2ca: {  	_ = 	snop  }
0x2cb: {  	[tilespmem:s25], [sflag:$0x3] =	stream.indirect_vreg.gather [hbm4b:s11+s31], $0x80, v3, vm0, $0xb8;
	[tilespmem:$0x18180] =	vst v63  }
0x2cc: {  	s6 =	simm.s32 $0x0;
	s5 =	simm.s32 $0x0  }
0x2cd: {  	[tilespmem:s26], [sflag:$0x3] =	stream.indirect_vreg.gather [hbm4b:s12+s31], $0x80, v3, vm0, $0xb8;
	[tilespmem:$0x18180] =	vst v63  }
0x2ce: {  	s14 =	sand.u32 $0x1C00, s31;
	s0 =	sand.u32 $0x2000, s6;
	_ =	swait.ge [sflag:s28], $0x4000  }
0x2cf: {  	s15 =	sand.u32 $0x380, s5;
	s0 =	sor.u32 s14, s0;
	[sflag:s28] =	ssyncset.done $0x0  }
0x2d0: {  	s3 =	sor.u32 s15, s0;
	[sflag:s28] =	ssyncadd.s32 $0xFFFFC000  }
0x2d1: {  	v3 =	vld [tilespmem:s3+$0x101F0]  }
0x2d2: {  	v5 =	vld [tilespmem:s3+$0x1F0]  }
0x2d3: {  	v6 =	vld [tilespmem:s3+$0x10180]  }
0x2d4: {  	v8 =	vld [tilespmem:s3+$0x180]  }
0x2d5: {  	v9 =	vld [tilespmem:s3+$0x10190]  }
0x2d6: {  	v10 =	vld [tilespmem:s3+$0x190]  }
0x2d7: {  	v4 =	vld [tilespmem:s3+$0x101A0]  }
0x2d8: {  	v7 =	vld [tilespmem:s3+$0x1A0];
	v5 =	vadd.f32 v5, v3  }
0x2d9: {  	v8 =	vadd.f32 v8, v6;
	v3 =	vld [tilespmem:s3+$0x101B0]  }
0x2da: {  	v6 =	vld [tilespmem:s3+$0x1B0];
	[tilespmem:s3+$0x101F0] =	vst v5  }
0x2db: {  	s0 =	simm.s32 $0x0;
	[tilespmem:s3+$0x10180] =	vst v8;
	v8 =	vadd.f32 v10, v9;
	v5 =	vld [tilespmem:s3+$0x101C0]  }
.LBB2_18:
0x2dc: {  	s0 =	sadd.s32 $0x8, s0;
	v9 =	vld [tilespmem:s3+$0x1C0]  }
0x2dd: {  	s31 =	sadd.s32 $0x400, s31;
	s5 =	sshll.u32 s0, $0x4;
	p0 =	slt.u32 s0, $0x3F8;
	[tilespmem:s3+$0x10190] =	vst v8;
	v4 =	vadd.f32 v7, v4;
	v7 =	vld [tilespmem:s3+$0x101D0]  }
0x2de: {  	s6 =	sand.u32 $0x1C00, s31;
	s14 =	sshll.u32 s0, $0x1;
	s5 =	sand.u32 $0x2000, s5;
	v8 =	vld [tilespmem:s3+$0x1D0]  }
0x2df: {  	s5 =	sor.u32 s6, s5;
	s6 =	sand.u32 $0x380, s14;
	[tilespmem:s3+$0x101A0] =	vst v4;
	v3 =	vadd.f32 v6, v3;
	v4 =	vld [tilespmem:s3+$0x101E0]  }
0x2e0: {  	s5 =	sor.u32 s6, s5;
	v6 =	vld [tilespmem:s3+$0x1E0]  }
0x2e1: {  	v10 =	vld [tilespmem:s5+$0x101F0];
	[tilespmem:s3+$0x101B0] =	vst v3;
	v3 =	vadd.f32 v9, v5  }
0x2e2: {  	v5 =	vld [tilespmem:s5+$0x1F0]  }
0x2e3: {  	v9 =	vld [tilespmem:s5+$0x10180];
	[tilespmem:s3+$0x101C0] =	vst v3;
	v3 =	vadd.f32 v8, v7  }
0x2e4: {  	v8 =	vld [tilespmem:s5+$0x180]  }
0x2e5: {  	v11 =	vld [tilespmem:s5+$0x10190];
	[tilespmem:s3+$0x101D0] =	vst v3;
	v3 =	vadd.f32 v6, v4  }
0x2e6: {  	v12 =	vld [tilespmem:s5+$0x190]  }
.Ltmp8:
0x2e7: {  	v4 =	vld [tilespmem:s5+$0x101A0];
	v5 =	vadd.f32 v5, v10;
	[tilespmem:s3+$0x101E0] =	vst v3;
	s3 =	smov.u32 s5;
	(pc) =	sbr.rel @p0 .LBB2_18-.Ltmp8, $4  }
0x2e8: {  	v7 =	vld [tilespmem:s3+$0x1A0]  }
0x2e9: {  	v8 =	vadd.f32 v8, v9;
	v3 =	vld [tilespmem:s3+$0x101B0];
	[tilespmem:s3+$0x101F0] =	vst v5  }
0x2ea: {  	v6 =	vld [tilespmem:s3+$0x1B0]  }
0x2eb: {  	[tilespmem:s3+$0x10180] =	vst v8;
	v8 =	vadd.f32 v12, v11;
	v5 =	vld [tilespmem:s3+$0x101C0]  }
0x2ec: {  	v9 =	vld [tilespmem:s3+$0x1C0]  }
0x2ed: {  	v10 =	vld [tilespmem:s3+$0x101D0]  }
0x2ee: {  	v11 =	vld [tilespmem:s3+$0x1D0]  }
0x2ef: {  	v12 =	vld [tilespmem:s3+$0x101E0]  }
0x2f0: {  	v13 =	vld [tilespmem:s3+$0x1E0]  }
0x2f1: {  	v4 =	vadd.f32 v7, v4  }
0x2f2: {  	[tilespmem:s3+$0x10190] =	vst v8;
	v3 =	vadd.f32 v6, v3  }
0x2f3: {  	[tilespmem:s3+$0x101A0] =	vst v4;
	v4 =	vadd.f32 v9, v5  }
0x2f4: {  	[tilespmem:s3+$0x101B0] =	vst v3;
	v3 =	vadd.f32 v11, v10  }
0x2f5: {  	[tilespmem:s3+$0x101C0] =	vst v4;
	v4 =	vadd.f32 v13, v12  }
0x2f6: {  	[tilespmem:s3+$0x101D0] =	vst v3  }
0x2f7: {  	[tilespmem:s3+$0x101E0] =	vst v4  }
0x2f8: {  	s31 =	simm.s32 $0x0;
	s0 =	rddreg [dreg:$0xf]  }
0x2f9: {  	[hbm4b:s0+s31] =	stream.linear.scatter [tilespmem:s2], [sflag:$0x4], $0x4000, $0x38;
	[tilespmem:$0x18180] =	vst v63  }
0x2fa: {  	_ =	swait.ge [sflag:s29], $0x4000  }
0x2fb: {  	[sflag:s29] =	ssyncset.done $0x0  }
0x2fc: {  	[sflag:s29] =	ssyncadd.s32 $0xFFFFC000  }
0x2fd: {  	v3 =	vld [tilespmem:$0xA0];
	_ =	sdelay $0x4  }
0x2fe: {  	v4 =	vshll.u32 v3, $0x3  }
0x2ff: {  	v3 =	vand.u32 $0x7, v3;
	v4 =	vand.u32 $0xFFFFFFC0, v4  }
0x300: {  	v3 =	vor.u32 v3, v4  }
0x301: {  	v4 =	vperm.xlane v3, v0;
	_ =	sdelay $0x1  }
0x302: {  	v4 =	vadd.s32 v1, v4;
	_ =	sdelay $0x4  }
0x303: {  	[tilespmem:s2], [sflag:$0x2] =	stream.indirect_vreg.gather [hbm4b:s1+s31], $0x80, v4, vm0, $0xb8;
	[tilespmem:$0x18180] =	vst v63  }
0x304: {  	s14 =	simm.s32 $0x10980;
	v3 =	vperm.xlane v3, v2  }
0x305: {  	[tilespmem:s14], [sflag:$0x2] =	stream.indirect_vreg.gather [hbm4b:s10+s31], $0x80, v4, vm0, $0xb8;
	[tilespmem:$0x18180] =	vst v63  }
0x306: {  	s15 =	simm.s32 $0x11180;
	v3 =	vadd.s32 v1, v3  }
0x307: {  	[tilespmem:s15], [sflag:$0x2] =	stream.indirect_vreg.gather [hbm4b:s11+s31], $0x80, v4, vm0, $0xb8;
	[tilespmem:$0x18180] =	vst v63  }
0x308: {  	s3 =	simm.s32 $0x11980  }
0x309: {  	[tilespmem:s3], [sflag:$0x2] =	stream.indirect_vreg.gather [hbm4b:s12+s31], $0x80, v4, vm0, $0xb8;
	[tilespmem:$0x18180] =	vst v63  }
0x30a: {  	s5 =	simm.s32 $0x12180  }
0x30b: {  	[tilespmem:s5], [sflag:$0x2] =	stream.indirect_vreg.gather [hbm4b:s1+s31], $0x80, v3, vm0, $0xb8;
	[tilespmem:$0x18180] =	vst v63  }
0x30c: {  	s6 =	simm.s32 $0x12980  }
0x30d: {  	[tilespmem:s6], [sflag:$0x2] =	stream.indirect_vreg.gather [hbm4b:s10+s31], $0x80, v3, vm0, $0xb8;
	[tilespmem:$0x18180] =	vst v63  }
0x30e: {  	s14 =	simm.s32 $0x0  }
0x30f: {  	[tilespmem:s16], [sflag:$0x2] =	stream.indirect_vreg.gather [hbm4b:s11+s31], $0x80, v3, vm0, $0xb8;
	[tilespmem:$0x18180] =	vst v63  }
0x310: {  	s0 =	sand.u32 $0x2000, s14  }
0x311: {  	[tilespmem:s17], [sflag:$0x2] =	stream.indirect_vreg.gather [hbm4b:s12+s31], $0x80, v3, vm0, $0xb8;
	[tilespmem:$0x18180] =	vst v63  }
0x312: {  	s15 =	sand.u32 $0x1C00, s31;
	s5 =	simm.s32 $0x0;
	_ =	swait.ge [sflag:s30], $0x4000  }
0x313: {  	s0 =	sor.u32 s15, s0;
	s5 =	sand.u32 $0x380, s5;
	[sflag:s30] =	ssyncset.done $0x0  }
0x314: {  	s0 =	sor.u32 s5, s0;
	[sflag:s30] =	ssyncadd.s32 $0xFFFFC000  }
0x315: {  	s3 =	sadd.s32 $0x14180, s0;
	v9 =	vld [tilespmem:s0+$0x41F0]  }
0x316: {  	v10 =	vld [tilespmem:s3+$0x70]  }
0x317: {  	v8 =	vld [tilespmem:s3+$0x10]  }
0x318: {  	v7 =	vld [tilespmem:s3+$0x20]  }
0x319: {  	v6 =	vld [tilespmem:s3+$0x30]  }
0x31a: {  	v5 =	vld [tilespmem:s3+$0x40]  }
0x31b: {  	v3 =	vld [tilespmem:s3+$0x50]  }
0x31c: {  	v4 =	vld [tilespmem:s3+$0x60]  }
0x31d: {  	v11 =	vld [tilespmem:s0+$0x4180];
	v10 =	vadd.f32 v9, v10  }
0x31e: {  	v9 =	vld [tilespmem:s0+$0x14180]  }
0x31f: {  	s5 =	simm.s32 $0x0;
	[tilespmem:s3+$0x70] =	vst v10;
	v10 =	vld [tilespmem:s0+$0x4190]  }
.LBB2_20:
0x320: {  	s5 =	sadd.s32 $0x8, s5;
	v12 =	vld [tilespmem:s0+$0x41A0]  }
0x321: {  	s31 =	sadd.s32 $0x400, s31;
	s6 =	sshll.u32 s5, $0x4;
	p0 =	slt.u32 s5, $0x3F8;
	v13 =	vld [tilespmem:s0+$0x41B0]  }
0x322: {  	s14 =	sand.u32 $0x1C00, s31;
	s15 =	sshll.u32 s5, $0x1;
	s6 =	sand.u32 $0x2000, s6;
	v14 =	vld [tilespmem:s0+$0x41C0]  }
0x323: {  	s15 =	sand.u32 $0x380, s15;
	s6 =	sor.u32 s14, s6;
	v9 =	vadd.f32 v11, v9;
	v11 =	vld [tilespmem:s0+$0x41D0]  }
0x324: {  	s6 =	sor.u32 s15, s6;
	v8 =	vadd.f32 v10, v8;
	v10 =	vld [tilespmem:s0+$0x41E0]  }
0x325: {  	s14 =	sadd.s32 $0x14180, s6;
	v15 =	vld [tilespmem:s6+$0x41F0];
	[tilespmem:s0+$0x14180] =	vst v9;
	v7 =	vadd.f32 v12, v7;
	s0 =	smov.u32 s6  }
0x326: {  	v9 =	vld [tilespmem:s14+$0x70];
	[tilespmem:s3+$0x10] =	vst v8;
	v6 =	vadd.f32 v13, v6  }
0x327: {  	v8 =	vld [tilespmem:s14+$0x10];
	[tilespmem:s3+$0x20] =	vst v7;
	v5 =	vadd.f32 v14, v5  }
0x328: {  	v7 =	vld [tilespmem:s14+$0x20];
	[tilespmem:s3+$0x30] =	vst v6;
	v3 =	vadd.f32 v11, v3  }
0x329: {  	v6 =	vld [tilespmem:s14+$0x30];
	[tilespmem:s3+$0x40] =	vst v5;
	v4 =	vadd.f32 v10, v4  }
0x32a: {  	v5 =	vld [tilespmem:s14+$0x40];
	[tilespmem:s3+$0x50] =	vst v3  }
.Ltmp9:
0x32b: {  	v3 =	vld [tilespmem:s14+$0x50];
	v10 =	vadd.f32 v15, v9;
	[tilespmem:s3+$0x60] =	vst v4;
	s3 =	smov.u32 s14;
	(pc) =	sbr.rel @p0 .LBB2_20-.Ltmp9, $4  }
0x32c: {  	v4 =	vld [tilespmem:s3+$0x60]  }
0x32d: {  	v9 =	vld [tilespmem:s0+$0x14180];
	[tilespmem:s3+$0x70] =	vst v10  }
0x32e: {  	v11 =	vld [tilespmem:s0+$0x4180]  }
0x32f: {  	v10 =	vld [tilespmem:s0+$0x4190]  }
0x330: {  	v12 =	vld [tilespmem:s0+$0x41A0]  }
0x331: {  	v13 =	vld [tilespmem:s0+$0x41B0]  }
0x332: {  	v14 =	vld [tilespmem:s0+$0x41C0]  }
0x333: {  	v9 =	vadd.f32 v11, v9;
	v11 =	vld [tilespmem:s0+$0x41D0]  }
0x334: {  	v8 =	vadd.f32 v10, v8;
	v10 =	vld [tilespmem:s0+$0x41E0]  }
0x335: {  	[tilespmem:s0+$0x14180] =	vst v9;
	v7 =	vadd.f32 v12, v7  }
0x336: {  	v6 =	vadd.f32 v13, v6;
	[tilespmem:s3+$0x10] =	vst v8  }
0x337: {  	v5 =	vadd.f32 v14, v5;
	[tilespmem:s3+$0x20] =	vst v7  }
0x338: {  	[tilespmem:s3+$0x30] =	vst v6;
	v3 =	vadd.f32 v11, v3  }
0x339: {  	[tilespmem:s3+$0x40] =	vst v5;
	v4 =	vadd.f32 v10, v4  }
0x33a: {  	[tilespmem:s3+$0x50] =	vst v3  }
0x33b: {  	[tilespmem:s3+$0x60] =	vst v4  }
0x33c: {  	s31 =	simm.s32 $0x0;
	s0 =	rddreg [dreg:$0x10]  }
0x33d: {  	[hbm4b:s0+s31] =	stream.linear.scatter [tilespmem:s19], [sflag:$0x5], $0x4000, $0x38;
	[tilespmem:$0x18180] =	vst v63  }
0x33e: {  	_ =	swait.ge [sflag:s13], $0x4000  }
0x33f: {  	[sflag:s13] =	ssyncset.done $0x0  }
0x340: {  	[sflag:s13] =	ssyncadd.s32 $0xFFFFC000  }
0x341: {  	v3 =	vld [tilespmem:$0xB0];
	_ =	sdelay $0x4  }
0x342: {  	v4 =	vshll.u32 v3, $0x3  }
0x343: {  	v3 =	vand.u32 $0x7, v3;
	v4 =	vand.u32 $0xFFFFFFC0, v4  }
0x344: {  	v3 =	vor.u32 v3, v4  }
0x345: {  	v4 =	vperm.xlane v3, v0;
	_ =	sdelay $0x1  }
0x346: {  	v4 =	vadd.s32 v1, v4;
	_ =	sdelay $0x4  }
0x347: {  	[tilespmem:s19], [sflag:$0x3] =	stream.indirect_vreg.gather [hbm4b:s1+s31], $0x80, v4, vm0, $0xb8;
	[tilespmem:$0x18180] =	vst v63  }
0x348: {  	v3 =	vperm.xlane v3, v2  }
0x349: {  	[tilespmem:s20], [sflag:$0x3] =	stream.indirect_vreg.gather [hbm4b:s10+s31], $0x80, v4, vm0, $0xb8;
	[tilespmem:$0x18180] =	vst v63  }
0x34a: {  	v3 =	vadd.s32 v1, v3  }
0x34b: {  	[tilespmem:s21], [sflag:$0x3] =	stream.indirect_vreg.gather [hbm4b:s11+s31], $0x80, v4, vm0, $0xb8;
	[tilespmem:$0x18180] =	vst v63  }
0x34c: {  	_ = 	snop  }
0x34d: {  	[tilespmem:s22], [sflag:$0x3] =	stream.indirect_vreg.gather [hbm4b:s12+s31], $0x80, v4, vm0, $0xb8;
	[tilespmem:$0x18180] =	vst v63  }
0x34e: {  	_ = 	snop  }
0x34f: {  	[tilespmem:s23], [sflag:$0x3] =	stream.indirect_vreg.gather [hbm4b:s1+s31], $0x80, v3, vm0, $0xb8;
	[tilespmem:$0x18180] =	vst v63  }
0x350: {  	_ = 	snop  }
0x351: {  	[tilespmem:s24], [sflag:$0x3] =	stream.indirect_vreg.gather [hbm4b:s10+s31], $0x80, v3, vm0, $0xb8;
	[tilespmem:$0x18180] =	vst v63  }
0x352: {  	_ = 	snop  }
0x353: {  	[tilespmem:s25], [sflag:$0x3] =	stream.indirect_vreg.gather [hbm4b:s11+s31], $0x80, v3, vm0, $0xb8;
	[tilespmem:$0x18180] =	vst v63  }
0x354: {  	s14 =	simm.s32 $0x0;
	s5 =	simm.s32 $0x0  }
0x355: {  	[tilespmem:s26], [sflag:$0x3] =	stream.indirect_vreg.gather [hbm4b:s12+s31], $0x80, v3, vm0, $0xb8;
	[tilespmem:$0x18180] =	vst v63  }
0x356: {  	s15 =	sand.u32 $0x1C00, s31;
	s0 =	sand.u32 $0x2000, s14;
	_ =	swait.ge [sflag:s28], $0x4000  }
0x357: {  	s5 =	sand.u32 $0x380, s5;
	s0 =	sor.u32 s15, s0;
	[sflag:s28] =	ssyncset.done $0x0  }
0x358: {  	s0 =	sor.u32 s5, s0;
	[sflag:s28] =	ssyncadd.s32 $0xFFFFC000  }
0x359: {  	s3 =	sadd.s32 $0x10180, s0;
	v9 =	vld [tilespmem:s0+$0x81F0]  }
0x35a: {  	v10 =	vld [tilespmem:s3+$0x70]  }
0x35b: {  	v8 =	vld [tilespmem:s3+$0x10]  }
0x35c: {  	v7 =	vld [tilespmem:s3+$0x20]  }
0x35d: {  	v6 =	vld [tilespmem:s3+$0x30]  }
0x35e: {  	v5 =	vld [tilespmem:s3+$0x40]  }
0x35f: {  	v3 =	vld [tilespmem:s3+$0x50]  }
0x360: {  	v4 =	vld [tilespmem:s3+$0x60]  }
0x361: {  	v11 =	vld [tilespmem:s0+$0x8180];
	v10 =	vadd.f32 v9, v10  }
0x362: {  	v9 =	vld [tilespmem:s0+$0x10180]  }
0x363: {  	s5 =	simm.s32 $0x0;
	[tilespmem:s3+$0x70] =	vst v10;
	v10 =	vld [tilespmem:s0+$0x8190]  }
.LBB2_22:
0x364: {  	s5 =	sadd.s32 $0x8, s5;
	v12 =	vld [tilespmem:s0+$0x81A0]  }
0x365: {  	s31 =	sadd.s32 $0x400, s31;
	s6 =	sshll.u32 s5, $0x4;
	p0 =	slt.u32 s5, $0x3F8;
	v13 =	vld [tilespmem:s0+$0x81B0]  }
0x366: {  	s14 =	sand.u32 $0x1C00, s31;
	s15 =	sshll.u32 s5, $0x1;
	s6 =	sand.u32 $0x2000, s6;
	v14 =	vld [tilespmem:s0+$0x81C0]  }
0x367: {  	s15 =	sand.u32 $0x380, s15;
	s6 =	sor.u32 s14, s6;
	v9 =	vadd.f32 v11, v9;
	v11 =	vld [tilespmem:s0+$0x81D0]  }
0x368: {  	s6 =	sor.u32 s15, s6;
	v8 =	vadd.f32 v10, v8;
	v10 =	vld [tilespmem:s0+$0x81E0]  }
0x369: {  	s14 =	sadd.s32 $0x10180, s6;
	v15 =	vld [tilespmem:s6+$0x81F0];
	[tilespmem:s0+$0x10180] =	vst v9;
	v7 =	vadd.f32 v12, v7;
	s0 =	smov.u32 s6  }
0x36a: {  	v9 =	vld [tilespmem:s14+$0x70];
	[tilespmem:s3+$0x10] =	vst v8;
	v6 =	vadd.f32 v13, v6  }
0x36b: {  	v8 =	vld [tilespmem:s14+$0x10];
	[tilespmem:s3+$0x20] =	vst v7;
	v5 =	vadd.f32 v14, v5  }
0x36c: {  	v7 =	vld [tilespmem:s14+$0x20];
	[tilespmem:s3+$0x30] =	vst v6;
	v3 =	vadd.f32 v11, v3  }
0x36d: {  	v6 =	vld [tilespmem:s14+$0x30];
	[tilespmem:s3+$0x40] =	vst v5;
	v4 =	vadd.f32 v10, v4  }
0x36e: {  	v5 =	vld [tilespmem:s14+$0x40];
	[tilespmem:s3+$0x50] =	vst v3  }
.Ltmp10:
0x36f: {  	v3 =	vld [tilespmem:s14+$0x50];
	v10 =	vadd.f32 v15, v9;
	[tilespmem:s3+$0x60] =	vst v4;
	s3 =	smov.u32 s14;
	(pc) =	sbr.rel @p0 .LBB2_22-.Ltmp10, $4  }
0x370: {  	v4 =	vld [tilespmem:s3+$0x60]  }
0x371: {  	v9 =	vld [tilespmem:s0+$0x10180];
	[tilespmem:s3+$0x70] =	vst v10  }
0x372: {  	v11 =	vld [tilespmem:s0+$0x8180]  }
0x373: {  	v10 =	vld [tilespmem:s0+$0x8190]  }
0x374: {  	v12 =	vld [tilespmem:s0+$0x81A0]  }
0x375: {  	v13 =	vld [tilespmem:s0+$0x81B0]  }
0x376: {  	v14 =	vld [tilespmem:s0+$0x81C0]  }
0x377: {  	v9 =	vadd.f32 v11, v9;
	v11 =	vld [tilespmem:s0+$0x81D0]  }
0x378: {  	v8 =	vadd.f32 v10, v8;
	v10 =	vld [tilespmem:s0+$0x81E0]  }
0x379: {  	[tilespmem:s0+$0x10180] =	vst v9;
	v7 =	vadd.f32 v12, v7  }
0x37a: {  	v6 =	vadd.f32 v13, v6;
	[tilespmem:s3+$0x10] =	vst v8  }
0x37b: {  	v5 =	vadd.f32 v14, v5;
	[tilespmem:s3+$0x20] =	vst v7  }
0x37c: {  	[tilespmem:s3+$0x30] =	vst v6;
	v3 =	vadd.f32 v11, v3  }
0x37d: {  	[tilespmem:s3+$0x40] =	vst v5;
	v4 =	vadd.f32 v10, v4  }
0x37e: {  	[tilespmem:s3+$0x50] =	vst v3  }
0x37f: {  	[tilespmem:s3+$0x60] =	vst v4  }
0x380: {  	s31 =	simm.s32 $0x0;
	s0 =	rddreg [dreg:$0x11]  }
0x381: {  	[hbm4b:s0+s31] =	stream.linear.scatter [tilespmem:s2], [sflag:$0x4], $0x4000, $0x38;
	[tilespmem:$0x18180] =	vst v63  }
0x382: {  	_ =	swait.ge [sflag:s29], $0x4000  }
0x383: {  	[sflag:s29] =	ssyncset.done $0x0  }
0x384: {  	[sflag:s29] =	ssyncadd.s32 $0xFFFFC000  }
0x385: {  	v3 =	vld [tilespmem:$0xC0];
	_ =	sdelay $0x4  }
0x386: {  	v4 =	vshll.u32 v3, $0x3  }
0x387: {  	v3 =	vand.u32 $0x7, v3;
	v4 =	vand.u32 $0xFFFFFFC0, v4  }
0x388: {  	v3 =	vor.u32 v3, v4  }
0x389: {  	v4 =	vperm.xlane v3, v0;
	_ =	sdelay $0x1  }
0x38a: {  	v4 =	vadd.s32 v1, v4;
	_ =	sdelay $0x4  }
0x38b: {  	[tilespmem:s2], [sflag:$0x2] =	stream.indirect_vreg.gather [hbm4b:s1+s31], $0x80, v4, vm0, $0xb8;
	[tilespmem:$0x18180] =	vst v63  }
0x38c: {  	s14 =	simm.s32 $0x10980;
	v3 =	vperm.xlane v3, v2  }
0x38d: {  	[tilespmem:s14], [sflag:$0x2] =	stream.indirect_vreg.gather [hbm4b:s10+s31], $0x80, v4, vm0, $0xb8;
	[tilespmem:$0x18180] =	vst v63  }
0x38e: {  	s15 =	simm.s32 $0x11180;
	v3 =	vadd.s32 v1, v3  }
0x38f: {  	[tilespmem:s15], [sflag:$0x2] =	stream.indirect_vreg.gather [hbm4b:s11+s31], $0x80, v4, vm0, $0xb8;
	[tilespmem:$0x18180] =	vst v63  }
0x390: {  	s3 =	simm.s32 $0x11980  }
0x391: {  	[tilespmem:s3], [sflag:$0x2] =	stream.indirect_vreg.gather [hbm4b:s12+s31], $0x80, v4, vm0, $0xb8;
	[tilespmem:$0x18180] =	vst v63  }
0x392: {  	s5 =	simm.s32 $0x12180  }
0x393: {  	[tilespmem:s5], [sflag:$0x2] =	stream.indirect_vreg.gather [hbm4b:s1+s31], $0x80, v3, vm0, $0xb8;
	[tilespmem:$0x18180] =	vst v63  }
0x394: {  	s6 =	simm.s32 $0x12980  }
0x395: {  	[tilespmem:s6], [sflag:$0x2] =	stream.indirect_vreg.gather [hbm4b:s10+s31], $0x80, v3, vm0, $0xb8;
	[tilespmem:$0x18180] =	vst v63  }
0x396: {  	s14 =	simm.s32 $0x0  }
0x397: {  	[tilespmem:s16], [sflag:$0x2] =	stream.indirect_vreg.gather [hbm4b:s11+s31], $0x80, v3, vm0, $0xb8;
	[tilespmem:$0x18180] =	vst v63  }
0x398: {  	s0 =	sand.u32 $0x2000, s14  }
0x399: {  	[tilespmem:s17], [sflag:$0x2] =	stream.indirect_vreg.gather [hbm4b:s12+s31], $0x80, v3, vm0, $0xb8;
	[tilespmem:$0x18180] =	vst v63  }
0x39a: {  	s15 =	sand.u32 $0x1C00, s31;
	s5 =	simm.s32 $0x0;
	_ =	swait.ge [sflag:s30], $0x4000  }
0x39b: {  	s0 =	sor.u32 s15, s0;
	s5 =	sand.u32 $0x380, s5;
	[sflag:s30] =	ssyncset.done $0x0  }
0x39c: {  	s0 =	sor.u32 s5, s0;
	[sflag:s30] =	ssyncadd.s32 $0xFFFFC000  }
0x39d: {  	s3 =	sadd.s32 $0x14180, s0;
	v9 =	vld [tilespmem:s0+$0xC1F0]  }
0x39e: {  	v10 =	vld [tilespmem:s3+$0x70]  }
0x39f: {  	v8 =	vld [tilespmem:s3+$0x10]  }
0x3a0: {  	v7 =	vld [tilespmem:s3+$0x20]  }
0x3a1: {  	v6 =	vld [tilespmem:s3+$0x30]  }
0x3a2: {  	v5 =	vld [tilespmem:s3+$0x40]  }
0x3a3: {  	v3 =	vld [tilespmem:s3+$0x50]  }
0x3a4: {  	v4 =	vld [tilespmem:s3+$0x60]  }
0x3a5: {  	v11 =	vld [tilespmem:s0+$0xC180];
	v10 =	vadd.f32 v9, v10  }
0x3a6: {  	v9 =	vld [tilespmem:s0+$0x14180]  }
0x3a7: {  	s5 =	simm.s32 $0x0;
	[tilespmem:s3+$0x70] =	vst v10;
	v10 =	vld [tilespmem:s0+$0xC190]  }
.LBB2_24:
0x3a8: {  	s5 =	sadd.s32 $0x8, s5;
	v12 =	vld [tilespmem:s0+$0xC1A0]  }
0x3a9: {  	s31 =	sadd.s32 $0x400, s31;
	s6 =	sshll.u32 s5, $0x4;
	p0 =	slt.u32 s5, $0x3F8;
	v13 =	vld [tilespmem:s0+$0xC1B0]  }
0x3aa: {  	s14 =	sand.u32 $0x1C00, s31;
	s15 =	sshll.u32 s5, $0x1;
	s6 =	sand.u32 $0x2000, s6;
	v14 =	vld [tilespmem:s0+$0xC1C0]  }
0x3ab: {  	s15 =	sand.u32 $0x380, s15;
	s6 =	sor.u32 s14, s6;
	v9 =	vadd.f32 v11, v9;
	v11 =	vld [tilespmem:s0+$0xC1D0]  }
0x3ac: {  	s6 =	sor.u32 s15, s6;
	v8 =	vadd.f32 v10, v8;
	v10 =	vld [tilespmem:s0+$0xC1E0]  }
0x3ad: {  	s14 =	sadd.s32 $0x14180, s6;
	v15 =	vld [tilespmem:s6+$0xC1F0];
	[tilespmem:s0+$0x14180] =	vst v9;
	v7 =	vadd.f32 v12, v7;
	s0 =	smov.u32 s6  }
0x3ae: {  	v9 =	vld [tilespmem:s14+$0x70];
	[tilespmem:s3+$0x10] =	vst v8;
	v6 =	vadd.f32 v13, v6  }
0x3af: {  	v8 =	vld [tilespmem:s14+$0x10];
	[tilespmem:s3+$0x20] =	vst v7;
	v5 =	vadd.f32 v14, v5  }
0x3b0: {  	v7 =	vld [tilespmem:s14+$0x20];
	[tilespmem:s3+$0x30] =	vst v6;
	v3 =	vadd.f32 v11, v3  }
0x3b1: {  	v6 =	vld [tilespmem:s14+$0x30];
	[tilespmem:s3+$0x40] =	vst v5;
	v4 =	vadd.f32 v10, v4  }
0x3b2: {  	v5 =	vld [tilespmem:s14+$0x40];
	[tilespmem:s3+$0x50] =	vst v3  }
.Ltmp11:
0x3b3: {  	v3 =	vld [tilespmem:s14+$0x50];
	v10 =	vadd.f32 v15, v9;
	[tilespmem:s3+$0x60] =	vst v4;
	s3 =	smov.u32 s14;
	(pc) =	sbr.rel @p0 .LBB2_24-.Ltmp11, $4  }
0x3b4: {  	v4 =	vld [tilespmem:s3+$0x60]  }
0x3b5: {  	v9 =	vld [tilespmem:s0+$0x14180];
	[tilespmem:s3+$0x70] =	vst v10  }
0x3b6: {  	v11 =	vld [tilespmem:s0+$0xC180]  }
0x3b7: {  	v10 =	vld [tilespmem:s0+$0xC190]  }
0x3b8: {  	v12 =	vld [tilespmem:s0+$0xC1A0]  }
0x3b9: {  	v13 =	vld [tilespmem:s0+$0xC1B0]  }
0x3ba: {  	v14 =	vld [tilespmem:s0+$0xC1C0]  }
0x3bb: {  	v9 =	vadd.f32 v11, v9;
	v11 =	vld [tilespmem:s0+$0xC1D0]  }
0x3bc: {  	v8 =	vadd.f32 v10, v8;
	v10 =	vld [tilespmem:s0+$0xC1E0]  }
0x3bd: {  	[tilespmem:s0+$0x14180] =	vst v9;
	v7 =	vadd.f32 v12, v7  }
0x3be: {  	v6 =	vadd.f32 v13, v6;
	[tilespmem:s3+$0x10] =	vst v8  }
0x3bf: {  	v5 =	vadd.f32 v14, v5;
	[tilespmem:s3+$0x20] =	vst v7  }
0x3c0: {  	[tilespmem:s3+$0x30] =	vst v6;
	v3 =	vadd.f32 v11, v3  }
0x3c1: {  	[tilespmem:s3+$0x40] =	vst v5;
	v4 =	vadd.f32 v10, v4  }
0x3c2: {  	[tilespmem:s3+$0x50] =	vst v3  }
0x3c3: {  	[tilespmem:s3+$0x60] =	vst v4  }
0x3c4: {  	s31 =	simm.s32 $0x0;
	s0 =	rddreg [dreg:$0x12]  }
0x3c5: {  	[hbm4b:s0+s31] =	stream.linear.scatter [tilespmem:s19], [sflag:$0x5], $0x4000, $0x38;
	[tilespmem:$0x18180] =	vst v63  }
0x3c6: {  	_ =	swait.ge [sflag:s13], $0x4000  }
0x3c7: {  	[sflag:s13] =	ssyncset.done $0x0  }
0x3c8: {  	[sflag:s13] =	ssyncadd.s32 $0xFFFFC000  }
0x3c9: {  	v3 =	vld [tilespmem:$0xD0];
	_ =	sdelay $0x4  }
0x3ca: {  	v4 =	vshll.u32 v3, $0x3  }
0x3cb: {  	v3 =	vand.u32 $0x7, v3;
	v4 =	vand.u32 $0xFFFFFFC0, v4  }
0x3cc: {  	v3 =	vor.u32 v3, v4  }
0x3cd: {  	v4 =	vperm.xlane v3, v0;
	_ =	sdelay $0x1  }
0x3ce: {  	v4 =	vadd.s32 v1, v4;
	_ =	sdelay $0x4  }
0x3cf: {  	[tilespmem:s19], [sflag:$0x3] =	stream.indirect_vreg.gather [hbm4b:s1+s31], $0x80, v4, vm0, $0xb8;
	[tilespmem:$0x18180] =	vst v63  }
0x3d0: {  	v3 =	vperm.xlane v3, v2  }
0x3d1: {  	[tilespmem:s20], [sflag:$0x3] =	stream.indirect_vreg.gather [hbm4b:s10+s31], $0x80, v4, vm0, $0xb8;
	[tilespmem:$0x18180] =	vst v63  }
0x3d2: {  	v3 =	vadd.s32 v1, v3  }
0x3d3: {  	[tilespmem:s21], [sflag:$0x3] =	stream.indirect_vreg.gather [hbm4b:s11+s31], $0x80, v4, vm0, $0xb8;
	[tilespmem:$0x18180] =	vst v63  }
0x3d4: {  	_ = 	snop  }
0x3d5: {  	[tilespmem:s22], [sflag:$0x3] =	stream.indirect_vreg.gather [hbm4b:s12+s31], $0x80, v4, vm0, $0xb8;
	[tilespmem:$0x18180] =	vst v63  }
0x3d6: {  	_ = 	snop  }
0x3d7: {  	[tilespmem:s23], [sflag:$0x3] =	stream.indirect_vreg.gather [hbm4b:s1+s31], $0x80, v3, vm0, $0xb8;
	[tilespmem:$0x18180] =	vst v63  }
0x3d8: {  	_ = 	snop  }
0x3d9: {  	[tilespmem:s24], [sflag:$0x3] =	stream.indirect_vreg.gather [hbm4b:s10+s31], $0x80, v3, vm0, $0xb8;
	[tilespmem:$0x18180] =	vst v63  }
0x3da: {  	_ = 	snop  }
0x3db: {  	[tilespmem:s25], [sflag:$0x3] =	stream.indirect_vreg.gather [hbm4b:s11+s31], $0x80, v3, vm0, $0xb8;
	[tilespmem:$0x18180] =	vst v63  }
0x3dc: {  	s6 =	simm.s32 $0x0;
	s5 =	simm.s32 $0x0  }
0x3dd: {  	[tilespmem:s26], [sflag:$0x3] =	stream.indirect_vreg.gather [hbm4b:s12+s31], $0x80, v3, vm0, $0xb8;
	[tilespmem:$0x18180] =	vst v63  }
0x3de: {  	s14 =	sand.u32 $0x1C00, s31;
	s0 =	sand.u32 $0x2000, s6;
	_ =	swait.ge [sflag:s28], $0x4000  }
0x3df: {  	s15 =	sand.u32 $0x380, s5;
	s0 =	sor.u32 s14, s0;
	[sflag:s28] =	ssyncset.done $0x0  }
0x3e0: {  	s3 =	sor.u32 s15, s0;
	[sflag:s28] =	ssyncadd.s32 $0xFFFFC000  }
0x3e1: {  	v3 =	vld [tilespmem:s3+$0x101F0]  }
0x3e2: {  	v5 =	vld [tilespmem:s3+$0x1F0]  }
0x3e3: {  	v6 =	vld [tilespmem:s3+$0x10180]  }
0x3e4: {  	v8 =	vld [tilespmem:s3+$0x180]  }
0x3e5: {  	v9 =	vld [tilespmem:s3+$0x10190]  }
0x3e6: {  	v10 =	vld [tilespmem:s3+$0x190]  }
0x3e7: {  	v4 =	vld [tilespmem:s3+$0x101A0]  }
0x3e8: {  	v7 =	vld [tilespmem:s3+$0x1A0];
	v5 =	vadd.f32 v5, v3  }
0x3e9: {  	v8 =	vadd.f32 v8, v6;
	v3 =	vld [tilespmem:s3+$0x101B0]  }
0x3ea: {  	v6 =	vld [tilespmem:s3+$0x1B0];
	[tilespmem:s3+$0x101F0] =	vst v5  }
0x3eb: {  	s0 =	simm.s32 $0x0;
	[tilespmem:s3+$0x10180] =	vst v8;
	v8 =	vadd.f32 v10, v9;
	v5 =	vld [tilespmem:s3+$0x101C0]  }
.LBB2_26:
0x3ec: {  	s0 =	sadd.s32 $0x8, s0;
	v9 =	vld [tilespmem:s3+$0x1C0]  }
0x3ed: {  	s31 =	sadd.s32 $0x400, s31;
	s5 =	sshll.u32 s0, $0x4;
	p0 =	slt.u32 s0, $0x3F8;
	[tilespmem:s3+$0x10190] =	vst v8;
	v4 =	vadd.f32 v7, v4;
	v7 =	vld [tilespmem:s3+$0x101D0]  }
0x3ee: {  	s6 =	sand.u32 $0x1C00, s31;
	s14 =	sshll.u32 s0, $0x1;
	s5 =	sand.u32 $0x2000, s5;
	v8 =	vld [tilespmem:s3+$0x1D0]  }
0x3ef: {  	s5 =	sor.u32 s6, s5;
	s6 =	sand.u32 $0x380, s14;
	[tilespmem:s3+$0x101A0] =	vst v4;
	v3 =	vadd.f32 v6, v3;
	v4 =	vld [tilespmem:s3+$0x101E0]  }
0x3f0: {  	s5 =	sor.u32 s6, s5;
	v6 =	vld [tilespmem:s3+$0x1E0]  }
0x3f1: {  	v10 =	vld [tilespmem:s5+$0x101F0];
	[tilespmem:s3+$0x101B0] =	vst v3;
	v3 =	vadd.f32 v9, v5  }
0x3f2: {  	v5 =	vld [tilespmem:s5+$0x1F0]  }
0x3f3: {  	v9 =	vld [tilespmem:s5+$0x10180];
	[tilespmem:s3+$0x101C0] =	vst v3;
	v3 =	vadd.f32 v8, v7  }
0x3f4: {  	v8 =	vld [tilespmem:s5+$0x180]  }
0x3f5: {  	v11 =	vld [tilespmem:s5+$0x10190];
	[tilespmem:s3+$0x101D0] =	vst v3;
	v3 =	vadd.f32 v6, v4  }
0x3f6: {  	v12 =	vld [tilespmem:s5+$0x190]  }
.Ltmp12:
0x3f7: {  	v4 =	vld [tilespmem:s5+$0x101A0];
	v5 =	vadd.f32 v5, v10;
	[tilespmem:s3+$0x101E0] =	vst v3;
	s3 =	smov.u32 s5;
	(pc) =	sbr.rel @p0 .LBB2_26-.Ltmp12, $4  }
0x3f8: {  	v7 =	vld [tilespmem:s3+$0x1A0]  }
0x3f9: {  	v8 =	vadd.f32 v8, v9;
	v3 =	vld [tilespmem:s3+$0x101B0];
	[tilespmem:s3+$0x101F0] =	vst v5  }
0x3fa: {  	v6 =	vld [tilespmem:s3+$0x1B0]  }
0x3fb: {  	[tilespmem:s3+$0x10180] =	vst v8;
	v8 =	vadd.f32 v12, v11;
	v5 =	vld [tilespmem:s3+$0x101C0]  }
0x3fc: {  	v9 =	vld [tilespmem:s3+$0x1C0]  }
0x3fd: {  	v10 =	vld [tilespmem:s3+$0x101D0]  }
0x3fe: {  	v11 =	vld [tilespmem:s3+$0x1D0]  }
0x3ff: {  	v12 =	vld [tilespmem:s3+$0x101E0]  }
0x400: {  	v13 =	vld [tilespmem:s3+$0x1E0]  }
0x401: {  	v4 =	vadd.f32 v7, v4  }
0x402: {  	[tilespmem:s3+$0x10190] =	vst v8;
	v3 =	vadd.f32 v6, v3  }
0x403: {  	[tilespmem:s3+$0x101A0] =	vst v4;
	v4 =	vadd.f32 v9, v5  }
0x404: {  	[tilespmem:s3+$0x101B0] =	vst v3;
	v3 =	vadd.f32 v11, v10  }
0x405: {  	[tilespmem:s3+$0x101C0] =	vst v4;
	v4 =	vadd.f32 v13, v12  }
0x406: {  	[tilespmem:s3+$0x101D0] =	vst v3  }
0x407: {  	[tilespmem:s3+$0x101E0] =	vst v4  }
0x408: {  	s31 =	simm.s32 $0x0;
	s0 =	rddreg [dreg:$0x14]  }
0x409: {  	[hbm4b:s0+s31] =	stream.linear.scatter [tilespmem:s2], [sflag:$0x4], $0x4000, $0x38;
	[tilespmem:$0x18180] =	vst v63  }
0x40a: {  	_ =	swait.ge [sflag:s29], $0x4000  }
0x40b: {  	[sflag:s29] =	ssyncset.done $0x0  }
0x40c: {  	[sflag:s29] =	ssyncadd.s32 $0xFFFFC000  }
0x40d: {  	v3 =	vld [tilespmem:$0xE0];
	_ =	sdelay $0x4  }
0x40e: {  	v4 =	vshll.u32 v3, $0x3  }
0x40f: {  	v3 =	vand.u32 $0x7, v3;
	v4 =	vand.u32 $0xFFFFFFC0, v4  }
0x410: {  	v3 =	vor.u32 v3, v4  }
0x411: {  	v4 =	vperm.xlane v3, v0;
	_ =	sdelay $0x1  }
0x412: {  	v4 =	vadd.s32 v1, v4;
	_ =	sdelay $0x4  }
0x413: {  	[tilespmem:s2], [sflag:$0x2] =	stream.indirect_vreg.gather [hbm4b:s1+s31], $0x80, v4, vm0, $0xb8;
	[tilespmem:$0x18180] =	vst v63  }
0x414: {  	s14 =	simm.s32 $0x10980;
	v3 =	vperm.xlane v3, v2  }
0x415: {  	[tilespmem:s14], [sflag:$0x2] =	stream.indirect_vreg.gather [hbm4b:s10+s31], $0x80, v4, vm0, $0xb8;
	[tilespmem:$0x18180] =	vst v63  }
0x416: {  	s15 =	simm.s32 $0x11180;
	v3 =	vadd.s32 v1, v3  }
0x417: {  	[tilespmem:s15], [sflag:$0x2] =	stream.indirect_vreg.gather [hbm4b:s11+s31], $0x80, v4, vm0, $0xb8;
	[tilespmem:$0x18180] =	vst v63  }
0x418: {  	s3 =	simm.s32 $0x11980  }
0x419: {  	[tilespmem:s3], [sflag:$0x2] =	stream.indirect_vreg.gather [hbm4b:s12+s31], $0x80, v4, vm0, $0xb8;
	[tilespmem:$0x18180] =	vst v63  }
0x41a: {  	s5 =	simm.s32 $0x12180  }
0x41b: {  	[tilespmem:s5], [sflag:$0x2] =	stream.indirect_vreg.gather [hbm4b:s1+s31], $0x80, v3, vm0, $0xb8;
	[tilespmem:$0x18180] =	vst v63  }
0x41c: {  	s6 =	simm.s32 $0x12980  }
0x41d: {  	[tilespmem:s6], [sflag:$0x2] =	stream.indirect_vreg.gather [hbm4b:s10+s31], $0x80, v3, vm0, $0xb8;
	[tilespmem:$0x18180] =	vst v63  }
0x41e: {  	s14 =	simm.s32 $0x0  }
0x41f: {  	[tilespmem:s16], [sflag:$0x2] =	stream.indirect_vreg.gather [hbm4b:s11+s31], $0x80, v3, vm0, $0xb8;
	[tilespmem:$0x18180] =	vst v63  }
0x420: {  	s0 =	sand.u32 $0x2000, s14  }
0x421: {  	[tilespmem:s17], [sflag:$0x2] =	stream.indirect_vreg.gather [hbm4b:s12+s31], $0x80, v3, vm0, $0xb8;
	[tilespmem:$0x18180] =	vst v63  }
0x422: {  	s15 =	sand.u32 $0x1C00, s31;
	s5 =	simm.s32 $0x0;
	_ =	swait.ge [sflag:s30], $0x4000  }
0x423: {  	s0 =	sor.u32 s15, s0;
	s5 =	sand.u32 $0x380, s5;
	[sflag:s30] =	ssyncset.done $0x0  }
0x424: {  	s0 =	sor.u32 s5, s0;
	[sflag:s30] =	ssyncadd.s32 $0xFFFFC000  }
0x425: {  	s3 =	sadd.s32 $0x14180, s0;
	v9 =	vld [tilespmem:s0+$0x41F0]  }
0x426: {  	v10 =	vld [tilespmem:s3+$0x70]  }
0x427: {  	v8 =	vld [tilespmem:s3+$0x10]  }
0x428: {  	v7 =	vld [tilespmem:s3+$0x20]  }
0x429: {  	v6 =	vld [tilespmem:s3+$0x30]  }
0x42a: {  	v5 =	vld [tilespmem:s3+$0x40]  }
0x42b: {  	v3 =	vld [tilespmem:s3+$0x50]  }
0x42c: {  	v4 =	vld [tilespmem:s3+$0x60]  }
0x42d: {  	v11 =	vld [tilespmem:s0+$0x4180];
	v10 =	vadd.f32 v9, v10  }
0x42e: {  	v9 =	vld [tilespmem:s0+$0x14180]  }
0x42f: {  	s5 =	simm.s32 $0x0;
	[tilespmem:s3+$0x70] =	vst v10;
	v10 =	vld [tilespmem:s0+$0x4190]  }
.LBB2_28:
0x430: {  	s5 =	sadd.s32 $0x8, s5;
	v12 =	vld [tilespmem:s0+$0x41A0]  }
0x431: {  	s31 =	sadd.s32 $0x400, s31;
	s6 =	sshll.u32 s5, $0x4;
	p0 =	slt.u32 s5, $0x3F8;
	v13 =	vld [tilespmem:s0+$0x41B0]  }
0x432: {  	s14 =	sand.u32 $0x1C00, s31;
	s15 =	sshll.u32 s5, $0x1;
	s6 =	sand.u32 $0x2000, s6;
	v14 =	vld [tilespmem:s0+$0x41C0]  }
0x433: {  	s15 =	sand.u32 $0x380, s15;
	s6 =	sor.u32 s14, s6;
	v9 =	vadd.f32 v11, v9;
	v11 =	vld [tilespmem:s0+$0x41D0]  }
0x434: {  	s6 =	sor.u32 s15, s6;
	v8 =	vadd.f32 v10, v8;
	v10 =	vld [tilespmem:s0+$0x41E0]  }
0x435: {  	s14 =	sadd.s32 $0x14180, s6;
	v15 =	vld [tilespmem:s6+$0x41F0];
	[tilespmem:s0+$0x14180] =	vst v9;
	v7 =	vadd.f32 v12, v7;
	s0 =	smov.u32 s6  }
0x436: {  	v9 =	vld [tilespmem:s14+$0x70];
	[tilespmem:s3+$0x10] =	vst v8;
	v6 =	vadd.f32 v13, v6  }
0x437: {  	v8 =	vld [tilespmem:s14+$0x10];
	[tilespmem:s3+$0x20] =	vst v7;
	v5 =	vadd.f32 v14, v5  }
0x438: {  	v7 =	vld [tilespmem:s14+$0x20];
	[tilespmem:s3+$0x30] =	vst v6;
	v3 =	vadd.f32 v11, v3  }
0x439: {  	v6 =	vld [tilespmem:s14+$0x30];
	[tilespmem:s3+$0x40] =	vst v5;
	v4 =	vadd.f32 v10, v4  }
0x43a: {  	v5 =	vld [tilespmem:s14+$0x40];
	[tilespmem:s3+$0x50] =	vst v3  }
.Ltmp13:
0x43b: {  	v3 =	vld [tilespmem:s14+$0x50];
	v10 =	vadd.f32 v15, v9;
	[tilespmem:s3+$0x60] =	vst v4;
	s3 =	smov.u32 s14;
	(pc) =	sbr.rel @p0 .LBB2_28-.Ltmp13, $4  }
0x43c: {  	v4 =	vld [tilespmem:s3+$0x60]  }
0x43d: {  	v9 =	vld [tilespmem:s0+$0x14180];
	[tilespmem:s3+$0x70] =	vst v10  }
0x43e: {  	v11 =	vld [tilespmem:s0+$0x4180]  }
0x43f: {  	v10 =	vld [tilespmem:s0+$0x4190]  }
0x440: {  	v12 =	vld [tilespmem:s0+$0x41A0]  }
0x441: {  	v13 =	vld [tilespmem:s0+$0x41B0]  }
0x442: {  	v14 =	vld [tilespmem:s0+$0x41C0]  }
0x443: {  	v9 =	vadd.f32 v11, v9;
	v11 =	vld [tilespmem:s0+$0x41D0]  }
0x444: {  	v8 =	vadd.f32 v10, v8;
	v10 =	vld [tilespmem:s0+$0x41E0]  }
0x445: {  	[tilespmem:s0+$0x14180] =	vst v9;
	v7 =	vadd.f32 v12, v7  }
0x446: {  	v6 =	vadd.f32 v13, v6;
	[tilespmem:s3+$0x10] =	vst v8  }
0x447: {  	v5 =	vadd.f32 v14, v5;
	[tilespmem:s3+$0x20] =	vst v7  }
0x448: {  	[tilespmem:s3+$0x30] =	vst v6;
	v3 =	vadd.f32 v11, v3  }
0x449: {  	[tilespmem:s3+$0x40] =	vst v5;
	v4 =	vadd.f32 v10, v4  }
0x44a: {  	[tilespmem:s3+$0x50] =	vst v3  }
0x44b: {  	[tilespmem:s3+$0x60] =	vst v4  }
0x44c: {  	s31 =	simm.s32 $0x0;
	s0 =	rddreg [dreg:$0x15]  }
0x44d: {  	[hbm4b:s0+s31] =	stream.linear.scatter [tilespmem:s19], [sflag:$0x5], $0x4000, $0x38;
	[tilespmem:$0x18180] =	vst v63  }
0x44e: {  	_ =	swait.ge [sflag:s13], $0x4000  }
0x44f: {  	[sflag:s13] =	ssyncset.done $0x0  }
0x450: {  	[sflag:s13] =	ssyncadd.s32 $0xFFFFC000  }
0x451: {  	v3 =	vld [tilespmem:$0xF0];
	_ =	sdelay $0x4  }
0x452: {  	v4 =	vshll.u32 v3, $0x3  }
0x453: {  	v3 =	vand.u32 $0x7, v3;
	v4 =	vand.u32 $0xFFFFFFC0, v4  }
0x454: {  	v3 =	vor.u32 v3, v4  }
0x455: {  	v4 =	vperm.xlane v3, v0;
	_ =	sdelay $0x1  }
0x456: {  	v4 =	vadd.s32 v1, v4;
	_ =	sdelay $0x4  }
0x457: {  	[tilespmem:s19], [sflag:$0x3] =	stream.indirect_vreg.gather [hbm4b:s1+s31], $0x80, v4, vm0, $0xb8;
	[tilespmem:$0x18180] =	vst v63  }
0x458: {  	v3 =	vperm.xlane v3, v2  }
0x459: {  	[tilespmem:s20], [sflag:$0x3] =	stream.indirect_vreg.gather [hbm4b:s10+s31], $0x80, v4, vm0, $0xb8;
	[tilespmem:$0x18180] =	vst v63  }
0x45a: {  	v3 =	vadd.s32 v1, v3  }
0x45b: {  	[tilespmem:s21], [sflag:$0x3] =	stream.indirect_vreg.gather [hbm4b:s11+s31], $0x80, v4, vm0, $0xb8;
	[tilespmem:$0x18180] =	vst v63  }
0x45c: {  	_ = 	snop  }
0x45d: {  	[tilespmem:s22], [sflag:$0x3] =	stream.indirect_vreg.gather [hbm4b:s12+s31], $0x80, v4, vm0, $0xb8;
	[tilespmem:$0x18180] =	vst v63  }
0x45e: {  	_ = 	snop  }
0x45f: {  	[tilespmem:s23], [sflag:$0x3] =	stream.indirect_vreg.gather [hbm4b:s1+s31], $0x80, v3, vm0, $0xb8;
	[tilespmem:$0x18180] =	vst v63  }
0x460: {  	_ = 	snop  }
0x461: {  	[tilespmem:s24], [sflag:$0x3] =	stream.indirect_vreg.gather [hbm4b:s10+s31], $0x80, v3, vm0, $0xb8;
	[tilespmem:$0x18180] =	vst v63  }
0x462: {  	_ = 	snop  }
0x463: {  	[tilespmem:s25], [sflag:$0x3] =	stream.indirect_vreg.gather [hbm4b:s11+s31], $0x80, v3, vm0, $0xb8;
	[tilespmem:$0x18180] =	vst v63  }
0x464: {  	s14 =	simm.s32 $0x0;
	s5 =	simm.s32 $0x0  }
0x465: {  	[tilespmem:s26], [sflag:$0x3] =	stream.indirect_vreg.gather [hbm4b:s12+s31], $0x80, v3, vm0, $0xb8;
	[tilespmem:$0x18180] =	vst v63  }
0x466: {  	s15 =	sand.u32 $0x1C00, s31;
	s0 =	sand.u32 $0x2000, s14;
	_ =	swait.ge [sflag:s28], $0x4000  }
0x467: {  	s5 =	sand.u32 $0x380, s5;
	s0 =	sor.u32 s15, s0;
	[sflag:s28] =	ssyncset.done $0x0  }
0x468: {  	s0 =	sor.u32 s5, s0;
	[sflag:s28] =	ssyncadd.s32 $0xFFFFC000  }
0x469: {  	s3 =	sadd.s32 $0x10180, s0;
	v9 =	vld [tilespmem:s0+$0x81F0]  }
0x46a: {  	v10 =	vld [tilespmem:s3+$0x70]  }
0x46b: {  	v8 =	vld [tilespmem:s3+$0x10]  }
0x46c: {  	v7 =	vld [tilespmem:s3+$0x20]  }
0x46d: {  	v6 =	vld [tilespmem:s3+$0x30]  }
0x46e: {  	v5 =	vld [tilespmem:s3+$0x40]  }
0x46f: {  	v3 =	vld [tilespmem:s3+$0x50]  }
0x470: {  	v4 =	vld [tilespmem:s3+$0x60]  }
0x471: {  	v11 =	vld [tilespmem:s0+$0x8180];
	v10 =	vadd.f32 v9, v10  }
0x472: {  	v9 =	vld [tilespmem:s0+$0x10180]  }
0x473: {  	s5 =	simm.s32 $0x0;
	[tilespmem:s3+$0x70] =	vst v10;
	v10 =	vld [tilespmem:s0+$0x8190]  }
.LBB2_30:
0x474: {  	s5 =	sadd.s32 $0x8, s5;
	v12 =	vld [tilespmem:s0+$0x81A0]  }
0x475: {  	s31 =	sadd.s32 $0x400, s31;
	s6 =	sshll.u32 s5, $0x4;
	p0 =	slt.u32 s5, $0x3F8;
	v13 =	vld [tilespmem:s0+$0x81B0]  }
0x476: {  	s14 =	sand.u32 $0x1C00, s31;
	s15 =	sshll.u32 s5, $0x1;
	s6 =	sand.u32 $0x2000, s6;
	v14 =	vld [tilespmem:s0+$0x81C0]  }
0x477: {  	s15 =	sand.u32 $0x380, s15;
	s6 =	sor.u32 s14, s6;
	v9 =	vadd.f32 v11, v9;
	v11 =	vld [tilespmem:s0+$0x81D0]  }
0x478: {  	s6 =	sor.u32 s15, s6;
	v8 =	vadd.f32 v10, v8;
	v10 =	vld [tilespmem:s0+$0x81E0]  }
0x479: {  	s14 =	sadd.s32 $0x10180, s6;
	v15 =	vld [tilespmem:s6+$0x81F0];
	[tilespmem:s0+$0x10180] =	vst v9;
	v7 =	vadd.f32 v12, v7;
	s0 =	smov.u32 s6  }
0x47a: {  	v9 =	vld [tilespmem:s14+$0x70];
	[tilespmem:s3+$0x10] =	vst v8;
	v6 =	vadd.f32 v13, v6  }
0x47b: {  	v8 =	vld [tilespmem:s14+$0x10];
	[tilespmem:s3+$0x20] =	vst v7;
	v5 =	vadd.f32 v14, v5  }
0x47c: {  	v7 =	vld [tilespmem:s14+$0x20];
	[tilespmem:s3+$0x30] =	vst v6;
	v3 =	vadd.f32 v11, v3  }
0x47d: {  	v6 =	vld [tilespmem:s14+$0x30];
	[tilespmem:s3+$0x40] =	vst v5;
	v4 =	vadd.f32 v10, v4  }
0x47e: {  	v5 =	vld [tilespmem:s14+$0x40];
	[tilespmem:s3+$0x50] =	vst v3  }
.Ltmp14:
0x47f: {  	v3 =	vld [tilespmem:s14+$0x50];
	v10 =	vadd.f32 v15, v9;
	[tilespmem:s3+$0x60] =	vst v4;
	s3 =	smov.u32 s14;
	(pc) =	sbr.rel @p0 .LBB2_30-.Ltmp14, $4  }
0x480: {  	v4 =	vld [tilespmem:s3+$0x60]  }
0x481: {  	v9 =	vld [tilespmem:s0+$0x10180];
	[tilespmem:s3+$0x70] =	vst v10  }
0x482: {  	v11 =	vld [tilespmem:s0+$0x8180]  }
0x483: {  	v10 =	vld [tilespmem:s0+$0x8190]  }
0x484: {  	v12 =	vld [tilespmem:s0+$0x81A0]  }
0x485: {  	v13 =	vld [tilespmem:s0+$0x81B0]  }
0x486: {  	v14 =	vld [tilespmem:s0+$0x81C0]  }
0x487: {  	v9 =	vadd.f32 v11, v9;
	v11 =	vld [tilespmem:s0+$0x81D0]  }
0x488: {  	v8 =	vadd.f32 v10, v8;
	v10 =	vld [tilespmem:s0+$0x81E0]  }
0x489: {  	[tilespmem:s0+$0x10180] =	vst v9;
	v7 =	vadd.f32 v12, v7  }
0x48a: {  	v6 =	vadd.f32 v13, v6;
	[tilespmem:s3+$0x10] =	vst v8  }
0x48b: {  	v5 =	vadd.f32 v14, v5;
	[tilespmem:s3+$0x20] =	vst v7  }
0x48c: {  	[tilespmem:s3+$0x30] =	vst v6;
	v3 =	vadd.f32 v11, v3  }
0x48d: {  	[tilespmem:s3+$0x40] =	vst v5;
	v4 =	vadd.f32 v10, v4  }
0x48e: {  	[tilespmem:s3+$0x50] =	vst v3  }
0x48f: {  	s31 =	simm.s32 $0x0;
	[tilespmem:s3+$0x60] =	vst v4  }
0x490: {  	s14 =	simm.s32 $0x0;
	s5 =	simm.s32 $0x0;
	s0 =	rddreg [dreg:$0x16]  }
0x491: {  	[hbm4b:s0+s31] =	stream.linear.scatter [tilespmem:s2], [sflag:$0x4], $0x4000, $0x38;
	[tilespmem:$0x18180] =	vst v63  }
0x492: {  	s15 =	sand.u32 $0x1C00, s31;
	s0 =	sand.u32 $0x2000, s14;
	_ =	swait.ge [sflag:s30], $0x4000  }
0x493: {  	s5 =	sand.u32 $0x380, s5;
	s0 =	sor.u32 s15, s0;
	[sflag:s30] =	ssyncset.done $0x0  }
0x494: {  	s0 =	sor.u32 s5, s0;
	[sflag:s30] =	ssyncadd.s32 $0xFFFFC000  }
0x495: {  	s3 =	sadd.s32 $0x14180, s0;
	v9 =	vld [tilespmem:s0+$0xC1F0]  }
0x496: {  	v10 =	vld [tilespmem:s3+$0x70]  }
0x497: {  	v8 =	vld [tilespmem:s3+$0x10]  }
0x498: {  	v7 =	vld [tilespmem:s3+$0x20]  }
0x499: {  	v6 =	vld [tilespmem:s3+$0x30]  }
0x49a: {  	v5 =	vld [tilespmem:s3+$0x40]  }
0x49b: {  	v3 =	vld [tilespmem:s3+$0x50]  }
0x49c: {  	v4 =	vld [tilespmem:s3+$0x60]  }
0x49d: {  	v11 =	vld [tilespmem:s0+$0xC180];
	v10 =	vadd.f32 v9, v10  }
0x49e: {  	v9 =	vld [tilespmem:s0+$0x14180]  }
0x49f: {  	s5 =	simm.s32 $0x0;
	[tilespmem:s3+$0x70] =	vst v10;
	v10 =	vld [tilespmem:s0+$0xC190]  }
.LBB2_32:
0x4a0: {  	s5 =	sadd.s32 $0x8, s5;
	v12 =	vld [tilespmem:s0+$0xC1A0]  }
0x4a1: {  	s31 =	sadd.s32 $0x400, s31;
	s6 =	sshll.u32 s5, $0x4;
	p0 =	slt.u32 s5, $0x3F8;
	v13 =	vld [tilespmem:s0+$0xC1B0]  }
0x4a2: {  	s14 =	sand.u32 $0x1C00, s31;
	s15 =	sshll.u32 s5, $0x1;
	s6 =	sand.u32 $0x2000, s6;
	v14 =	vld [tilespmem:s0+$0xC1C0]  }
0x4a3: {  	s15 =	sand.u32 $0x380, s15;
	s6 =	sor.u32 s14, s6;
	v9 =	vadd.f32 v11, v9;
	v11 =	vld [tilespmem:s0+$0xC1D0]  }
0x4a4: {  	s6 =	sor.u32 s15, s6;
	v8 =	vadd.f32 v10, v8;
	v10 =	vld [tilespmem:s0+$0xC1E0]  }
0x4a5: {  	s14 =	sadd.s32 $0x14180, s6;
	v15 =	vld [tilespmem:s6+$0xC1F0];
	[tilespmem:s0+$0x14180] =	vst v9;
	v7 =	vadd.f32 v12, v7;
	s0 =	smov.u32 s6  }
0x4a6: {  	v9 =	vld [tilespmem:s14+$0x70];
	[tilespmem:s3+$0x10] =	vst v8;
	v6 =	vadd.f32 v13, v6  }
0x4a7: {  	v8 =	vld [tilespmem:s14+$0x10];
	[tilespmem:s3+$0x20] =	vst v7;
	v5 =	vadd.f32 v14, v5  }
0x4a8: {  	v7 =	vld [tilespmem:s14+$0x20];
	[tilespmem:s3+$0x30] =	vst v6;
	v3 =	vadd.f32 v11, v3  }
0x4a9: {  	v6 =	vld [tilespmem:s14+$0x30];
	[tilespmem:s3+$0x40] =	vst v5;
	v4 =	vadd.f32 v10, v4  }
0x4aa: {  	v5 =	vld [tilespmem:s14+$0x40];
	[tilespmem:s3+$0x50] =	vst v3  }
.Ltmp15:
0x4ab: {  	v3 =	vld [tilespmem:s14+$0x50];
	v10 =	vadd.f32 v15, v9;
	[tilespmem:s3+$0x60] =	vst v4;
	s3 =	smov.u32 s14;
	(pc) =	sbr.rel @p0 .LBB2_32-.Ltmp15, $4  }
0x4ac: {  	v4 =	vld [tilespmem:s3+$0x60]  }
0x4ad: {  	v9 =	vld [tilespmem:s0+$0x14180];
	[tilespmem:s3+$0x70] =	vst v10  }
0x4ae: {  	v11 =	vld [tilespmem:s0+$0xC180]  }
0x4af: {  	v10 =	vld [tilespmem:s0+$0xC190]  }
0x4b0: {  	v12 =	vld [tilespmem:s0+$0xC1A0]  }
0x4b1: {  	v13 =	vld [tilespmem:s0+$0xC1B0]  }
0x4b2: {  	v14 =	vld [tilespmem:s0+$0xC1C0]  }
0x4b3: {  	v62 =	vld [tilespmem:s0+$0xC1D0];
	v9 =	vadd.f32 v11, v9  }
0x4b4: {  	v63 =	vld [tilespmem:s0+$0xC1E0];
	v8 =	vadd.f32 v10, v8  }
0x4b5: {  	[tilespmem:s0+$0x14180] =	vst v9;
	v7 =	vadd.f32 v12, v7  }
0x4b6: {  	v6 =	vadd.f32 v13, v6;
	[tilespmem:s3+$0x10] =	vst v8  }
0x4b7: {  	v5 =	vadd.f32 v14, v5;
	[tilespmem:s3+$0x20] =	vst v7  }
0x4b8: {  	v3 =	vadd.f32 v62, v3;
	[tilespmem:s3+$0x30] =	vst v6  }
0x4b9: {  	v4 =	vadd.f32 v63, v4;
	[tilespmem:s3+$0x40] =	vst v5  }
0x4ba: {  	[tilespmem:s3+$0x50] =	vst v3  }
0x4bb: {  	[tilespmem:s3+$0x60] =	vst v4  }
0x4bc: {  	s0 =	rddreg [dreg:$0x17]  }
0x4bd: {  	[hbm4b:s0+s4] =	stream.linear.scatter [tilespmem:s19], [sflag:$0x5], $0x4000, $0x38;
	[tilespmem:$0x18180] =	vst v63  }
0x4be: {  	_ =	swait.ge [sflag:s29], $0x4000  }
0x4bf: {  	[sflag:s29] =	ssyncset.done $0x0  }
0x4c0: {  	[sflag:s29] =	ssyncadd.s32 $0xFFFFC000  }
0x4c1: {  	_ =	swait.ge [sflag:s13], $0x4000  }
0x4c2: {  	s18 =	sadd.s32 $0x1, s18;
	s31 =	rddreg [dreg:$0x13]  }
0x4c3: {  	p0 =	sne.s32 s18, s31  }
.Ltmp16:
0x4c4: {  	_ = 	snop;
	(pc) =	sbr.rel @p0 .LBB2_1-.Ltmp16, $3  }
0x4c5: {  	_ =	sdelay $0x1  }
0x4c6: {  	[sflag:s13] =	ssyncset.done $0x0  }
0x4c7: {  	[sflag:s13] =	ssyncadd.s32 $0xFFFFC000  }
0x4c8: {  	_ =	sfence.sel $0x180000  }
0x4c9: {  	[bflag:$0x0] =	sbarrier.arrive $0xFFFF  }
0x4ca: {  	_ =	strace $0x90000047  }
0x4cb: {  	s0 =	stileid.u32;
	[bflag:$0x2] =	sbarrier.arrive $0xFFFF  }
0x4cc: {  	p0 =	sne.s32 s0, $0x0;
	s0 =	rddreg [dreg:$0x4]  }
0x4cd: {  	s0 =	sadd.s32 @!p0 $0x100000, s0  }
0x4ce: {  	[sflag:s0] =	ssyncadd.tile.s32 @!p0 $0x1;
	_ =	shalt  }
.Lfunc_end2:
_tile_overlayer_lowered:
.L_overlay_start_2:
0x4cf: {  	(tag) =	ssettag $0x2  }
0x4d0: {  	s0 =	rddreg [dreg:$0x0];
	s2 =	stileid.u32  }
0x4d1: {  	s1 =	rddreg [dreg:$0x1];
	p0 =	sne.s32 s2, $0x0  }
0x4d2: {  	s3 =	rddreg [dreg:$0x2];
	[bflag:$0x3] =	sbarrier.arrive $0xFFFF;
	s2 =	simm.s32 @!p0 $0x1C06  }
0x4d3: {  	[timem:s3], [sflag:s2] =	dma.local @!p0 [hbm:s0], s1  }
0x4d4: {  	s0 =	simm.s32 @!p0 $0x6  }
0x4d5: {  	_ =	swait.ge @!p0 [sflag:s0], s1  }
0x4d6: {  	s1 =	ssub.s32 @!p0 $0x0, s1;
	[sflag:s0] =	ssyncset.done @!p0 $0x0  }
0x4d7: {  	[sflag:s0] =	ssyncadd.s32 @!p0 s1  }
0x4d8: {  	[bflag:$0x3] =	sbarrier.arrive $0xFFFF  }
0x4d9: {  	_ =	shalt  }

</sc_bundles>
